<compile_context>
chip_gen: v7x
topology: tpu7x:2x2x1
jax: 0.10.2.dev20260603
libtpu: 0.0.44.dev20260713+nightly
codegen_flags: <defaults>
</compile_context>

<pallas_src>
import jax
import jax.numpy as jnp
from jax import lax
from jax.experimental import pallas as pl
from jax.experimental.pallas import tpu as pltpu
from jax.experimental.pallas import tpu_sc as plsc

NC = 2
NS = 16
L = 16
NW = NC * NS

E = 320000
D = 128
EPW = E // NW
CH = 112
NFULL = EPW // CH
TAIL_OFF = EPW - CH
NCHUNK = NFULL + 1
SW = 129


def _body(x_hbm, src_hbm, dst_hbm, out_hbm,
          sidx_v, didx_v, out_v, rv0, rv1, rv2, tr_v,
          sem0, sem1, sem2):
  wid = lax.axis_index("s") * NC + lax.axis_index("c")
  base = wid * EPW
  rows0 = lax.broadcasted_iota(jnp.int32, (L,), 0)

  pltpu.sync_copy(src_hbm.at[pl.ds(base, EPW)], sidx_v)
  pltpu.sync_copy(dst_hbm.at[pl.ds(base, EPW)], didx_v)

  def fire(off, rv, sem):
    pltpu.async_copy(x_hbm.at[sidx_v.at[pl.ds(off, CH)]], rv.at[pl.ds(0, CH)], sem)
    pltpu.async_copy(x_hbm.at[didx_v.at[pl.ds(off, CH)]], rv.at[pl.ds(CH, CH)], sem)

  def wait(rv, sem):
    pltpu.make_async_copy(x_hbm.at[pl.ds(0, 2 * CH)], rv, sem).wait()

  colbase = rows0 * SW

  def compute(off, rv):
    def edge_body(e, carry):
      acc = jnp.zeros((L,), jnp.float32)
      for k in range(D // L):
        s = rv[e, pl.ds(k * L, L)]
        d = rv[CH + e, pl.ds(k * L, L)]
        acc = acc + s * d
      plsc.store_scatter(tr_v, [colbase + e], acc)
      return carry
    lax.fori_loop(0, CH, edge_body, 0, unroll=False)

    for cg in range(CH // L):
      tot = jnp.zeros((L,), jnp.float32)
      for k in range(L):
        tot = tot + plsc.load_gather(tr_v, [jnp.full((L,), k * SW + cg * L, jnp.int32) + rows0])
      out_v[pl.ds(off + cg * L, L)] = tot

  bufs = ((rv0, sem0), (rv1, sem1), (rv2, sem2))

  def off(c):
    return jnp.minimum(c * CH, TAIL_OFF)

  for i in range(3):
    fire(off(i), *bufs[i])

  def ring_body(t, carry):
    for i in range(3):
      c = 3 * t + i

      @pl.when(c < NCHUNK)
      def _do(i=i, c=c):
        wait(*bufs[i])
        compute(off(c), bufs[i][0])

        @pl.when(c + 3 < NCHUNK)
        def _refire():
          fire(off(c + 3), *bufs[i])
    return carry

  lax.fori_loop(0, (NCHUNK + 2) // 3, ring_body, 0, unroll=False)

  pltpu.sync_copy(out_v, out_hbm.at[pl.ds(base, EPW)])


@jax.jit
def kernel(x, edge_index):
  mesh = plsc.VectorSubcoreMesh(core_axis_name="c", subcore_axis_name="s")
  k = pl.kernel(
      _body,
      out_type=jax.ShapeDtypeStruct((E,), jnp.float32),
      mesh=mesh,
      compiler_params=pltpu.CompilerParams(needs_layout_passes=False),
      scratch_types=[
          pltpu.VMEM((EPW,), jnp.int32),
          pltpu.VMEM((EPW,), jnp.int32),
          pltpu.VMEM((EPW,), jnp.float32),
          pltpu.VMEM((2 * CH, D), jnp.float32),
          pltpu.VMEM((2 * CH, D), jnp.float32),
          pltpu.VMEM((2 * CH, D), jnp.float32),
          pltpu.VMEM((L * SW,), jnp.float32),
          pltpu.SemaphoreType.DMA,
          pltpu.SemaphoreType.DMA,
          pltpu.SemaphoreType.DMA,
      ],
  )
  return k(x, edge_index[0], edge_index[1])

# --- scband reference (transcript-rebuilt; emitter-appended) ---
"""Pipeline reference for scband-sheaf-edge-decoder-66864050864372 (READ-ONLY COPY).

The authoritative reference and input builder live on the scoring server;
editing this copy changes nothing except your own understanding.
"""

import jax, jax.numpy as jnp
import numpy as np


def setup_inputs(seed: int = 0) -> dict:
    key = jax.random.key(seed)
    k1, k2 = jax.random.split(key)
    x = jax.random.normal(k1, (10000, 128), dtype=jnp.float32)
    edge_index = jax.random.randint(k2, (2, 320000), 0, 10000, dtype=jnp.int64 if jax.config.jax_enable_x64 else jnp.int32).astype(jnp.int32)
    return {"x": x, "edge_index": edge_index}


def reference(x, edge_index):
    # h_src = x[edge_index[0]]; h_dest = x[edge_index[1]]
    h_src = jnp.take(x, edge_index[0], axis=0)    # [E, d]
    h_dest = jnp.take(x, edge_index[1], axis=0)   # [E, d]
    # bmm of [E,1,d] @ [E,d,1] -> [E,1,1] -> squeeze -> [E]
    out = jnp.sum(h_src * h_dest, axis=-1)
    return out

if __name__ == "__main__":
    import jax
    _d = setup_inputs()
    print(jax.jit(kernel)(*tuple(_d.values())))

</pallas_src>

<mosaic_0001>
#map = affine_map<(d0, d1) -> (0, 0)>
#map1 = affine_map<(d0, d1) -> (0)>
module attributes {stable_mosaic.version = 14 : i64} {
  func.func @_body(%arg0: i32, %arg1: i32, %arg2: memref<10000x128xf32, #tpu.memory_space<hbm>>, %arg3: memref<320000xi32, #tpu.memory_space<hbm>>, %arg4: memref<320000xi32, #tpu.memory_space<hbm>>, %arg5: memref<320000xf32, #tpu.memory_space<hbm>>, %arg6: memref<10000xi32, #tpu.memory_space<vmem>>, %arg7: memref<10000xi32, #tpu.memory_space<vmem>>, %arg8: memref<10000xf32, #tpu.memory_space<vmem>>, %arg9: memref<224x128xf32, #tpu.memory_space<vmem>>, %arg10: memref<224x128xf32, #tpu.memory_space<vmem>>, %arg11: memref<224x128xf32, #tpu.memory_space<vmem>>, %arg12: memref<2064xf32, #tpu.memory_space<vmem>>, %arg13: memref<!tpu.dma_semaphore, #tpu.memory_space<semaphore_mem>>, %arg14: memref<!tpu.dma_semaphore, #tpu.memory_space<semaphore_mem>>, %arg15: memref<!tpu.dma_semaphore, #tpu.memory_space<semaphore_mem>>) attributes {dimension_semantics = [#tpu.dimension_semantics<core_parallel>, #tpu.dimension_semantics<subcore_parallel>], iteration_bounds = array<i64: 2, 16>, scalar_prefetch = 0 : i64, scratch_operands = 10 : i64, tpu.core_type = #tpu.core_type<sc_vector_subcore>, window_params = [{transform_indices = #map}, {transform_indices = #map1}, {transform_indices = #map1}, {transform_indices = #map1}]} {
    %mul3A = arith.constant 2 : i32
    %mul3A_0 = arith.muli %arg1, %mul3A : i32
    %add3A = arith.addi %mul3A_0, %arg0 : i32
    %mul3A_1 = arith.constant 10000 : i32
    %mul3A_2 = arith.muli %add3A, %mul3A_1 : i32
    %iota3A = tpu.iota {dimensions = array<i32: 0>} : vector<16xi32>
    "tpu.region"() ({
      %run_scoped3A = tpu.sem_alloc : memref<!tpu.dma_semaphore, #tpu.memory_space<semaphore_mem>>
      %dma_start3A_60 = tpu.memref_slice %arg3[%mul3A_2] : memref<320000xi32, #tpu.memory_space<hbm>> -> memref<10000xi32, #tpu.memory_space<hbm>>
      %dma_start3A_61 = tpu.memref_slice %arg3[%mul3A_2] : memref<320000xi32, #tpu.memory_space<hbm>> -> memref<10000xi32, #tpu.memory_space<hbm>>
      tpu.enqueue_dma source(%dma_start3A_61 : memref<10000xi32, #tpu.memory_space<hbm>>) target(%arg6 : memref<10000xi32, #tpu.memory_space<vmem>>) target_semaphore(%run_scoped3A : memref<!tpu.dma_semaphore, #tpu.memory_space<semaphore_mem>>)
      %dma_wait3A = tpu.memref_slice %arg3[%mul3A_2] : memref<320000xi32, #tpu.memory_space<hbm>> -> memref<10000xi32, #tpu.memory_space<hbm>>
      %dma_wait3A_62 = tpu.memref_slice %arg3[%mul3A_2] : memref<320000xi32, #tpu.memory_space<hbm>> -> memref<10000xi32, #tpu.memory_space<hbm>>
      tpu.wait_dma2 semaphore(%run_scoped3A : memref<!tpu.dma_semaphore, #tpu.memory_space<semaphore_mem>>) src(%dma_wait3A_62 : memref<10000xi32, #tpu.memory_space<hbm>>) dst(%arg6 : memref<10000xi32, #tpu.memory_space<vmem>>)
      tpu.yield
    }) : () -> ()
    "tpu.region"() ({
      %run_scoped3A = tpu.sem_alloc : memref<!tpu.dma_semaphore, #tpu.memory_space<semaphore_mem>>
      %dma_start3A_60 = tpu.memref_slice %arg4[%mul3A_2] : memref<320000xi32, #tpu.memory_space<hbm>> -> memref<10000xi32, #tpu.memory_space<hbm>>
      %dma_start3A_61 = tpu.memref_slice %arg4[%mul3A_2] : memref<320000xi32, #tpu.memory_space<hbm>> -> memref<10000xi32, #tpu.memory_space<hbm>>
      tpu.enqueue_dma source(%dma_start3A_61 : memref<10000xi32, #tpu.memory_space<hbm>>) target(%arg7 : memref<10000xi32, #tpu.memory_space<vmem>>) target_semaphore(%run_scoped3A : memref<!tpu.dma_semaphore, #tpu.memory_space<semaphore_mem>>)
      %dma_wait3A = tpu.memref_slice %arg4[%mul3A_2] : memref<320000xi32, #tpu.memory_space<hbm>> -> memref<10000xi32, #tpu.memory_space<hbm>>
      %dma_wait3A_62 = tpu.memref_slice %arg4[%mul3A_2] : memref<320000xi32, #tpu.memory_space<hbm>> -> memref<10000xi32, #tpu.memory_space<hbm>>
      tpu.wait_dma2 semaphore(%run_scoped3A : memref<!tpu.dma_semaphore, #tpu.memory_space<semaphore_mem>>) src(%dma_wait3A_62 : memref<10000xi32, #tpu.memory_space<hbm>>) dst(%arg7 : memref<10000xi32, #tpu.memory_space<vmem>>)
      tpu.yield
    }) : () -> ()
    %mul3A_3 = arith.constant 129 : i32
    %mul3A_4 = vector.broadcast %mul3A_3 : i32 to vector<16xi32>
    %mul3A_5 = arith.muli %iota3A, %mul3A_4 : vector<16xi32>
    %min3A = arith.constant 0 : i32
    %min3A_6 = arith.constant 9888 : i32
    %min3A_7 = arith.minsi %min3A, %min3A_6 : i32
    %dma_start3A = arith.constant 0 : i32
    %dma_start3A_8 = arith.constant 0 : i32
    %dma_start3A_9 = tpu.memref_slice %arg9[%dma_start3A, %dma_start3A_8] : memref<224x128xf32, #tpu.memory_space<vmem>> -> memref<112x128xf32, #tpu.memory_space<vmem>>
    %dma_start3A_10 = tpu.memref_slice %arg6[%min3A_7] : memref<10000xi32, #tpu.memory_space<vmem>> -> memref<112xi32, #tpu.memory_space<vmem>>
    %dma_start3A_11 = arith.constant 0 : i32
    %dma_start3A_12 = arith.constant 0 : i32
    %dma_start3A_13 = tpu.memref_slice %arg2[%dma_start3A_11, %dma_start3A_12] : memref<10000x128xf32, #tpu.memory_space<hbm>> -> memref<10000x128xf32, #tpu.memory_space<hbm>>
    tpu.enqueue_indirect_dma source(%dma_start3A_13 : memref<10000x128xf32, #tpu.memory_space<hbm>>) target(%dma_start3A_9 : memref<112x128xf32, #tpu.memory_space<vmem>>) offsets(%dma_start3A_10 : memref<112xi32, #tpu.memory_space<vmem>>) semaphore(%arg13 : memref<!tpu.dma_semaphore, #tpu.memory_space<semaphore_mem>>)
    %dma_start3A_14 = arith.constant 112 : i32
    %dma_start3A_15 = arith.constant 0 : i32
    %dma_start3A_16 = tpu.memref_slice %arg9[%dma_start3A_14, %dma_start3A_15] : memref<224x128xf32, #tpu.memory_space<vmem>> -> memref<112x128xf32, #tpu.memory_space<vmem>>
    %dma_start3A_17 = tpu.memref_slice %arg7[%min3A_7] : memref<10000xi32, #tpu.memory_space<vmem>> -> memref<112xi32, #tpu.memory_space<vmem>>
    %dma_start3A_18 = arith.constant 0 : i32
    %dma_start3A_19 = arith.constant 0 : i32
    %dma_start3A_20 = tpu.memref_slice %arg2[%dma_start3A_18, %dma_start3A_19] : memref<10000x128xf32, #tpu.memory_space<hbm>> -> memref<10000x128xf32, #tpu.memory_space<hbm>>
    tpu.enqueue_indirect_dma source(%dma_start3A_20 : memref<10000x128xf32, #tpu.memory_space<hbm>>) target(%dma_start3A_16 : memref<112x128xf32, #tpu.memory_space<vmem>>) offsets(%dma_start3A_17 : memref<112xi32, #tpu.memory_space<vmem>>) semaphore(%arg13 : memref<!tpu.dma_semaphore, #tpu.memory_space<semaphore_mem>>)
    %min3A_21 = arith.constant 112 : i32
    %min3A_22 = arith.constant 9888 : i32
    %min3A_23 = arith.minsi %min3A_21, %min3A_22 : i32
    %dma_start3A_24 = arith.constant 0 : i32
    %dma_start3A_25 = arith.constant 0 : i32
    %dma_start3A_26 = tpu.memref_slice %arg10[%dma_start3A_24, %dma_start3A_25] : memref<224x128xf32, #tpu.memory_space<vmem>> -> memref<112x128xf32, #tpu.memory_space<vmem>>
    %dma_start3A_27 = tpu.memref_slice %arg6[%min3A_23] : memref<10000xi32, #tpu.memory_space<vmem>> -> memref<112xi32, #tpu.memory_space<vmem>>
    %dma_start3A_28 = arith.constant 0 : i32
    %dma_start3A_29 = arith.constant 0 : i32
    %dma_start3A_30 = tpu.memref_slice %arg2[%dma_start3A_28, %dma_start3A_29] : memref<10000x128xf32, #tpu.memory_space<hbm>> -> memref<10000x128xf32, #tpu.memory_space<hbm>>
    tpu.enqueue_indirect_dma source(%dma_start3A_30 : memref<10000x128xf32, #tpu.memory_space<hbm>>) target(%dma_start3A_26 : memref<112x128xf32, #tpu.memory_space<vmem>>) offsets(%dma_start3A_27 : memref<112xi32, #tpu.memory_space<vmem>>) semaphore(%arg14 : memref<!tpu.dma_semaphore, #tpu.memory_space<semaphore_mem>>)
    %dma_start3A_31 = arith.constant 112 : i32
    %dma_start3A_32 = arith.constant 0 : i32
    %dma_start3A_33 = tpu.memref_slice %arg10[%dma_start3A_31, %dma_start3A_32] : memref<224x128xf32, #tpu.memory_space<vmem>> -> memref<112x128xf32, #tpu.memory_space<vmem>>
    %dma_start3A_34 = tpu.memref_slice %arg7[%min3A_23] : memref<10000xi32, #tpu.memory_space<vmem>> -> memref<112xi32, #tpu.memory_space<vmem>>
    %dma_start3A_35 = arith.constant 0 : i32
    %dma_start3A_36 = arith.constant 0 : i32
    %dma_start3A_37 = tpu.memref_slice %arg2[%dma_start3A_35, %dma_start3A_36] : memref<10000x128xf32, #tpu.memory_space<hbm>> -> memref<10000x128xf32, #tpu.memory_space<hbm>>
    tpu.enqueue_indirect_dma source(%dma_start3A_37 : memref<10000x128xf32, #tpu.memory_space<hbm>>) target(%dma_start3A_33 : memref<112x128xf32, #tpu.memory_space<vmem>>) offsets(%dma_start3A_34 : memref<112xi32, #tpu.memory_space<vmem>>) semaphore(%arg14 : memref<!tpu.dma_semaphore, #tpu.memory_space<semaphore_mem>>)
    %min3A_38 = arith.constant 224 : i32
    %min3A_39 = arith.constant 9888 : i32
    %min3A_40 = arith.minsi %min3A_38, %min3A_39 : i32
    %dma_start3A_41 = arith.constant 0 : i32
    %dma_start3A_42 = arith.constant 0 : i32
    %dma_start3A_43 = tpu.memref_slice %arg11[%dma_start3A_41, %dma_start3A_42] : memref<224x128xf32, #tpu.memory_space<vmem>> -> memref<112x128xf32, #tpu.memory_space<vmem>>
    %dma_start3A_44 = tpu.memref_slice %arg6[%min3A_40] : memref<10000xi32, #tpu.memory_space<vmem>> -> memref<112xi32, #tpu.memory_space<vmem>>
    %dma_start3A_45 = arith.constant 0 : i32
    %dma_start3A_46 = arith.constant 0 : i32
    %dma_start3A_47 = tpu.memref_slice %arg2[%dma_start3A_45, %dma_start3A_46] : memref<10000x128xf32, #tpu.memory_space<hbm>> -> memref<10000x128xf32, #tpu.memory_space<hbm>>
    tpu.enqueue_indirect_dma source(%dma_start3A_47 : memref<10000x128xf32, #tpu.memory_space<hbm>>) target(%dma_start3A_43 : memref<112x128xf32, #tpu.memory_space<vmem>>) offsets(%dma_start3A_44 : memref<112xi32, #tpu.memory_space<vmem>>) semaphore(%arg15 : memref<!tpu.dma_semaphore, #tpu.memory_space<semaphore_mem>>)
    %dma_start3A_48 = arith.constant 112 : i32
    %dma_start3A_49 = arith.constant 0 : i32
    %dma_start3A_50 = tpu.memref_slice %arg11[%dma_start3A_48, %dma_start3A_49] : memref<224x128xf32, #tpu.memory_space<vmem>> -> memref<112x128xf32, #tpu.memory_space<vmem>>
    %dma_start3A_51 = tpu.memref_slice %arg7[%min3A_40] : memref<10000xi32, #tpu.memory_space<vmem>> -> memref<112xi32, #tpu.memory_space<vmem>>
    %dma_start3A_52 = arith.constant 0 : i32
    %dma_start3A_53 = arith.constant 0 : i32
    %dma_start3A_54 = tpu.memref_slice %arg2[%dma_start3A_52, %dma_start3A_53] : memref<10000x128xf32, #tpu.memory_space<hbm>> -> memref<10000x128xf32, #tpu.memory_space<hbm>>
    tpu.enqueue_indirect_dma source(%dma_start3A_54 : memref<10000x128xf32, #tpu.memory_space<hbm>>) target(%dma_start3A_50 : memref<112x128xf32, #tpu.memory_space<vmem>>) offsets(%dma_start3A_51 : memref<112xi32, #tpu.memory_space<vmem>>) semaphore(%arg15 : memref<!tpu.dma_semaphore, #tpu.memory_space<semaphore_mem>>)
    %scan3A = arith.constant 0 : i32
    %scan3A_55 = arith.constant 0 : i32
    %scan3A_56 = arith.constant 30 : i32
    %scan3A_57 = arith.addi %scan3A_55, %scan3A_56 : i32
    %scan3A_58 = arith.constant 1 : i32
    scf.for %scan3A_60 = %scan3A_55 to %scan3A_57 step %scan3A_58  : i32 {
      %mul3A_61 = arith.constant 3 : i32
      %mul3A_62 = arith.muli %mul3A_61, %scan3A_60 : i32
      %add3A_63 = arith.constant 0 : i32
      %add3A_64 = arith.addi %mul3A_62, %add3A_63 : i32
      %lt3A = arith.constant 90 : i32
      %lt3A_65 = arith.cmpi slt, %add3A_64, %lt3A : i32
      %convert_element_type3A = arith.extui %lt3A_65 : i1 to i32
      %cond3A = arith.constant 0 : i32
      %cond3A_66 = arith.cmpi ne, %convert_element_type3A, %cond3A : i32
      scf.if %cond3A_66 {
        %dma_wait3A = arith.constant 0 : i32
        %dma_wait3A_85 = arith.constant 0 : i32
        %dma_wait3A_86 = tpu.memref_slice %arg2[%dma_wait3A, %dma_wait3A_85] : memref<10000x128xf32, #tpu.memory_space<hbm>> -> memref<224x128xf32, #tpu.memory_space<hbm>>
        %dma_wait3A_87 = arith.constant 0 : i32
        %dma_wait3A_88 = arith.constant 0 : i32
        %dma_wait3A_89 = tpu.memref_slice %arg2[%dma_wait3A_87, %dma_wait3A_88] : memref<10000x128xf32, #tpu.memory_space<hbm>> -> memref<224x128xf32, #tpu.memory_space<hbm>>
        tpu.wait_dma2 semaphore(%arg13 : memref<!tpu.dma_semaphore, #tpu.memory_space<semaphore_mem>>) src(%dma_wait3A_89 : memref<224x128xf32, #tpu.memory_space<hbm>>) dst(%arg9 : memref<224x128xf32, #tpu.memory_space<vmem>>)
        %mul3A_90 = arith.constant 112 : i32
        %mul3A_91 = arith.muli %add3A_64, %mul3A_90 : i32
        %min3A_92 = arith.constant 9888 : i32
        %min3A_93 = arith.minsi %mul3A_91, %min3A_92 : i32
        %scan3A_94 = arith.constant 0 : i32
        %scan3A_95 = arith.constant 0 : i32
        %scan3A_96 = arith.constant 112 : i32
        %scan3A_97 = arith.addi %scan3A_95, %scan3A_96 : i32
        %scan3A_98 = arith.constant 1 : i32
        scf.for %scan3A_706 = %scan3A_95 to %scan3A_97 step %scan3A_98  : i32 {
          %broadcast_in_dim3A_707 = arith.constant 0.000000e+00 : f32
          %broadcast_in_dim3A_708 = vector.broadcast %broadcast_in_dim3A_707 : f32 to vector<16xf32>
          %get3A = arith.index_cast %scan3A_706 : i32 to index
          %get3A_709 = arith.constant 0 : index
          %get3A_710 = tpu.vector_load %arg9[%get3A, %get3A_709] {strides = array<i32>} : memref<224x128xf32, #tpu.memory_space<vmem>>, vector<16xf32>,
          %add3A_711 = arith.constant 112 : i32
          %add3A_712 = arith.addi %add3A_711, %scan3A_706 : i32
          %get3A_713 = arith.index_cast %add3A_712 : i32 to index
          %get3A_714 = arith.constant 0 : index
          %get3A_715 = tpu.vector_load %arg9[%get3A_713, %get3A_714] {strides = array<i32>} : memref<224x128xf32, #tpu.memory_space<vmem>>, vector<16xf32>,
          %mul3A_716 = arith.mulf %get3A_710, %get3A_715 : vector<16xf32>
          %add3A_717 = arith.addf %broadcast_in_dim3A_708, %mul3A_716 : vector<16xf32>
          %get3A_718 = arith.index_cast %scan3A_706 : i32 to index
          %get3A_719 = arith.constant 16 : index
          %get3A_720 = tpu.vector_load %arg9[%get3A_718, %get3A_719] {strides = array<i32>} : memref<224x128xf32, #tpu.memory_space<vmem>>, vector<16xf32>,
          %add3A_721 = arith.constant 112 : i32
          %add3A_722 = arith.addi %add3A_721, %scan3A_706 : i32
          %get3A_723 = arith.index_cast %add3A_722 : i32 to index
          %get3A_724 = arith.constant 16 : index
          %get3A_725 = tpu.vector_load %arg9[%get3A_723, %get3A_724] {strides = array<i32>} : memref<224x128xf32, #tpu.memory_space<vmem>>, vector<16xf32>,
          %mul3A_726 = arith.mulf %get3A_720, %get3A_725 : vector<16xf32>
          %add3A_727 = arith.addf %add3A_717, %mul3A_726 : vector<16xf32>
          %get3A_728 = arith.index_cast %scan3A_706 : i32 to index
          %get3A_729 = arith.constant 32 : index
          %get3A_730 = tpu.vector_load %arg9[%get3A_728, %get3A_729] {strides = array<i32>} : memref<224x128xf32, #tpu.memory_space<vmem>>, vector<16xf32>,
          %add3A_731 = arith.constant 112 : i32
          %add3A_732 = arith.addi %add3A_731, %scan3A_706 : i32
          %get3A_733 = arith.index_cast %add3A_732 : i32 to index
          %get3A_734 = arith.constant 32 : index
          %get3A_735 = tpu.vector_load %arg9[%get3A_733, %get3A_734] {strides = array<i32>} : memref<224x128xf32, #tpu.memory_space<vmem>>, vector<16xf32>,
          %mul3A_736 = arith.mulf %get3A_730, %get3A_735 : vector<16xf32>
          %add3A_737 = arith.addf %add3A_727, %mul3A_736 : vector<16xf32>
          %get3A_738 = arith.index_cast %scan3A_706 : i32 to index
          %get3A_739 = arith.constant 48 : index
          %get3A_740 = tpu.vector_load %arg9[%get3A_738, %get3A_739] {strides = array<i32>} : memref<224x128xf32, #tpu.memory_space<vmem>>, vector<16xf32>,
          %add3A_741 = arith.constant 112 : i32
          %add3A_742 = arith.addi %add3A_741, %scan3A_706 : i32
          %get3A_743 = arith.index_cast %add3A_742 : i32 to index
          %get3A_744 = arith.constant 48 : index
          %get3A_745 = tpu.vector_load %arg9[%get3A_743, %get3A_744] {strides = array<i32>} : memref<224x128xf32, #tpu.memory_space<vmem>>, vector<16xf32>,
          %mul3A_746 = arith.mulf %get3A_740, %get3A_745 : vector<16xf32>
          %add3A_747 = arith.addf %add3A_737, %mul3A_746 : vector<16xf32>
          %get3A_748 = arith.index_cast %scan3A_706 : i32 to index
          %get3A_749 = arith.constant 64 : index
          %get3A_750 = tpu.vector_load %arg9[%get3A_748, %get3A_749] {strides = array<i32>} : memref<224x128xf32, #tpu.memory_space<vmem>>, vector<16xf32>,
          %add3A_751 = arith.constant 112 : i32
          %add3A_752 = arith.addi %add3A_751, %scan3A_706 : i32
          %get3A_753 = arith.index_cast %add3A_752 : i32 to index
          %get3A_754 = arith.constant 64 : index
          %get3A_755 = tpu.vector_load %arg9[%get3A_753, %get3A_754] {strides = array<i32>} : memref<224x128xf32, #tpu.memory_space<vmem>>, vector<16xf32>,
          %mul3A_756 = arith.mulf %get3A_750, %get3A_755 : vector<16xf32>
          %add3A_757 = arith.addf %add3A_747, %mul3A_756 : vector<16xf32>
          %get3A_758 = arith.index_cast %scan3A_706 : i32 to index
          %get3A_759 = arith.constant 80 : index
          %get3A_760 = tpu.vector_load %arg9[%get3A_758, %get3A_759] {strides = array<i32>} : memref<224x128xf32, #tpu.memory_space<vmem>>, vector<16xf32>,
          %add3A_761 = arith.constant 112 : i32
          %add3A_762 = arith.addi %add3A_761, %scan3A_706 : i32
          %get3A_763 = arith.index_cast %add3A_762 : i32 to index
          %get3A_764 = arith.constant 80 : index
          %get3A_765 = tpu.vector_load %arg9[%get3A_763, %get3A_764] {strides = array<i32>} : memref<224x128xf32, #tpu.memory_space<vmem>>, vector<16xf32>,
          %mul3A_766 = arith.mulf %get3A_760, %get3A_765 : vector<16xf32>
          %add3A_767 = arith.addf %add3A_757, %mul3A_766 : vector<16xf32>
          %get3A_768 = arith.index_cast %scan3A_706 : i32 to index
          %get3A_769 = arith.constant 96 : index
          %get3A_770 = tpu.vector_load %arg9[%get3A_768, %get3A_769] {strides = array<i32>} : memref<224x128xf32, #tpu.memory_space<vmem>>, vector<16xf32>,
          %add3A_771 = arith.constant 112 : i32
          %add3A_772 = arith.addi %add3A_771, %scan3A_706 : i32
          %get3A_773 = arith.index_cast %add3A_772 : i32 to index
          %get3A_774 = arith.constant 96 : index
          %get3A_775 = tpu.vector_load %arg9[%get3A_773, %get3A_774] {strides = array<i32>} : memref<224x128xf32, #tpu.memory_space<vmem>>, vector<16xf32>,
          %mul3A_776 = arith.mulf %get3A_770, %get3A_775 : vector<16xf32>
          %add3A_777 = arith.addf %add3A_767, %mul3A_776 : vector<16xf32>
          %get3A_778 = arith.index_cast %scan3A_706 : i32 to index
          %get3A_779 = arith.constant 112 : index
          %get3A_780 = tpu.vector_load %arg9[%get3A_778, %get3A_779] {strides = array<i32>} : memref<224x128xf32, #tpu.memory_space<vmem>>, vector<16xf32>,
          %add3A_781 = arith.constant 112 : i32
          %add3A_782 = arith.addi %add3A_781, %scan3A_706 : i32
          %get3A_783 = arith.index_cast %add3A_782 : i32 to index
          %get3A_784 = arith.constant 112 : index
          %get3A_785 = tpu.vector_load %arg9[%get3A_783, %get3A_784] {strides = array<i32>} : memref<224x128xf32, #tpu.memory_space<vmem>>, vector<16xf32>,
          %mul3A_786 = arith.mulf %get3A_780, %get3A_785 : vector<16xf32>
          %add3A_787 = arith.addf %add3A_777, %mul3A_786 : vector<16xf32>
          %add3A_788 = vector.broadcast %scan3A_706 : i32 to vector<16xi32>
          %add3A_789 = arith.addi %mul3A_5, %add3A_788 : vector<16xi32>
          tpu.vector_store_idx %arg12[%add3A_789], %add3A_787 : memref<2064xf32, #tpu.memory_space<vmem>>[vector<16xi32>], vector<16xf32>,
        }
        %scan3A_99 = arith.constant 112 : i32
        %broadcast_in_dim3A = arith.constant 0.000000e+00 : f32
        %broadcast_in_dim3A_100 = vector.broadcast %broadcast_in_dim3A : f32 to vector<16xf32>
        %broadcast_in_dim3A_101 = arith.constant 0 : i32
        %broadcast_in_dim3A_102 = vector.broadcast %broadcast_in_dim3A_101 : i32 to vector<16xi32>
        %add3A_103 = arith.addi %broadcast_in_dim3A_102, %iota3A : vector<16xi32>
        %gather3A = tpu.vector_load_idx %arg12[%add3A_103] : memref<2064xf32, #tpu.memory_space<vmem>>[vector<16xi32>], vector<16xf32>,
        %add3A_104 = arith.addf %broadcast_in_dim3A_100, %gather3A : vector<16xf32>
        %broadcast_in_dim3A_105 = arith.constant 129 : i32
        %broadcast_in_dim3A_106 = vector.broadcast %broadcast_in_dim3A_105 : i32 to vector<16xi32>
        %add3A_107 = arith.addi %broadcast_in_dim3A_106, %iota3A : vector<16xi32>
        %gather3A_108 = tpu.vector_load_idx %arg12[%add3A_107] : memref<2064xf32, #tpu.memory_space<vmem>>[vector<16xi32>], vector<16xf32>,
        %add3A_109 = arith.addf %add3A_104, %gather3A_108 : vector<16xf32>
        %broadcast_in_dim3A_110 = arith.constant 258 : i32
        %broadcast_in_dim3A_111 = vector.broadcast %broadcast_in_dim3A_110 : i32 to vector<16xi32>
        %add3A_112 = arith.addi %broadcast_in_dim3A_111, %iota3A : vector<16xi32>
        %gather3A_113 = tpu.vector_load_idx %arg12[%add3A_112] : memref<2064xf32, #tpu.memory_space<vmem>>[vector<16xi32>], vector<16xf32>,
        %add3A_114 = arith.addf %add3A_109, %gather3A_113 : vector<16xf32>
        %broadcast_in_dim3A_115 = arith.constant 387 : i32
        %broadcast_in_dim3A_116 = vector.broadcast %broadcast_in_dim3A_115 : i32 to vector<16xi32>
        %add3A_117 = arith.addi %broadcast_in_dim3A_116, %iota3A : vector<16xi32>
        %gather3A_118 = tpu.vector_load_idx %arg12[%add3A_117] : memref<2064xf32, #tpu.memory_space<vmem>>[vector<16xi32>], vector<16xf32>,
        %add3A_119 = arith.addf %add3A_114, %gather3A_118 : vector<16xf32>
        %broadcast_in_dim3A_120 = arith.constant 516 : i32
        %broadcast_in_dim3A_121 = vector.broadcast %broadcast_in_dim3A_120 : i32 to vector<16xi32>
        %add3A_122 = arith.addi %broadcast_in_dim3A_121, %iota3A : vector<16xi32>
        %gather3A_123 = tpu.vector_load_idx %arg12[%add3A_122] : memref<2064xf32, #tpu.memory_space<vmem>>[vector<16xi32>], vector<16xf32>,
        %add3A_124 = arith.addf %add3A_119, %gather3A_123 : vector<16xf32>
        %broadcast_in_dim3A_125 = arith.constant 645 : i32
        %broadcast_in_dim3A_126 = vector.broadcast %broadcast_in_dim3A_125 : i32 to vector<16xi32>
        %add3A_127 = arith.addi %broadcast_in_dim3A_126, %iota3A : vector<16xi32>
        %gather3A_128 = tpu.vector_load_idx %arg12[%add3A_127] : memref<2064xf32, #tpu.memory_space<vmem>>[vector<16xi32>], vector<16xf32>,
        %add3A_129 = arith.addf %add3A_124, %gather3A_128 : vector<16xf32>
        %broadcast_in_dim3A_130 = arith.constant 774 : i32
        %broadcast_in_dim3A_131 = vector.broadcast %broadcast_in_dim3A_130 : i32 to vector<16xi32>
        %add3A_132 = arith.addi %broadcast_in_dim3A_131, %iota3A : vector<16xi32>
        %gather3A_133 = tpu.vector_load_idx %arg12[%add3A_132] : memref<2064xf32, #tpu.memory_space<vmem>>[vector<16xi32>], vector<16xf32>,
        %add3A_134 = arith.addf %add3A_129, %gather3A_133 : vector<16xf32>
        %broadcast_in_dim3A_135 = arith.constant 903 : i32
        %broadcast_in_dim3A_136 = vector.broadcast %broadcast_in_dim3A_135 : i32 to vector<16xi32>
        %add3A_137 = arith.addi %broadcast_in_dim3A_136, %iota3A : vector<16xi32>
        %gather3A_138 = tpu.vector_load_idx %arg12[%add3A_137] : memref<2064xf32, #tpu.memory_space<vmem>>[vector<16xi32>], vector<16xf32>,
        %add3A_139 = arith.addf %add3A_134, %gather3A_138 : vector<16xf32>
        %broadcast_in_dim3A_140 = arith.constant 1032 : i32
        %broadcast_in_dim3A_141 = vector.broadcast %broadcast_in_dim3A_140 : i32 to vector<16xi32>
        %add3A_142 = arith.addi %broadcast_in_dim3A_141, %iota3A : vector<16xi32>
        %gather3A_143 = tpu.vector_load_idx %arg12[%add3A_142] : memref<2064xf32, #tpu.memory_space<vmem>>[vector<16xi32>], vector<16xf32>,
        %add3A_144 = arith.addf %add3A_139, %gather3A_143 : vector<16xf32>
        %broadcast_in_dim3A_145 = arith.constant 1161 : i32
        %broadcast_in_dim3A_146 = vector.broadcast %broadcast_in_dim3A_145 : i32 to vector<16xi32>
        %add3A_147 = arith.addi %broadcast_in_dim3A_146, %iota3A : vector<16xi32>
        %gather3A_148 = tpu.vector_load_idx %arg12[%add3A_147] : memref<2064xf32, #tpu.memory_space<vmem>>[vector<16xi32>], vector<16xf32>,
        %add3A_149 = arith.addf %add3A_144, %gather3A_148 : vector<16xf32>
        %broadcast_in_dim3A_150 = arith.constant 1290 : i32
        %broadcast_in_dim3A_151 = vector.broadcast %broadcast_in_dim3A_150 : i32 to vector<16xi32>
        %add3A_152 = arith.addi %broadcast_in_dim3A_151, %iota3A : vector<16xi32>
        %gather3A_153 = tpu.vector_load_idx %arg12[%add3A_152] : memref<2064xf32, #tpu.memory_space<vmem>>[vector<16xi32>], vector<16xf32>,
        %add3A_154 = arith.addf %add3A_149, %gather3A_153 : vector<16xf32>
        %broadcast_in_dim3A_155 = arith.constant 1419 : i32
        %broadcast_in_dim3A_156 = vector.broadcast %broadcast_in_dim3A_155 : i32 to vector<16xi32>
        %add3A_157 = arith.addi %broadcast_in_dim3A_156, %iota3A : vector<16xi32>
        %gather3A_158 = tpu.vector_load_idx %arg12[%add3A_157] : memref<2064xf32, #tpu.memory_space<vmem>>[vector<16xi32>], vector<16xf32>,
        %add3A_159 = arith.addf %add3A_154, %gather3A_158 : vector<16xf32>
        %broadcast_in_dim3A_160 = arith.constant 1548 : i32
        %broadcast_in_dim3A_161 = vector.broadcast %broadcast_in_dim3A_160 : i32 to vector<16xi32>
        %add3A_162 = arith.addi %broadcast_in_dim3A_161, %iota3A : vector<16xi32>
        %gather3A_163 = tpu.vector_load_idx %arg12[%add3A_162] : memref<2064xf32, #tpu.memory_space<vmem>>[vector<16xi32>], vector<16xf32>,
        %add3A_164 = arith.addf %add3A_159, %gather3A_163 : vector<16xf32>
        %broadcast_in_dim3A_165 = arith.constant 1677 : i32
        %broadcast_in_dim3A_166 = vector.broadcast %broadcast_in_dim3A_165 : i32 to vector<16xi32>
        %add3A_167 = arith.addi %broadcast_in_dim3A_166, %iota3A : vector<16xi32>
        %gather3A_168 = tpu.vector_load_idx %arg12[%add3A_167] : memref<2064xf32, #tpu.memory_space<vmem>>[vector<16xi32>], vector<16xf32>,
        %add3A_169 = arith.addf %add3A_164, %gather3A_168 : vector<16xf32>
        %broadcast_in_dim3A_170 = arith.constant 1806 : i32
        %broadcast_in_dim3A_171 = vector.broadcast %broadcast_in_dim3A_170 : i32 to vector<16xi32>
        %add3A_172 = arith.addi %broadcast_in_dim3A_171, %iota3A : vector<16xi32>
        %gather3A_173 = tpu.vector_load_idx %arg12[%add3A_172] : memref<2064xf32, #tpu.memory_space<vmem>>[vector<16xi32>], vector<16xf32>,
        %add3A_174 = arith.addf %add3A_169, %gather3A_173 : vector<16xf32>
        %broadcast_in_dim3A_175 = arith.constant 1935 : i32
        %broadcast_in_dim3A_176 = vector.broadcast %broadcast_in_dim3A_175 : i32 to vector<16xi32>
        %add3A_177 = arith.addi %broadcast_in_dim3A_176, %iota3A : vector<16xi32>
        %gather3A_178 = tpu.vector_load_idx %arg12[%add3A_177] : memref<2064xf32, #tpu.memory_space<vmem>>[vector<16xi32>], vector<16xf32>,
        %add3A_179 = arith.addf %add3A_174, %gather3A_178 : vector<16xf32>
        %add3A_180 = arith.constant 0 : i32
        %add3A_181 = arith.addi %min3A_93, %add3A_180 : i32
        %swap3A = arith.index_cast %add3A_181 : i32 to index
        %swap3A_182 = tpu.vector_load %arg8[%swap3A] {strides = array<i32>} : memref<10000xf32, #tpu.memory_space<vmem>>, vector<16xf32>,
        tpu.vector_store %arg8[%swap3A], %add3A_179 {strides = array<i32>} : memref<10000xf32, #tpu.memory_space<vmem>>, vector<16xf32>,
        %broadcast_in_dim3A_183 = arith.constant 0.000000e+00 : f32
        %broadcast_in_dim3A_184 = vector.broadcast %broadcast_in_dim3A_183 : f32 to vector<16xf32>
        %broadcast_in_dim3A_185 = arith.constant 16 : i32
        %broadcast_in_dim3A_186 = vector.broadcast %broadcast_in_dim3A_185 : i32 to vector<16xi32>
        %add3A_187 = arith.addi %broadcast_in_dim3A_186, %iota3A : vector<16xi32>
        %gather3A_188 = tpu.vector_load_idx %arg12[%add3A_187] : memref<2064xf32, #tpu.memory_space<vmem>>[vector<16xi32>], vector<16xf32>,
        %add3A_189 = arith.addf %broadcast_in_dim3A_184, %gather3A_188 : vector<16xf32>
        %broadcast_in_dim3A_190 = arith.constant 145 : i32
        %broadcast_in_dim3A_191 = vector.broadcast %broadcast_in_dim3A_190 : i32 to vector<16xi32>
        %add3A_192 = arith.addi %broadcast_in_dim3A_191, %iota3A : vector<16xi32>
        %gather3A_193 = tpu.vector_load_idx %arg12[%add3A_192] : memref<2064xf32, #tpu.memory_space<vmem>>[vector<16xi32>], vector<16xf32>,
        %add3A_194 = arith.addf %add3A_189, %gather3A_193 : vector<16xf32>
        %broadcast_in_dim3A_195 = arith.constant 274 : i32
        %broadcast_in_dim3A_196 = vector.broadcast %broadcast_in_dim3A_195 : i32 to vector<16xi32>
        %add3A_197 = arith.addi %broadcast_in_dim3A_196, %iota3A : vector<16xi32>
        %gather3A_198 = tpu.vector_load_idx %arg12[%add3A_197] : memref<2064xf32, #tpu.memory_space<vmem>>[vector<16xi32>], vector<16xf32>,
        %add3A_199 = arith.addf %add3A_194, %gather3A_198 : vector<16xf32>
        %broadcast_in_dim3A_200 = arith.constant 403 : i32
        %broadcast_in_dim3A_201 = vector.broadcast %broadcast_in_dim3A_200 : i32 to vector<16xi32>
        %add3A_202 = arith.addi %broadcast_in_dim3A_201, %iota3A : vector<16xi32>
        %gather3A_203 = tpu.vector_load_idx %arg12[%add3A_202] : memref<2064xf32, #tpu.memory_space<vmem>>[vector<16xi32>], vector<16xf32>,
        %add3A_204 = arith.addf %add3A_199, %gather3A_203 : vector<16xf32>
        %broadcast_in_dim3A_205 = arith.constant 532 : i32
        %broadcast_in_dim3A_206 = vector.broadcast %broadcast_in_dim3A_205 : i32 to vector<16xi32>
        %add3A_207 = arith.addi %broadcast_in_dim3A_206, %iota3A : vector<16xi32>
        %gather3A_208 = tpu.vector_load_idx %arg12[%add3A_207] : memref<2064xf32, #tpu.memory_space<vmem>>[vector<16xi32>], vector<16xf32>,
        %add3A_209 = arith.addf %add3A_204, %gather3A_208 : vector<16xf32>
        %broadcast_in_dim3A_210 = arith.constant 661 : i32
        %broadcast_in_dim3A_211 = vector.broadcast %broadcast_in_dim3A_210 : i32 to vector<16xi32>
        %add3A_212 = arith.addi %broadcast_in_dim3A_211, %iota3A : vector<16xi32>
        %gather3A_213 = tpu.vector_load_idx %arg12[%add3A_212] : memref<2064xf32, #tpu.memory_space<vmem>>[vector<16xi32>], vector<16xf32>,
        %add3A_214 = arith.addf %add3A_209, %gather3A_213 : vector<16xf32>
        %broadcast_in_dim3A_215 = arith.constant 790 : i32
        %broadcast_in_dim3A_216 = vector.broadcast %broadcast_in_dim3A_215 : i32 to vector<16xi32>
        %add3A_217 = arith.addi %broadcast_in_dim3A_216, %iota3A : vector<16xi32>
        %gather3A_218 = tpu.vector_load_idx %arg12[%add3A_217] : memref<2064xf32, #tpu.memory_space<vmem>>[vector<16xi32>], vector<16xf32>,
        %add3A_219 = arith.addf %add3A_214, %gather3A_218 : vector<16xf32>
        %broadcast_in_dim3A_220 = arith.constant 919 : i32
        %broadcast_in_dim3A_221 = vector.broadcast %broadcast_in_dim3A_220 : i32 to vector<16xi32>
        %add3A_222 = arith.addi %broadcast_in_dim3A_221, %iota3A : vector<16xi32>
        %gather3A_223 = tpu.vector_load_idx %arg12[%add3A_222] : memref<2064xf32, #tpu.memory_space<vmem>>[vector<16xi32>], vector<16xf32>,
        %add3A_224 = arith.addf %add3A_219, %gather3A_223 : vector<16xf32>
        %broadcast_in_dim3A_225 = arith.constant 1048 : i32
        %broadcast_in_dim3A_226 = vector.broadcast %broadcast_in_dim3A_225 : i32 to vector<16xi32>
        %add3A_227 = arith.addi %broadcast_in_dim3A_226, %iota3A : vector<16xi32>
        %gather3A_228 = tpu.vector_load_idx %arg12[%add3A_227] : memref<2064xf32, #tpu.memory_space<vmem>>[vector<16xi32>], vector<16xf32>,
        %add3A_229 = arith.addf %add3A_224, %gather3A_228 : vector<16xf32>
        %broadcast_in_dim3A_230 = arith.constant 1177 : i32
        %broadcast_in_dim3A_231 = vector.broadcast %broadcast_in_dim3A_230 : i32 to vector<16xi32>
        %add3A_232 = arith.addi %broadcast_in_dim3A_231, %iota3A : vector<16xi32>
        %gather3A_233 = tpu.vector_load_idx %arg12[%add3A_232] : memref<2064xf32, #tpu.memory_space<vmem>>[vector<16xi32>], vector<16xf32>,
        %add3A_234 = arith.addf %add3A_229, %gather3A_233 : vector<16xf32>
        %broadcast_in_dim3A_235 = arith.constant 1306 : i32
        %broadcast_in_dim3A_236 = vector.broadcast %broadcast_in_dim3A_235 : i32 to vector<16xi32>
        %add3A_237 = arith.addi %broadcast_in_dim3A_236, %iota3A : vector<16xi32>
        %gather3A_238 = tpu.vector_load_idx %arg12[%add3A_237] : memref<2064xf32, #tpu.memory_space<vmem>>[vector<16xi32>], vector<16xf32>,
        %add3A_239 = arith.addf %add3A_234, %gather3A_238 : vector<16xf32>
        %broadcast_in_dim3A_240 = arith.constant 1435 : i32
        %broadcast_in_dim3A_241 = vector.broadcast %broadcast_in_dim3A_240 : i32 to vector<16xi32>
        %add3A_242 = arith.addi %broadcast_in_dim3A_241, %iota3A : vector<16xi32>
        %gather3A_243 = tpu.vector_load_idx %arg12[%add3A_242] : memref<2064xf32, #tpu.memory_space<vmem>>[vector<16xi32>], vector<16xf32>,
        %add3A_244 = arith.addf %add3A_239, %gather3A_243 : vector<16xf32>
        %broadcast_in_dim3A_245 = arith.constant 1564 : i32
        %broadcast_in_dim3A_246 = vector.broadcast %broadcast_in_dim3A_245 : i32 to vector<16xi32>
        %add3A_247 = arith.addi %broadcast_in_dim3A_246, %iota3A : vector<16xi32>
        %gather3A_248 = tpu.vector_load_idx %arg12[%add3A_247] : memref<2064xf32, #tpu.memory_space<vmem>>[vector<16xi32>], vector<16xf32>,
        %add3A_249 = arith.addf %add3A_244, %gather3A_248 : vector<16xf32>
        %broadcast_in_dim3A_250 = arith.constant 1693 : i32
        %broadcast_in_dim3A_251 = vector.broadcast %broadcast_in_dim3A_250 : i32 to vector<16xi32>
        %add3A_252 = arith.addi %broadcast_in_dim3A_251, %iota3A : vector<16xi32>
        %gather3A_253 = tpu.vector_load_idx %arg12[%add3A_252] : memref<2064xf32, #tpu.memory_space<vmem>>[vector<16xi32>], vector<16xf32>,
        %add3A_254 = arith.addf %add3A_249, %gather3A_253 : vector<16xf32>
        %broadcast_in_dim3A_255 = arith.constant 1822 : i32
        %broadcast_in_dim3A_256 = vector.broadcast %broadcast_in_dim3A_255 : i32 to vector<16xi32>
        %add3A_257 = arith.addi %broadcast_in_dim3A_256, %iota3A : vector<16xi32>
        %gather3A_258 = tpu.vector_load_idx %arg12[%add3A_257] : memref<2064xf32, #tpu.memory_space<vmem>>[vector<16xi32>], vector<16xf32>,
        %add3A_259 = arith.addf %add3A_254, %gather3A_258 : vector<16xf32>
        %broadcast_in_dim3A_260 = arith.constant 1951 : i32
        %broadcast_in_dim3A_261 = vector.broadcast %broadcast_in_dim3A_260 : i32 to vector<16xi32>
        %add3A_262 = arith.addi %broadcast_in_dim3A_261, %iota3A : vector<16xi32>
        %gather3A_263 = tpu.vector_load_idx %arg12[%add3A_262] : memref<2064xf32, #tpu.memory_space<vmem>>[vector<16xi32>], vector<16xf32>,
        %add3A_264 = arith.addf %add3A_259, %gather3A_263 : vector<16xf32>
        %add3A_265 = arith.constant 16 : i32
        %add3A_266 = arith.addi %min3A_93, %add3A_265 : i32
        %swap3A_267 = arith.index_cast %add3A_266 : i32 to index
        %swap3A_268 = tpu.vector_load %arg8[%swap3A_267] {strides = array<i32>} : memref<10000xf32, #tpu.memory_space<vmem>>, vector<16xf32>,
        tpu.vector_store %arg8[%swap3A_267], %add3A_264 {strides = array<i32>} : memref<10000xf32, #tpu.memory_space<vmem>>, vector<16xf32>,
        %broadcast_in_dim3A_269 = arith.constant 0.000000e+00 : f32
        %broadcast_in_dim3A_270 = vector.broadcast %broadcast_in_dim3A_269 : f32 to vector<16xf32>
        %broadcast_in_dim3A_271 = arith.constant 32 : i32
        %broadcast_in_dim3A_272 = vector.broadcast %broadcast_in_dim3A_271 : i32 to vector<16xi32>
        %add3A_273 = arith.addi %broadcast_in_dim3A_272, %iota3A : vector<16xi32>
        %gather3A_274 = tpu.vector_load_idx %arg12[%add3A_273] : memref<2064xf32, #tpu.memory_space<vmem>>[vector<16xi32>], vector<16xf32>,
        %add3A_275 = arith.addf %broadcast_in_dim3A_270, %gather3A_274 : vector<16xf32>
        %broadcast_in_dim3A_276 = arith.constant 161 : i32
        %broadcast_in_dim3A_277 = vector.broadcast %broadcast_in_dim3A_276 : i32 to vector<16xi32>
        %add3A_278 = arith.addi %broadcast_in_dim3A_277, %iota3A : vector<16xi32>
        %gather3A_279 = tpu.vector_load_idx %arg12[%add3A_278] : memref<2064xf32, #tpu.memory_space<vmem>>[vector<16xi32>], vector<16xf32>,
        %add3A_280 = arith.addf %add3A_275, %gather3A_279 : vector<16xf32>
        %broadcast_in_dim3A_281 = arith.constant 290 : i32
        %broadcast_in_dim3A_282 = vector.broadcast %broadcast_in_dim3A_281 : i32 to vector<16xi32>
        %add3A_283 = arith.addi %broadcast_in_dim3A_282, %iota3A : vector<16xi32>
        %gather3A_284 = tpu.vector_load_idx %arg12[%add3A_283] : memref<2064xf32, #tpu.memory_space<vmem>>[vector<16xi32>], vector<16xf32>,
        %add3A_285 = arith.addf %add3A_280, %gather3A_284 : vector<16xf32>
        %broadcast_in_dim3A_286 = arith.constant 419 : i32
        %broadcast_in_dim3A_287 = vector.broadcast %broadcast_in_dim3A_286 : i32 to vector<16xi32>
        %add3A_288 = arith.addi %broadcast_in_dim3A_287, %iota3A : vector<16xi32>
        %gather3A_289 = tpu.vector_load_idx %arg12[%add3A_288] : memref<2064xf32, #tpu.memory_space<vmem>>[vector<16xi32>], vector<16xf32>,
        %add3A_290 = arith.addf %add3A_285, %gather3A_289 : vector<16xf32>
        %broadcast_in_dim3A_291 = arith.constant 548 : i32
        %broadcast_in_dim3A_292 = vector.broadcast %broadcast_in_dim3A_291 : i32 to vector<16xi32>
        %add3A_293 = arith.addi %broadcast_in_dim3A_292, %iota3A : vector<16xi32>
        %gather3A_294 = tpu.vector_load_idx %arg12[%add3A_293] : memref<2064xf32, #tpu.memory_space<vmem>>[vector<16xi32>], vector<16xf32>,
        %add3A_295 = arith.addf %add3A_290, %gather3A_294 : vector<16xf32>
        %broadcast_in_dim3A_296 = arith.constant 677 : i32
        %broadcast_in_dim3A_297 = vector.broadcast %broadcast_in_dim3A_296 : i32 to vector<16xi32>
        %add3A_298 = arith.addi %broadcast_in_dim3A_297, %iota3A : vector<16xi32>
        %gather3A_299 = tpu.vector_load_idx %arg12[%add3A_298] : memref<2064xf32, #tpu.memory_space<vmem>>[vector<16xi32>], vector<16xf32>,
        %add3A_300 = arith.addf %add3A_295, %gather3A_299 : vector<16xf32>
        %broadcast_in_dim3A_301 = arith.constant 806 : i32
        %broadcast_in_dim3A_302 = vector.broadcast %broadcast_in_dim3A_301 : i32 to vector<16xi32>
        %add3A_303 = arith.addi %broadcast_in_dim3A_302, %iota3A : vector<16xi32>
        %gather3A_304 = tpu.vector_load_idx %arg12[%add3A_303] : memref<2064xf32, #tpu.memory_space<vmem>>[vector<16xi32>], vector<16xf32>,
        %add3A_305 = arith.addf %add3A_300, %gather3A_304 : vector<16xf32>
        %broadcast_in_dim3A_306 = arith.constant 935 : i32
        %broadcast_in_dim3A_307 = vector.broadcast %broadcast_in_dim3A_306 : i32 to vector<16xi32>
        %add3A_308 = arith.addi %broadcast_in_dim3A_307, %iota3A : vector<16xi32>
        %gather3A_309 = tpu.vector_load_idx %arg12[%add3A_308] : memref<2064xf32, #tpu.memory_space<vmem>>[vector<16xi32>], vector<16xf32>,
        %add3A_310 = arith.addf %add3A_305, %gather3A_309 : vector<16xf32>
        %broadcast_in_dim3A_311 = arith.constant 1064 : i32
        %broadcast_in_dim3A_312 = vector.broadcast %broadcast_in_dim3A_311 : i32 to vector<16xi32>
        %add3A_313 = arith.addi %broadcast_in_dim3A_312, %iota3A : vector<16xi32>
        %gather3A_314 = tpu.vector_load_idx %arg12[%add3A_313] : memref<2064xf32, #tpu.memory_space<vmem>>[vector<16xi32>], vector<16xf32>,
        %add3A_315 = arith.addf %add3A_310, %gather3A_314 : vector<16xf32>
        %broadcast_in_dim3A_316 = arith.constant 1193 : i32
        %broadcast_in_dim3A_317 = vector.broadcast %broadcast_in_dim3A_316 : i32 to vector<16xi32>
        %add3A_318 = arith.addi %broadcast_in_dim3A_317, %iota3A : vector<16xi32>
        %gather3A_319 = tpu.vector_load_idx %arg12[%add3A_318] : memref<2064xf32, #tpu.memory_space<vmem>>[vector<16xi32>], vector<16xf32>,
        %add3A_320 = arith.addf %add3A_315, %gather3A_319 : vector<16xf32>
        %broadcast_in_dim3A_321 = arith.constant 1322 : i32
        %broadcast_in_dim3A_322 = vector.broadcast %broadcast_in_dim3A_321 : i32 to vector<16xi32>
        %add3A_323 = arith.addi %broadcast_in_dim3A_322, %iota3A : vector<16xi32>
        %gather3A_324 = tpu.vector_load_idx %arg12[%add3A_323] : memref<2064xf32, #tpu.memory_space<vmem>>[vector<16xi32>], vector<16xf32>,
        %add3A_325 = arith.addf %add3A_320, %gather3A_324 : vector<16xf32>
        %broadcast_in_dim3A_326 = arith.constant 1451 : i32
        %broadcast_in_dim3A_327 = vector.broadcast %broadcast_in_dim3A_326 : i32 to vector<16xi32>
        %add3A_328 = arith.addi %broadcast_in_dim3A_327, %iota3A : vector<16xi32>
        %gather3A_329 = tpu.vector_load_idx %arg12[%add3A_328] : memref<2064xf32, #tpu.memory_space<vmem>>[vector<16xi32>], vector<16xf32>,
        %add3A_330 = arith.addf %add3A_325, %gather3A_329 : vector<16xf32>
        %broadcast_in_dim3A_331 = arith.constant 1580 : i32
        %broadcast_in_dim3A_332 = vector.broadcast %broadcast_in_dim3A_331 : i32 to vector<16xi32>
        %add3A_333 = arith.addi %broadcast_in_dim3A_332, %iota3A : vector<16xi32>
        %gather3A_334 = tpu.vector_load_idx %arg12[%add3A_333] : memref<2064xf32, #tpu.memory_space<vmem>>[vector<16xi32>], vector<16xf32>,
        %add3A_335 = arith.addf %add3A_330, %gather3A_334 : vector<16xf32>
        %broadcast_in_dim3A_336 = arith.constant 1709 : i32
        %broadcast_in_dim3A_337 = vector.broadcast %broadcast_in_dim3A_336 : i32 to vector<16xi32>
        %add3A_338 = arith.addi %broadcast_in_dim3A_337, %iota3A : vector<16xi32>
        %gather3A_339 = tpu.vector_load_idx %arg12[%add3A_338] : memref<2064xf32, #tpu.memory_space<vmem>>[vector<16xi32>], vector<16xf32>,
        %add3A_340 = arith.addf %add3A_335, %gather3A_339 : vector<16xf32>
        %broadcast_in_dim3A_341 = arith.constant 1838 : i32
        %broadcast_in_dim3A_342 = vector.broadcast %broadcast_in_dim3A_341 : i32 to vector<16xi32>
        %add3A_343 = arith.addi %broadcast_in_dim3A_342, %iota3A : vector<16xi32>
        %gather3A_344 = tpu.vector_load_idx %arg12[%add3A_343] : memref<2064xf32, #tpu.memory_space<vmem>>[vector<16xi32>], vector<16xf32>,
        %add3A_345 = arith.addf %add3A_340, %gather3A_344 : vector<16xf32>
        %broadcast_in_dim3A_346 = arith.constant 1967 : i32
        %broadcast_in_dim3A_347 = vector.broadcast %broadcast_in_dim3A_346 : i32 to vector<16xi32>
        %add3A_348 = arith.addi %broadcast_in_dim3A_347, %iota3A : vector<16xi32>
        %gather3A_349 = tpu.vector_load_idx %arg12[%add3A_348] : memref<2064xf32, #tpu.memory_space<vmem>>[vector<16xi32>], vector<16xf32>,
        %add3A_350 = arith.addf %add3A_345, %gather3A_349 : vector<16xf32>
        %add3A_351 = arith.constant 32 : i32
        %add3A_352 = arith.addi %min3A_93, %add3A_351 : i32
        %swap3A_353 = arith.index_cast %add3A_352 : i32 to index
        %swap3A_354 = tpu.vector_load %arg8[%swap3A_353] {strides = array<i32>} : memref<10000xf32, #tpu.memory_space<vmem>>, vector<16xf32>,
        tpu.vector_store %arg8[%swap3A_353], %add3A_350 {strides = array<i32>} : memref<10000xf32, #tpu.memory_space<vmem>>, vector<16xf32>,
        %broadcast_in_dim3A_355 = arith.constant 0.000000e+00 : f32
        %broadcast_in_dim3A_356 = vector.broadcast %broadcast_in_dim3A_355 : f32 to vector<16xf32>
        %broadcast_in_dim3A_357 = arith.constant 48 : i32
        %broadcast_in_dim3A_358 = vector.broadcast %broadcast_in_dim3A_357 : i32 to vector<16xi32>
        %add3A_359 = arith.addi %broadcast_in_dim3A_358, %iota3A : vector<16xi32>
        %gather3A_360 = tpu.vector_load_idx %arg12[%add3A_359] : memref<2064xf32, #tpu.memory_space<vmem>>[vector<16xi32>], vector<16xf32>,
        %add3A_361 = arith.addf %broadcast_in_dim3A_356, %gather3A_360 : vector<16xf32>
        %broadcast_in_dim3A_362 = arith.constant 177 : i32
        %broadcast_in_dim3A_363 = vector.broadcast %broadcast_in_dim3A_362 : i32 to vector<16xi32>
        %add3A_364 = arith.addi %broadcast_in_dim3A_363, %iota3A : vector<16xi32>
        %gather3A_365 = tpu.vector_load_idx %arg12[%add3A_364] : memref<2064xf32, #tpu.memory_space<vmem>>[vector<16xi32>], vector<16xf32>,
        %add3A_366 = arith.addf %add3A_361, %gather3A_365 : vector<16xf32>
        %broadcast_in_dim3A_367 = arith.constant 306 : i32
        %broadcast_in_dim3A_368 = vector.broadcast %broadcast_in_dim3A_367 : i32 to vector<16xi32>
        %add3A_369 = arith.addi %broadcast_in_dim3A_368, %iota3A : vector<16xi32>
        %gather3A_370 = tpu.vector_load_idx %arg12[%add3A_369] : memref<2064xf32, #tpu.memory_space<vmem>>[vector<16xi32>], vector<16xf32>,
        %add3A_371 = arith.addf %add3A_366, %gather3A_370 : vector<16xf32>
        %broadcast_in_dim3A_372 = arith.constant 435 : i32
        %broadcast_in_dim3A_373 = vector.broadcast %broadcast_in_dim3A_372 : i32 to vector<16xi32>
        %add3A_374 = arith.addi %broadcast_in_dim3A_373, %iota3A : vector<16xi32>
        %gather3A_375 = tpu.vector_load_idx %arg12[%add3A_374] : memref<2064xf32, #tpu.memory_space<vmem>>[vector<16xi32>], vector<16xf32>,
        %add3A_376 = arith.addf %add3A_371, %gather3A_375 : vector<16xf32>
        %broadcast_in_dim3A_377 = arith.constant 564 : i32
        %broadcast_in_dim3A_378 = vector.broadcast %broadcast_in_dim3A_377 : i32 to vector<16xi32>
        %add3A_379 = arith.addi %broadcast_in_dim3A_378, %iota3A : vector<16xi32>
        %gather3A_380 = tpu.vector_load_idx %arg12[%add3A_379] : memref<2064xf32, #tpu.memory_space<vmem>>[vector<16xi32>], vector<16xf32>,
        %add3A_381 = arith.addf %add3A_376, %gather3A_380 : vector<16xf32>
        %broadcast_in_dim3A_382 = arith.constant 693 : i32
        %broadcast_in_dim3A_383 = vector.broadcast %broadcast_in_dim3A_382 : i32 to vector<16xi32>
        %add3A_384 = arith.addi %broadcast_in_dim3A_383, %iota3A : vector<16xi32>
        %gather3A_385 = tpu.vector_load_idx %arg12[%add3A_384] : memref<2064xf32, #tpu.memory_space<vmem>>[vector<16xi32>], vector<16xf32>,
        %add3A_386 = arith.addf %add3A_381, %gather3A_385 : vector<16xf32>
        %broadcast_in_dim3A_387 = arith.constant 822 : i32
        %broadcast_in_dim3A_388 = vector.broadcast %broadcast_in_dim3A_387 : i32 to vector<16xi32>
        %add3A_389 = arith.addi %broadcast_in_dim3A_388, %iota3A : vector<16xi32>
        %gather3A_390 = tpu.vector_load_idx %arg12[%add3A_389] : memref<2064xf32, #tpu.memory_space<vmem>>[vector<16xi32>], vector<16xf32>,
        %add3A_391 = arith.addf %add3A_386, %gather3A_390 : vector<16xf32>
        %broadcast_in_dim3A_392 = arith.constant 951 : i32
        %broadcast_in_dim3A_393 = vector.broadcast %broadcast_in_dim3A_392 : i32 to vector<16xi32>
        %add3A_394 = arith.addi %broadcast_in_dim3A_393, %iota3A : vector<16xi32>
        %gather3A_395 = tpu.vector_load_idx %arg12[%add3A_394] : memref<2064xf32, #tpu.memory_space<vmem>>[vector<16xi32>], vector<16xf32>,
        %add3A_396 = arith.addf %add3A_391, %gather3A_395 : vector<16xf32>
        %broadcast_in_dim3A_397 = arith.constant 1080 : i32
        %broadcast_in_dim3A_398 = vector.broadcast %broadcast_in_dim3A_397 : i32 to vector<16xi32>
        %add3A_399 = arith.addi %broadcast_in_dim3A_398, %iota3A : vector<16xi32>
        %gather3A_400 = tpu.vector_load_idx %arg12[%add3A_399] : memref<2064xf32, #tpu.memory_space<vmem>>[vector<16xi32>], vector<16xf32>,
        %add3A_401 = arith.addf %add3A_396, %gather3A_400 : vector<16xf32>
        %broadcast_in_dim3A_402 = arith.constant 1209 : i32
        %broadcast_in_dim3A_403 = vector.broadcast %broadcast_in_dim3A_402 : i32 to vector<16xi32>
        %add3A_404 = arith.addi %broadcast_in_dim3A_403, %iota3A : vector<16xi32>
        %gather3A_405 = tpu.vector_load_idx %arg12[%add3A_404] : memref<2064xf32, #tpu.memory_space<vmem>>[vector<16xi32>], vector<16xf32>,
        %add3A_406 = arith.addf %add3A_401, %gather3A_405 : vector<16xf32>
        %broadcast_in_dim3A_407 = arith.constant 1338 : i32
        %broadcast_in_dim3A_408 = vector.broadcast %broadcast_in_dim3A_407 : i32 to vector<16xi32>
        %add3A_409 = arith.addi %broadcast_in_dim3A_408, %iota3A : vector<16xi32>
        %gather3A_410 = tpu.vector_load_idx %arg12[%add3A_409] : memref<2064xf32, #tpu.memory_space<vmem>>[vector<16xi32>], vector<16xf32>,
        %add3A_411 = arith.addf %add3A_406, %gather3A_410 : vector<16xf32>
        %broadcast_in_dim3A_412 = arith.constant 1467 : i32
        %broadcast_in_dim3A_413 = vector.broadcast %broadcast_in_dim3A_412 : i32 to vector<16xi32>
        %add3A_414 = arith.addi %broadcast_in_dim3A_413, %iota3A : vector<16xi32>
        %gather3A_415 = tpu.vector_load_idx %arg12[%add3A_414] : memref<2064xf32, #tpu.memory_space<vmem>>[vector<16xi32>], vector<16xf32>,
        %add3A_416 = arith.addf %add3A_411, %gather3A_415 : vector<16xf32>
        %broadcast_in_dim3A_417 = arith.constant 1596 : i32
        %broadcast_in_dim3A_418 = vector.broadcast %broadcast_in_dim3A_417 : i32 to vector<16xi32>
        %add3A_419 = arith.addi %broadcast_in_dim3A_418, %iota3A : vector<16xi32>
        %gather3A_420 = tpu.vector_load_idx %arg12[%add3A_419] : memref<2064xf32, #tpu.memory_space<vmem>>[vector<16xi32>], vector<16xf32>,
        %add3A_421 = arith.addf %add3A_416, %gather3A_420 : vector<16xf32>
        %broadcast_in_dim3A_422 = arith.constant 1725 : i32
        %broadcast_in_dim3A_423 = vector.broadcast %broadcast_in_dim3A_422 : i32 to vector<16xi32>
        %add3A_424 = arith.addi %broadcast_in_dim3A_423, %iota3A : vector<16xi32>
        %gather3A_425 = tpu.vector_load_idx %arg12[%add3A_424] : memref<2064xf32, #tpu.memory_space<vmem>>[vector<16xi32>], vector<16xf32>,
        %add3A_426 = arith.addf %add3A_421, %gather3A_425 : vector<16xf32>
        %broadcast_in_dim3A_427 = arith.constant 1854 : i32
        %broadcast_in_dim3A_428 = vector.broadcast %broadcast_in_dim3A_427 : i32 to vector<16xi32>
        %add3A_429 = arith.addi %broadcast_in_dim3A_428, %iota3A : vector<16xi32>
        %gather3A_430 = tpu.vector_load_idx %arg12[%add3A_429] : memref<2064xf32, #tpu.memory_space<vmem>>[vector<16xi32>], vector<16xf32>,
        %add3A_431 = arith.addf %add3A_426, %gather3A_430 : vector<16xf32>
        %broadcast_in_dim3A_432 = arith.constant 1983 : i32
        %broadcast_in_dim3A_433 = vector.broadcast %broadcast_in_dim3A_432 : i32 to vector<16xi32>
        %add3A_434 = arith.addi %broadcast_in_dim3A_433, %iota3A : vector<16xi32>
        %gather3A_435 = tpu.vector_load_idx %arg12[%add3A_434] : memref<2064xf32, #tpu.memory_space<vmem>>[vector<16xi32>], vector<16xf32>,
        %add3A_436 = arith.addf %add3A_431, %gather3A_435 : vector<16xf32>
        %add3A_437 = arith.constant 48 : i32
        %add3A_438 = arith.addi %min3A_93, %add3A_437 : i32
        %swap3A_439 = arith.index_cast %add3A_438 : i32 to index
        %swap3A_440 = tpu.vector_load %arg8[%swap3A_439] {strides = array<i32>} : memref<10000xf32, #tpu.memory_space<vmem>>, vector<16xf32>,
        tpu.vector_store %arg8[%swap3A_439], %add3A_436 {strides = array<i32>} : memref<10000xf32, #tpu.memory_space<vmem>>, vector<16xf32>,
        %broadcast_in_dim3A_441 = arith.constant 0.000000e+00 : f32
        %broadcast_in_dim3A_442 = vector.broadcast %broadcast_in_dim3A_441 : f32 to vector<16xf32>
        %broadcast_in_dim3A_443 = arith.constant 64 : i32
        %broadcast_in_dim3A_444 = vector.broadcast %broadcast_in_dim3A_443 : i32 to vector<16xi32>
        %add3A_445 = arith.addi %broadcast_in_dim3A_444, %iota3A : vector<16xi32>
        %gather3A_446 = tpu.vector_load_idx %arg12[%add3A_445] : memref<2064xf32, #tpu.memory_space<vmem>>[vector<16xi32>], vector<16xf32>,
        %add3A_447 = arith.addf %broadcast_in_dim3A_442, %gather3A_446 : vector<16xf32>
        %broadcast_in_dim3A_448 = arith.constant 193 : i32
        %broadcast_in_dim3A_449 = vector.broadcast %broadcast_in_dim3A_448 : i32 to vector<16xi32>
        %add3A_450 = arith.addi %broadcast_in_dim3A_449, %iota3A : vector<16xi32>
        %gather3A_451 = tpu.vector_load_idx %arg12[%add3A_450] : memref<2064xf32, #tpu.memory_space<vmem>>[vector<16xi32>], vector<16xf32>,
        %add3A_452 = arith.addf %add3A_447, %gather3A_451 : vector<16xf32>
        %broadcast_in_dim3A_453 = arith.constant 322 : i32
        %broadcast_in_dim3A_454 = vector.broadcast %broadcast_in_dim3A_453 : i32 to vector<16xi32>
        %add3A_455 = arith.addi %broadcast_in_dim3A_454, %iota3A : vector<16xi32>
        %gather3A_456 = tpu.vector_load_idx %arg12[%add3A_455] : memref<2064xf32, #tpu.memory_space<vmem>>[vector<16xi32>], vector<16xf32>,
        %add3A_457 = arith.addf %add3A_452, %gather3A_456 : vector<16xf32>
        %broadcast_in_dim3A_458 = arith.constant 451 : i32
        %broadcast_in_dim3A_459 = vector.broadcast %broadcast_in_dim3A_458 : i32 to vector<16xi32>
        %add3A_460 = arith.addi %broadcast_in_dim3A_459, %iota3A : vector<16xi32>
        %gather3A_461 = tpu.vector_load_idx %arg12[%add3A_460] : memref<2064xf32, #tpu.memory_space<vmem>>[vector<16xi32>], vector<16xf32>,
        %add3A_462 = arith.addf %add3A_457, %gather3A_461 : vector<16xf32>
        %broadcast_in_dim3A_463 = arith.constant 580 : i32
        %broadcast_in_dim3A_464 = vector.broadcast %broadcast_in_dim3A_463 : i32 to vector<16xi32>
        %add3A_465 = arith.addi %broadcast_in_dim3A_464, %iota3A : vector<16xi32>
        %gather3A_466 = tpu.vector_load_idx %arg12[%add3A_465] : memref<2064xf32, #tpu.memory_space<vmem>>[vector<16xi32>], vector<16xf32>,
        %add3A_467 = arith.addf %add3A_462, %gather3A_466 : vector<16xf32>
        %broadcast_in_dim3A_468 = arith.constant 709 : i32
        %broadcast_in_dim3A_469 = vector.broadcast %broadcast_in_dim3A_468 : i32 to vector<16xi32>
        %add3A_470 = arith.addi %broadcast_in_dim3A_469, %iota3A : vector<16xi32>
        %gather3A_471 = tpu.vector_load_idx %arg12[%add3A_470] : memref<2064xf32, #tpu.memory_space<vmem>>[vector<16xi32>], vector<16xf32>,
        %add3A_472 = arith.addf %add3A_467, %gather3A_471 : vector<16xf32>
        %broadcast_in_dim3A_473 = arith.constant 838 : i32
        %broadcast_in_dim3A_474 = vector.broadcast %broadcast_in_dim3A_473 : i32 to vector<16xi32>
        %add3A_475 = arith.addi %broadcast_in_dim3A_474, %iota3A : vector<16xi32>
        %gather3A_476 = tpu.vector_load_idx %arg12[%add3A_475] : memref<2064xf32, #tpu.memory_space<vmem>>[vector<16xi32>], vector<16xf32>,
        %add3A_477 = arith.addf %add3A_472, %gather3A_476 : vector<16xf32>
        %broadcast_in_dim3A_478 = arith.constant 967 : i32
        %broadcast_in_dim3A_479 = vector.broadcast %broadcast_in_dim3A_478 : i32 to vector<16xi32>
        %add3A_480 = arith.addi %broadcast_in_dim3A_479, %iota3A : vector<16xi32>
        %gather3A_481 = tpu.vector_load_idx %arg12[%add3A_480] : memref<2064xf32, #tpu.memory_space<vmem>>[vector<16xi32>], vector<16xf32>,
        %add3A_482 = arith.addf %add3A_477, %gather3A_481 : vector<16xf32>
        %broadcast_in_dim3A_483 = arith.constant 1096 : i32
        %broadcast_in_dim3A_484 = vector.broadcast %broadcast_in_dim3A_483 : i32 to vector<16xi32>
        %add3A_485 = arith.addi %broadcast_in_dim3A_484, %iota3A : vector<16xi32>
        %gather3A_486 = tpu.vector_load_idx %arg12[%add3A_485] : memref<2064xf32, #tpu.memory_space<vmem>>[vector<16xi32>], vector<16xf32>,
        %add3A_487 = arith.addf %add3A_482, %gather3A_486 : vector<16xf32>
        %broadcast_in_dim3A_488 = arith.constant 1225 : i32
        %broadcast_in_dim3A_489 = vector.broadcast %broadcast_in_dim3A_488 : i32 to vector<16xi32>
        %add3A_490 = arith.addi %broadcast_in_dim3A_489, %iota3A : vector<16xi32>
        %gather3A_491 = tpu.vector_load_idx %arg12[%add3A_490] : memref<2064xf32, #tpu.memory_space<vmem>>[vector<16xi32>], vector<16xf32>,
        %add3A_492 = arith.addf %add3A_487, %gather3A_491 : vector<16xf32>
        %broadcast_in_dim3A_493 = arith.constant 1354 : i32
        %broadcast_in_dim3A_494 = vector.broadcast %broadcast_in_dim3A_493 : i32 to vector<16xi32>
        %add3A_495 = arith.addi %broadcast_in_dim3A_494, %iota3A : vector<16xi32>
        %gather3A_496 = tpu.vector_load_idx %arg12[%add3A_495] : memref<2064xf32, #tpu.memory_space<vmem>>[vector<16xi32>], vector<16xf32>,
        %add3A_497 = arith.addf %add3A_492, %gather3A_496 : vector<16xf32>
        %broadcast_in_dim3A_498 = arith.constant 1483 : i32
        %broadcast_in_dim3A_499 = vector.broadcast %broadcast_in_dim3A_498 : i32 to vector<16xi32>
        %add3A_500 = arith.addi %broadcast_in_dim3A_499, %iota3A : vector<16xi32>
        %gather3A_501 = tpu.vector_load_idx %arg12[%add3A_500] : memref<2064xf32, #tpu.memory_space<vmem>>[vector<16xi32>], vector<16xf32>,
        %add3A_502 = arith.addf %add3A_497, %gather3A_501 : vector<16xf32>
        %broadcast_in_dim3A_503 = arith.constant 1612 : i32
        %broadcast_in_dim3A_504 = vector.broadcast %broadcast_in_dim3A_503 : i32 to vector<16xi32>
        %add3A_505 = arith.addi %broadcast_in_dim3A_504, %iota3A : vector<16xi32>
        %gather3A_506 = tpu.vector_load_idx %arg12[%add3A_505] : memref<2064xf32, #tpu.memory_space<vmem>>[vector<16xi32>], vector<16xf32>,
        %add3A_507 = arith.addf %add3A_502, %gather3A_506 : vector<16xf32>
        %broadcast_in_dim3A_508 = arith.constant 1741 : i32
        %broadcast_in_dim3A_509 = vector.broadcast %broadcast_in_dim3A_508 : i32 to vector<16xi32>
        %add3A_510 = arith.addi %broadcast_in_dim3A_509, %iota3A : vector<16xi32>
        %gather3A_511 = tpu.vector_load_idx %arg12[%add3A_510] : memref<2064xf32, #tpu.memory_space<vmem>>[vector<16xi32>], vector<16xf32>,
        %add3A_512 = arith.addf %add3A_507, %gather3A_511 : vector<16xf32>
        %broadcast_in_dim3A_513 = arith.constant 1870 : i32
        %broadcast_in_dim3A_514 = vector.broadcast %broadcast_in_dim3A_513 : i32 to vector<16xi32>
        %add3A_515 = arith.addi %broadcast_in_dim3A_514, %iota3A : vector<16xi32>
        %gather3A_516 = tpu.vector_load_idx %arg12[%add3A_515] : memref<2064xf32, #tpu.memory_space<vmem>>[vector<16xi32>], vector<16xf32>,
        %add3A_517 = arith.addf %add3A_512, %gather3A_516 : vector<16xf32>
        %broadcast_in_dim3A_518 = arith.constant 1999 : i32
        %broadcast_in_dim3A_519 = vector.broadcast %broadcast_in_dim3A_518 : i32 to vector<16xi32>
        %add3A_520 = arith.addi %broadcast_in_dim3A_519, %iota3A : vector<16xi32>
        %gather3A_521 = tpu.vector_load_idx %arg12[%add3A_520] : memref<2064xf32, #tpu.memory_space<vmem>>[vector<16xi32>], vector<16xf32>,
        %add3A_522 = arith.addf %add3A_517, %gather3A_521 : vector<16xf32>
        %add3A_523 = arith.constant 64 : i32
        %add3A_524 = arith.addi %min3A_93, %add3A_523 : i32
        %swap3A_525 = arith.index_cast %add3A_524 : i32 to index
        %swap3A_526 = tpu.vector_load %arg8[%swap3A_525] {strides = array<i32>} : memref<10000xf32, #tpu.memory_space<vmem>>, vector<16xf32>,
        tpu.vector_store %arg8[%swap3A_525], %add3A_522 {strides = array<i32>} : memref<10000xf32, #tpu.memory_space<vmem>>, vector<16xf32>,
        %broadcast_in_dim3A_527 = arith.constant 0.000000e+00 : f32
        %broadcast_in_dim3A_528 = vector.broadcast %broadcast_in_dim3A_527 : f32 to vector<16xf32>
        %broadcast_in_dim3A_529 = arith.constant 80 : i32
        %broadcast_in_dim3A_530 = vector.broadcast %broadcast_in_dim3A_529 : i32 to vector<16xi32>
        %add3A_531 = arith.addi %broadcast_in_dim3A_530, %iota3A : vector<16xi32>
        %gather3A_532 = tpu.vector_load_idx %arg12[%add3A_531] : memref<2064xf32, #tpu.memory_space<vmem>>[vector<16xi32>], vector<16xf32>,
        %add3A_533 = arith.addf %broadcast_in_dim3A_528, %gather3A_532 : vector<16xf32>
        %broadcast_in_dim3A_534 = arith.constant 209 : i32
        %broadcast_in_dim3A_535 = vector.broadcast %broadcast_in_dim3A_534 : i32 to vector<16xi32>
        %add3A_536 = arith.addi %broadcast_in_dim3A_535, %iota3A : vector<16xi32>
        %gather3A_537 = tpu.vector_load_idx %arg12[%add3A_536] : memref<2064xf32, #tpu.memory_space<vmem>>[vector<16xi32>], vector<16xf32>,
        %add3A_538 = arith.addf %add3A_533, %gather3A_537 : vector<16xf32>
        %broadcast_in_dim3A_539 = arith.constant 338 : i32
        %broadcast_in_dim3A_540 = vector.broadcast %broadcast_in_dim3A_539 : i32 to vector<16xi32>
        %add3A_541 = arith.addi %broadcast_in_dim3A_540, %iota3A : vector<16xi32>
        %gather3A_542 = tpu.vector_load_idx %arg12[%add3A_541] : memref<2064xf32, #tpu.memory_space<vmem>>[vector<16xi32>], vector<16xf32>,
        %add3A_543 = arith.addf %add3A_538, %gather3A_542 : vector<16xf32>
        %broadcast_in_dim3A_544 = arith.constant 467 : i32
        %broadcast_in_dim3A_545 = vector.broadcast %broadcast_in_dim3A_544 : i32 to vector<16xi32>
        %add3A_546 = arith.addi %broadcast_in_dim3A_545, %iota3A : vector<16xi32>
        %gather3A_547 = tpu.vector_load_idx %arg12[%add3A_546] : memref<2064xf32, #tpu.memory_space<vmem>>[vector<16xi32>], vector<16xf32>,
        %add3A_548 = arith.addf %add3A_543, %gather3A_547 : vector<16xf32>
        %broadcast_in_dim3A_549 = arith.constant 596 : i32
        %broadcast_in_dim3A_550 = vector.broadcast %broadcast_in_dim3A_549 : i32 to vector<16xi32>
        %add3A_551 = arith.addi %broadcast_in_dim3A_550, %iota3A : vector<16xi32>
        %gather3A_552 = tpu.vector_load_idx %arg12[%add3A_551] : memref<2064xf32, #tpu.memory_space<vmem>>[vector<16xi32>], vector<16xf32>,
        %add3A_553 = arith.addf %add3A_548, %gather3A_552 : vector<16xf32>
        %broadcast_in_dim3A_554 = arith.constant 725 : i32
        %broadcast_in_dim3A_555 = vector.broadcast %broadcast_in_dim3A_554 : i32 to vector<16xi32>
        %add3A_556 = arith.addi %broadcast_in_dim3A_555, %iota3A : vector<16xi32>
        %gather3A_557 = tpu.vector_load_idx %arg12[%add3A_556] : memref<2064xf32, #tpu.memory_space<vmem>>[vector<16xi32>], vector<16xf32>,
        %add3A_558 = arith.addf %add3A_553, %gather3A_557 : vector<16xf32>
        %broadcast_in_dim3A_559 = arith.constant 854 : i32
        %broadcast_in_dim3A_560 = vector.broadcast %broadcast_in_dim3A_559 : i32 to vector<16xi32>
        %add3A_561 = arith.addi %broadcast_in_dim3A_560, %iota3A : vector<16xi32>
        %gather3A_562 = tpu.vector_load_idx %arg12[%add3A_561] : memref<2064xf32, #tpu.memory_space<vmem>>[vector<16xi32>], vector<16xf32>,
        %add3A_563 = arith.addf %add3A_558, %gather3A_562 : vector<16xf32>
        %broadcast_in_dim3A_564 = arith.constant 983 : i32
        %broadcast_in_dim3A_565 = vector.broadcast %broadcast_in_dim3A_564 : i32 to vector<16xi32>
        %add3A_566 = arith.addi %broadcast_in_dim3A_565, %iota3A : vector<16xi32>
        %gather3A_567 = tpu.vector_load_idx %arg12[%add3A_566] : memref<2064xf32, #tpu.memory_space<vmem>>[vector<16xi32>], vector<16xf32>,
        %add3A_568 = arith.addf %add3A_563, %gather3A_567 : vector<16xf32>
        %broadcast_in_dim3A_569 = arith.constant 1112 : i32
        %broadcast_in_dim3A_570 = vector.broadcast %broadcast_in_dim3A_569 : i32 to vector<16xi32>
        %add3A_571 = arith.addi %broadcast_in_dim3A_570, %iota3A : vector<16xi32>
        %gather3A_572 = tpu.vector_load_idx %arg12[%add3A_571] : memref<2064xf32, #tpu.memory_space<vmem>>[vector<16xi32>], vector<16xf32>,
        %add3A_573 = arith.addf %add3A_568, %gather3A_572 : vector<16xf32>
        %broadcast_in_dim3A_574 = arith.constant 1241 : i32
        %broadcast_in_dim3A_575 = vector.broadcast %broadcast_in_dim3A_574 : i32 to vector<16xi32>
        %add3A_576 = arith.addi %broadcast_in_dim3A_575, %iota3A : vector<16xi32>
        %gather3A_577 = tpu.vector_load_idx %arg12[%add3A_576] : memref<2064xf32, #tpu.memory_space<vmem>>[vector<16xi32>], vector<16xf32>,
        %add3A_578 = arith.addf %add3A_573, %gather3A_577 : vector<16xf32>
        %broadcast_in_dim3A_579 = arith.constant 1370 : i32
        %broadcast_in_dim3A_580 = vector.broadcast %broadcast_in_dim3A_579 : i32 to vector<16xi32>
        %add3A_581 = arith.addi %broadcast_in_dim3A_580, %iota3A : vector<16xi32>
        %gather3A_582 = tpu.vector_load_idx %arg12[%add3A_581] : memref<2064xf32, #tpu.memory_space<vmem>>[vector<16xi32>], vector<16xf32>,
        %add3A_583 = arith.addf %add3A_578, %gather3A_582 : vector<16xf32>
        %broadcast_in_dim3A_584 = arith.constant 1499 : i32
        %broadcast_in_dim3A_585 = vector.broadcast %broadcast_in_dim3A_584 : i32 to vector<16xi32>
        %add3A_586 = arith.addi %broadcast_in_dim3A_585, %iota3A : vector<16xi32>
        %gather3A_587 = tpu.vector_load_idx %arg12[%add3A_586] : memref<2064xf32, #tpu.memory_space<vmem>>[vector<16xi32>], vector<16xf32>,
        %add3A_588 = arith.addf %add3A_583, %gather3A_587 : vector<16xf32>
        %broadcast_in_dim3A_589 = arith.constant 1628 : i32
        %broadcast_in_dim3A_590 = vector.broadcast %broadcast_in_dim3A_589 : i32 to vector<16xi32>
        %add3A_591 = arith.addi %broadcast_in_dim3A_590, %iota3A : vector<16xi32>
        %gather3A_592 = tpu.vector_load_idx %arg12[%add3A_591] : memref<2064xf32, #tpu.memory_space<vmem>>[vector<16xi32>], vector<16xf32>,
        %add3A_593 = arith.addf %add3A_588, %gather3A_592 : vector<16xf32>
        %broadcast_in_dim3A_594 = arith.constant 1757 : i32
        %broadcast_in_dim3A_595 = vector.broadcast %broadcast_in_dim3A_594 : i32 to vector<16xi32>
        %add3A_596 = arith.addi %broadcast_in_dim3A_595, %iota3A : vector<16xi32>
        %gather3A_597 = tpu.vector_load_idx %arg12[%add3A_596] : memref<2064xf32, #tpu.memory_space<vmem>>[vector<16xi32>], vector<16xf32>,
        %add3A_598 = arith.addf %add3A_593, %gather3A_597 : vector<16xf32>
        %broadcast_in_dim3A_599 = arith.constant 1886 : i32
        %broadcast_in_dim3A_600 = vector.broadcast %broadcast_in_dim3A_599 : i32 to vector<16xi32>
        %add3A_601 = arith.addi %broadcast_in_dim3A_600, %iota3A : vector<16xi32>
        %gather3A_602 = tpu.vector_load_idx %arg12[%add3A_601] : memref<2064xf32, #tpu.memory_space<vmem>>[vector<16xi32>], vector<16xf32>,
        %add3A_603 = arith.addf %add3A_598, %gather3A_602 : vector<16xf32>
        %broadcast_in_dim3A_604 = arith.constant 2015 : i32
        %broadcast_in_dim3A_605 = vector.broadcast %broadcast_in_dim3A_604 : i32 to vector<16xi32>
        %add3A_606 = arith.addi %broadcast_in_dim3A_605, %iota3A : vector<16xi32>
        %gather3A_607 = tpu.vector_load_idx %arg12[%add3A_606] : memref<2064xf32, #tpu.memory_space<vmem>>[vector<16xi32>], vector<16xf32>,
        %add3A_608 = arith.addf %add3A_603, %gather3A_607 : vector<16xf32>
        %add3A_609 = arith.constant 80 : i32
        %add3A_610 = arith.addi %min3A_93, %add3A_609 : i32
        %swap3A_611 = arith.index_cast %add3A_610 : i32 to index
        %swap3A_612 = tpu.vector_load %arg8[%swap3A_611] {strides = array<i32>} : memref<10000xf32, #tpu.memory_space<vmem>>, vector<16xf32>,
        tpu.vector_store %arg8[%swap3A_611], %add3A_608 {strides = array<i32>} : memref<10000xf32, #tpu.memory_space<vmem>>, vector<16xf32>,
        %broadcast_in_dim3A_613 = arith.constant 0.000000e+00 : f32
        %broadcast_in_dim3A_614 = vector.broadcast %broadcast_in_dim3A_613 : f32 to vector<16xf32>
        %broadcast_in_dim3A_615 = arith.constant 96 : i32
        %broadcast_in_dim3A_616 = vector.broadcast %broadcast_in_dim3A_615 : i32 to vector<16xi32>
        %add3A_617 = arith.addi %broadcast_in_dim3A_616, %iota3A : vector<16xi32>
        %gather3A_618 = tpu.vector_load_idx %arg12[%add3A_617] : memref<2064xf32, #tpu.memory_space<vmem>>[vector<16xi32>], vector<16xf32>,
        %add3A_619 = arith.addf %broadcast_in_dim3A_614, %gather3A_618 : vector<16xf32>
        %broadcast_in_dim3A_620 = arith.constant 225 : i32
        %broadcast_in_dim3A_621 = vector.broadcast %broadcast_in_dim3A_620 : i32 to vector<16xi32>
        %add3A_622 = arith.addi %broadcast_in_dim3A_621, %iota3A : vector<16xi32>
        %gather3A_623 = tpu.vector_load_idx %arg12[%add3A_622] : memref<2064xf32, #tpu.memory_space<vmem>>[vector<16xi32>], vector<16xf32>,
        %add3A_624 = arith.addf %add3A_619, %gather3A_623 : vector<16xf32>
        %broadcast_in_dim3A_625 = arith.constant 354 : i32
        %broadcast_in_dim3A_626 = vector.broadcast %broadcast_in_dim3A_625 : i32 to vector<16xi32>
        %add3A_627 = arith.addi %broadcast_in_dim3A_626, %iota3A : vector<16xi32>
        %gather3A_628 = tpu.vector_load_idx %arg12[%add3A_627] : memref<2064xf32, #tpu.memory_space<vmem>>[vector<16xi32>], vector<16xf32>,
        %add3A_629 = arith.addf %add3A_624, %gather3A_628 : vector<16xf32>
        %broadcast_in_dim3A_630 = arith.constant 483 : i32
        %broadcast_in_dim3A_631 = vector.broadcast %broadcast_in_dim3A_630 : i32 to vector<16xi32>
        %add3A_632 = arith.addi %broadcast_in_dim3A_631, %iota3A : vector<16xi32>
        %gather3A_633 = tpu.vector_load_idx %arg12[%add3A_632] : memref<2064xf32, #tpu.memory_space<vmem>>[vector<16xi32>], vector<16xf32>,
        %add3A_634 = arith.addf %add3A_629, %gather3A_633 : vector<16xf32>
        %broadcast_in_dim3A_635 = arith.constant 612 : i32
        %broadcast_in_dim3A_636 = vector.broadcast %broadcast_in_dim3A_635 : i32 to vector<16xi32>
        %add3A_637 = arith.addi %broadcast_in_dim3A_636, %iota3A : vector<16xi32>
        %gather3A_638 = tpu.vector_load_idx %arg12[%add3A_637] : memref<2064xf32, #tpu.memory_space<vmem>>[vector<16xi32>], vector<16xf32>,
        %add3A_639 = arith.addf %add3A_634, %gather3A_638 : vector<16xf32>
        %broadcast_in_dim3A_640 = arith.constant 741 : i32
        %broadcast_in_dim3A_641 = vector.broadcast %broadcast_in_dim3A_640 : i32 to vector<16xi32>
        %add3A_642 = arith.addi %broadcast_in_dim3A_641, %iota3A : vector<16xi32>
        %gather3A_643 = tpu.vector_load_idx %arg12[%add3A_642] : memref<2064xf32, #tpu.memory_space<vmem>>[vector<16xi32>], vector<16xf32>,
        %add3A_644 = arith.addf %add3A_639, %gather3A_643 : vector<16xf32>
        %broadcast_in_dim3A_645 = arith.constant 870 : i32
        %broadcast_in_dim3A_646 = vector.broadcast %broadcast_in_dim3A_645 : i32 to vector<16xi32>
        %add3A_647 = arith.addi %broadcast_in_dim3A_646, %iota3A : vector<16xi32>
        %gather3A_648 = tpu.vector_load_idx %arg12[%add3A_647] : memref<2064xf32, #tpu.memory_space<vmem>>[vector<16xi32>], vector<16xf32>,
        %add3A_649 = arith.addf %add3A_644, %gather3A_648 : vector<16xf32>
        %broadcast_in_dim3A_650 = arith.constant 999 : i32
        %broadcast_in_dim3A_651 = vector.broadcast %broadcast_in_dim3A_650 : i32 to vector<16xi32>
        %add3A_652 = arith.addi %broadcast_in_dim3A_651, %iota3A : vector<16xi32>
        %gather3A_653 = tpu.vector_load_idx %arg12[%add3A_652] : memref<2064xf32, #tpu.memory_space<vmem>>[vector<16xi32>], vector<16xf32>,
        %add3A_654 = arith.addf %add3A_649, %gather3A_653 : vector<16xf32>
        %broadcast_in_dim3A_655 = arith.constant 1128 : i32
        %broadcast_in_dim3A_656 = vector.broadcast %broadcast_in_dim3A_655 : i32 to vector<16xi32>
        %add3A_657 = arith.addi %broadcast_in_dim3A_656, %iota3A : vector<16xi32>
        %gather3A_658 = tpu.vector_load_idx %arg12[%add3A_657] : memref<2064xf32, #tpu.memory_space<vmem>>[vector<16xi32>], vector<16xf32>,
        %add3A_659 = arith.addf %add3A_654, %gather3A_658 : vector<16xf32>
        %broadcast_in_dim3A_660 = arith.constant 1257 : i32
        %broadcast_in_dim3A_661 = vector.broadcast %broadcast_in_dim3A_660 : i32 to vector<16xi32>
        %add3A_662 = arith.addi %broadcast_in_dim3A_661, %iota3A : vector<16xi32>
        %gather3A_663 = tpu.vector_load_idx %arg12[%add3A_662] : memref<2064xf32, #tpu.memory_space<vmem>>[vector<16xi32>], vector<16xf32>,
        %add3A_664 = arith.addf %add3A_659, %gather3A_663 : vector<16xf32>
        %broadcast_in_dim3A_665 = arith.constant 1386 : i32
        %broadcast_in_dim3A_666 = vector.broadcast %broadcast_in_dim3A_665 : i32 to vector<16xi32>
        %add3A_667 = arith.addi %broadcast_in_dim3A_666, %iota3A : vector<16xi32>
        %gather3A_668 = tpu.vector_load_idx %arg12[%add3A_667] : memref<2064xf32, #tpu.memory_space<vmem>>[vector<16xi32>], vector<16xf32>,
        %add3A_669 = arith.addf %add3A_664, %gather3A_668 : vector<16xf32>
        %broadcast_in_dim3A_670 = arith.constant 1515 : i32
        %broadcast_in_dim3A_671 = vector.broadcast %broadcast_in_dim3A_670 : i32 to vector<16xi32>
        %add3A_672 = arith.addi %broadcast_in_dim3A_671, %iota3A : vector<16xi32>
        %gather3A_673 = tpu.vector_load_idx %arg12[%add3A_672] : memref<2064xf32, #tpu.memory_space<vmem>>[vector<16xi32>], vector<16xf32>,
        %add3A_674 = arith.addf %add3A_669, %gather3A_673 : vector<16xf32>
        %broadcast_in_dim3A_675 = arith.constant 1644 : i32
        %broadcast_in_dim3A_676 = vector.broadcast %broadcast_in_dim3A_675 : i32 to vector<16xi32>
        %add3A_677 = arith.addi %broadcast_in_dim3A_676, %iota3A : vector<16xi32>
        %gather3A_678 = tpu.vector_load_idx %arg12[%add3A_677] : memref<2064xf32, #tpu.memory_space<vmem>>[vector<16xi32>], vector<16xf32>,
        %add3A_679 = arith.addf %add3A_674, %gather3A_678 : vector<16xf32>
        %broadcast_in_dim3A_680 = arith.constant 1773 : i32
        %broadcast_in_dim3A_681 = vector.broadcast %broadcast_in_dim3A_680 : i32 to vector<16xi32>
        %add3A_682 = arith.addi %broadcast_in_dim3A_681, %iota3A : vector<16xi32>
        %gather3A_683 = tpu.vector_load_idx %arg12[%add3A_682] : memref<2064xf32, #tpu.memory_space<vmem>>[vector<16xi32>], vector<16xf32>,
        %add3A_684 = arith.addf %add3A_679, %gather3A_683 : vector<16xf32>
        %broadcast_in_dim3A_685 = arith.constant 1902 : i32
        %broadcast_in_dim3A_686 = vector.broadcast %broadcast_in_dim3A_685 : i32 to vector<16xi32>
        %add3A_687 = arith.addi %broadcast_in_dim3A_686, %iota3A : vector<16xi32>
        %gather3A_688 = tpu.vector_load_idx %arg12[%add3A_687] : memref<2064xf32, #tpu.memory_space<vmem>>[vector<16xi32>], vector<16xf32>,
        %add3A_689 = arith.addf %add3A_684, %gather3A_688 : vector<16xf32>
        %broadcast_in_dim3A_690 = arith.constant 2031 : i32
        %broadcast_in_dim3A_691 = vector.broadcast %broadcast_in_dim3A_690 : i32 to vector<16xi32>
        %add3A_692 = arith.addi %broadcast_in_dim3A_691, %iota3A : vector<16xi32>
        %gather3A_693 = tpu.vector_load_idx %arg12[%add3A_692] : memref<2064xf32, #tpu.memory_space<vmem>>[vector<16xi32>], vector<16xf32>,
        %add3A_694 = arith.addf %add3A_689, %gather3A_693 : vector<16xf32>
        %add3A_695 = arith.constant 96 : i32
        %add3A_696 = arith.addi %min3A_93, %add3A_695 : i32
        %swap3A_697 = arith.index_cast %add3A_696 : i32 to index
        %swap3A_698 = tpu.vector_load %arg8[%swap3A_697] {strides = array<i32>} : memref<10000xf32, #tpu.memory_space<vmem>>, vector<16xf32>,
        tpu.vector_store %arg8[%swap3A_697], %add3A_694 {strides = array<i32>} : memref<10000xf32, #tpu.memory_space<vmem>>, vector<16xf32>,
        %add3A_699 = arith.constant 3 : i32
        %add3A_700 = arith.addi %add3A_64, %add3A_699 : i32
        %lt3A_701 = arith.constant 90 : i32
        %lt3A_702 = arith.cmpi slt, %add3A_700, %lt3A_701 : i32
        %convert_element_type3A_703 = arith.extui %lt3A_702 : i1 to i32
        %cond3A_704 = arith.constant 0 : i32
        %cond3A_705 = arith.cmpi ne, %convert_element_type3A_703, %cond3A_704 : i32
        scf.if %cond3A_705 {
          %add3A_706 = arith.constant 3 : i32
          %add3A_707 = arith.addi %add3A_64, %add3A_706 : i32
          %mul3A_708 = arith.constant 112 : i32
          %mul3A_709 = arith.muli %add3A_707, %mul3A_708 : i32
          %min3A_710 = arith.constant 9888 : i32
          %min3A_711 = arith.minsi %mul3A_709, %min3A_710 : i32
          %dma_start3A_712 = arith.constant 0 : i32
          %dma_start3A_713 = arith.constant 0 : i32
          %dma_start3A_714 = tpu.memref_slice %arg9[%dma_start3A_712, %dma_start3A_713] : memref<224x128xf32, #tpu.memory_space<vmem>> -> memref<112x128xf32, #tpu.memory_space<vmem>>
          %dma_start3A_715 = tpu.memref_slice %arg6[%min3A_711] : memref<10000xi32, #tpu.memory_space<vmem>> -> memref<112xi32, #tpu.memory_space<vmem>>
          %dma_start3A_716 = arith.constant 0 : i32
          %dma_start3A_717 = arith.constant 0 : i32
          %dma_start3A_718 = tpu.memref_slice %arg2[%dma_start3A_716, %dma_start3A_717] : memref<10000x128xf32, #tpu.memory_space<hbm>> -> memref<10000x128xf32, #tpu.memory_space<hbm>>
          tpu.enqueue_indirect_dma source(%dma_start3A_718 : memref<10000x128xf32, #tpu.memory_space<hbm>>) target(%dma_start3A_714 : memref<112x128xf32, #tpu.memory_space<vmem>>) offsets(%dma_start3A_715 : memref<112xi32, #tpu.memory_space<vmem>>) semaphore(%arg13 : memref<!tpu.dma_semaphore, #tpu.memory_space<semaphore_mem>>)
          %dma_start3A_719 = arith.constant 112 : i32
          %dma_start3A_720 = arith.constant 0 : i32
          %dma_start3A_721 = tpu.memref_slice %arg9[%dma_start3A_719, %dma_start3A_720] : memref<224x128xf32, #tpu.memory_space<vmem>> -> memref<112x128xf32, #tpu.memory_space<vmem>>
          %dma_start3A_722 = tpu.memref_slice %arg7[%min3A_711] : memref<10000xi32, #tpu.memory_space<vmem>> -> memref<112xi32, #tpu.memory_space<vmem>>
          %dma_start3A_723 = arith.constant 0 : i32
          %dma_start3A_724 = arith.constant 0 : i32
          %dma_start3A_725 = tpu.memref_slice %arg2[%dma_start3A_723, %dma_start3A_724] : memref<10000x128xf32, #tpu.memory_space<hbm>> -> memref<10000x128xf32, #tpu.memory_space<hbm>>
          tpu.enqueue_indirect_dma source(%dma_start3A_725 : memref<10000x128xf32, #tpu.memory_space<hbm>>) target(%dma_start3A_721 : memref<112x128xf32, #tpu.memory_space<vmem>>) offsets(%dma_start3A_722 : memref<112xi32, #tpu.memory_space<vmem>>) semaphore(%arg13 : memref<!tpu.dma_semaphore, #tpu.memory_space<semaphore_mem>>)
        } else {
        }
      } else {
      }
      %mul3A_67 = arith.constant 3 : i32
      %mul3A_68 = arith.muli %mul3A_67, %scan3A_60 : i32
      %add3A_69 = arith.constant 1 : i32
      %add3A_70 = arith.addi %mul3A_68, %add3A_69 : i32
      %lt3A_71 = arith.constant 90 : i32
      %lt3A_72 = arith.cmpi slt, %add3A_70, %lt3A_71 : i32
      %convert_element_type3A_73 = arith.extui %lt3A_72 : i1 to i32
      %cond3A_74 = arith.constant 0 : i32
      %cond3A_75 = arith.cmpi ne, %convert_element_type3A_73, %cond3A_74 : i32
      scf.if %cond3A_75 {
        %dma_wait3A = arith.constant 0 : i32
        %dma_wait3A_85 = arith.constant 0 : i32
        %dma_wait3A_86 = tpu.memref_slice %arg2[%dma_wait3A, %dma_wait3A_85] : memref<10000x128xf32, #tpu.memory_space<hbm>> -> memref<224x128xf32, #tpu.memory_space<hbm>>
        %dma_wait3A_87 = arith.constant 0 : i32
        %dma_wait3A_88 = arith.constant 0 : i32
        %dma_wait3A_89 = tpu.memref_slice %arg2[%dma_wait3A_87, %dma_wait3A_88] : memref<10000x128xf32, #tpu.memory_space<hbm>> -> memref<224x128xf32, #tpu.memory_space<hbm>>
        tpu.wait_dma2 semaphore(%arg14 : memref<!tpu.dma_semaphore, #tpu.memory_space<semaphore_mem>>) src(%dma_wait3A_89 : memref<224x128xf32, #tpu.memory_space<hbm>>) dst(%arg10 : memref<224x128xf32, #tpu.memory_space<vmem>>)
        %mul3A_90 = arith.constant 112 : i32
        %mul3A_91 = arith.muli %add3A_70, %mul3A_90 : i32
        %min3A_92 = arith.constant 9888 : i32
        %min3A_93 = arith.minsi %mul3A_91, %min3A_92 : i32
        %scan3A_94 = arith.constant 0 : i32
        %scan3A_95 = arith.constant 0 : i32
        %scan3A_96 = arith.constant 112 : i32
        %scan3A_97 = arith.addi %scan3A_95, %scan3A_96 : i32
        %scan3A_98 = arith.constant 1 : i32
        scf.for %scan3A_706 = %scan3A_95 to %scan3A_97 step %scan3A_98  : i32 {
          %broadcast_in_dim3A_707 = arith.constant 0.000000e+00 : f32
          %broadcast_in_dim3A_708 = vector.broadcast %broadcast_in_dim3A_707 : f32 to vector<16xf32>
          %get3A = arith.index_cast %scan3A_706 : i32 to index
          %get3A_709 = arith.constant 0 : index
          %get3A_710 = tpu.vector_load %arg10[%get3A, %get3A_709] {strides = array<i32>} : memref<224x128xf32, #tpu.memory_space<vmem>>, vector<16xf32>,
          %add3A_711 = arith.constant 112 : i32
          %add3A_712 = arith.addi %add3A_711, %scan3A_706 : i32
          %get3A_713 = arith.index_cast %add3A_712 : i32 to index
          %get3A_714 = arith.constant 0 : index
          %get3A_715 = tpu.vector_load %arg10[%get3A_713, %get3A_714] {strides = array<i32>} : memref<224x128xf32, #tpu.memory_space<vmem>>, vector<16xf32>,
          %mul3A_716 = arith.mulf %get3A_710, %get3A_715 : vector<16xf32>
          %add3A_717 = arith.addf %broadcast_in_dim3A_708, %mul3A_716 : vector<16xf32>
          %get3A_718 = arith.index_cast %scan3A_706 : i32 to index
          %get3A_719 = arith.constant 16 : index
          %get3A_720 = tpu.vector_load %arg10[%get3A_718, %get3A_719] {strides = array<i32>} : memref<224x128xf32, #tpu.memory_space<vmem>>, vector<16xf32>,
          %add3A_721 = arith.constant 112 : i32
          %add3A_722 = arith.addi %add3A_721, %scan3A_706 : i32
          %get3A_723 = arith.index_cast %add3A_722 : i32 to index
          %get3A_724 = arith.constant 16 : index
          %get3A_725 = tpu.vector_load %arg10[%get3A_723, %get3A_724] {strides = array<i32>} : memref<224x128xf32, #tpu.memory_space<vmem>>, vector<16xf32>,
          %mul3A_726 = arith.mulf %get3A_720, %get3A_725 : vector<16xf32>
          %add3A_727 = arith.addf %add3A_717, %mul3A_726 : vector<16xf32>
          %get3A_728 = arith.index_cast %scan3A_706 : i32 to index
          %get3A_729 = arith.constant 32 : index
          %get3A_730 = tpu.vector_load %arg10[%get3A_728, %get3A_729] {strides = array<i32>} : memref<224x128xf32, #tpu.memory_space<vmem>>, vector<16xf32>,
          %add3A_731 = arith.constant 112 : i32
          %add3A_732 = arith.addi %add3A_731, %scan3A_706 : i32
          %get3A_733 = arith.index_cast %add3A_732 : i32 to index
          %get3A_734 = arith.constant 32 : index
          %get3A_735 = tpu.vector_load %arg10[%get3A_733, %get3A_734] {strides = array<i32>} : memref<224x128xf32, #tpu.memory_space<vmem>>, vector<16xf32>,
          %mul3A_736 = arith.mulf %get3A_730, %get3A_735 : vector<16xf32>
          %add3A_737 = arith.addf %add3A_727, %mul3A_736 : vector<16xf32>
          %get3A_738 = arith.index_cast %scan3A_706 : i32 to index
          %get3A_739 = arith.constant 48 : index
          %get3A_740 = tpu.vector_load %arg10[%get3A_738, %get3A_739] {strides = array<i32>} : memref<224x128xf32, #tpu.memory_space<vmem>>, vector<16xf32>,
          %add3A_741 = arith.constant 112 : i32
          %add3A_742 = arith.addi %add3A_741, %scan3A_706 : i32
          %get3A_743 = arith.index_cast %add3A_742 : i32 to index
          %get3A_744 = arith.constant 48 : index
          %get3A_745 = tpu.vector_load %arg10[%get3A_743, %get3A_744] {strides = array<i32>} : memref<224x128xf32, #tpu.memory_space<vmem>>, vector<16xf32>,
          %mul3A_746 = arith.mulf %get3A_740, %get3A_745 : vector<16xf32>
          %add3A_747 = arith.addf %add3A_737, %mul3A_746 : vector<16xf32>
          %get3A_748 = arith.index_cast %scan3A_706 : i32 to index
          %get3A_749 = arith.constant 64 : index
          %get3A_750 = tpu.vector_load %arg10[%get3A_748, %get3A_749] {strides = array<i32>} : memref<224x128xf32, #tpu.memory_space<vmem>>, vector<16xf32>,
          %add3A_751 = arith.constant 112 : i32
          %add3A_752 = arith.addi %add3A_751, %scan3A_706 : i32
          %get3A_753 = arith.index_cast %add3A_752 : i32 to index
          %get3A_754 = arith.constant 64 : index
          %get3A_755 = tpu.vector_load %arg10[%get3A_753, %get3A_754] {strides = array<i32>} : memref<224x128xf32, #tpu.memory_space<vmem>>, vector<16xf32>,
          %mul3A_756 = arith.mulf %get3A_750, %get3A_755 : vector<16xf32>
          %add3A_757 = arith.addf %add3A_747, %mul3A_756 : vector<16xf32>
          %get3A_758 = arith.index_cast %scan3A_706 : i32 to index
          %get3A_759 = arith.constant 80 : index
          %get3A_760 = tpu.vector_load %arg10[%get3A_758, %get3A_759] {strides = array<i32>} : memref<224x128xf32, #tpu.memory_space<vmem>>, vector<16xf32>,
          %add3A_761 = arith.constant 112 : i32
          %add3A_762 = arith.addi %add3A_761, %scan3A_706 : i32
          %get3A_763 = arith.index_cast %add3A_762 : i32 to index
          %get3A_764 = arith.constant 80 : index
          %get3A_765 = tpu.vector_load %arg10[%get3A_763, %get3A_764] {strides = array<i32>} : memref<224x128xf32, #tpu.memory_space<vmem>>, vector<16xf32>,
          %mul3A_766 = arith.mulf %get3A_760, %get3A_765 : vector<16xf32>
          %add3A_767 = arith.addf %add3A_757, %mul3A_766 : vector<16xf32>
          %get3A_768 = arith.index_cast %scan3A_706 : i32 to index
          %get3A_769 = arith.constant 96 : index
          %get3A_770 = tpu.vector_load %arg10[%get3A_768, %get3A_769] {strides = array<i32>} : memref<224x128xf32, #tpu.memory_space<vmem>>, vector<16xf32>,
          %add3A_771 = arith.constant 112 : i32
          %add3A_772 = arith.addi %add3A_771, %scan3A_706 : i32
          %get3A_773 = arith.index_cast %add3A_772 : i32 to index
          %get3A_774 = arith.constant 96 : index
          %get3A_775 = tpu.vector_load %arg10[%get3A_773, %get3A_774] {strides = array<i32>} : memref<224x128xf32, #tpu.memory_space<vmem>>, vector<16xf32>,
          %mul3A_776 = arith.mulf %get3A_770, %get3A_775 : vector<16xf32>
          %add3A_777 = arith.addf %add3A_767, %mul3A_776 : vector<16xf32>
          %get3A_778 = arith.index_cast %scan3A_706 : i32 to index
          %get3A_779 = arith.constant 112 : index
          %get3A_780 = tpu.vector_load %arg10[%get3A_778, %get3A_779] {strides = array<i32>} : memref<224x128xf32, #tpu.memory_space<vmem>>, vector<16xf32>,
          %add3A_781 = arith.constant 112 : i32
          %add3A_782 = arith.addi %add3A_781, %scan3A_706 : i32
          %get3A_783 = arith.index_cast %add3A_782 : i32 to index
          %get3A_784 = arith.constant 112 : index
          %get3A_785 = tpu.vector_load %arg10[%get3A_783, %get3A_784] {strides = array<i32>} : memref<224x128xf32, #tpu.memory_space<vmem>>, vector<16xf32>,
          %mul3A_786 = arith.mulf %get3A_780, %get3A_785 : vector<16xf32>
          %add3A_787 = arith.addf %add3A_777, %mul3A_786 : vector<16xf32>
          %add3A_788 = vector.broadcast %scan3A_706 : i32 to vector<16xi32>
          %add3A_789 = arith.addi %mul3A_5, %add3A_788 : vector<16xi32>
          tpu.vector_store_idx %arg12[%add3A_789], %add3A_787 : memref<2064xf32, #tpu.memory_space<vmem>>[vector<16xi32>], vector<16xf32>,
        }
        %scan3A_99 = arith.constant 112 : i32
        %broadcast_in_dim3A = arith.constant 0.000000e+00 : f32
        %broadcast_in_dim3A_100 = vector.broadcast %broadcast_in_dim3A : f32 to vector<16xf32>
        %broadcast_in_dim3A_101 = arith.constant 0 : i32
        %broadcast_in_dim3A_102 = vector.broadcast %broadcast_in_dim3A_101 : i32 to vector<16xi32>
        %add3A_103 = arith.addi %broadcast_in_dim3A_102, %iota3A : vector<16xi32>
        %gather3A = tpu.vector_load_idx %arg12[%add3A_103] : memref<2064xf32, #tpu.memory_space<vmem>>[vector<16xi32>], vector<16xf32>,
        %add3A_104 = arith.addf %broadcast_in_dim3A_100, %gather3A : vector<16xf32>
        %broadcast_in_dim3A_105 = arith.constant 129 : i32
        %broadcast_in_dim3A_106 = vector.broadcast %broadcast_in_dim3A_105 : i32 to vector<16xi32>
        %add3A_107 = arith.addi %broadcast_in_dim3A_106, %iota3A : vector<16xi32>
        %gather3A_108 = tpu.vector_load_idx %arg12[%add3A_107] : memref<2064xf32, #tpu.memory_space<vmem>>[vector<16xi32>], vector<16xf32>,
        %add3A_109 = arith.addf %add3A_104, %gather3A_108 : vector<16xf32>
        %broadcast_in_dim3A_110 = arith.constant 258 : i32
        %broadcast_in_dim3A_111 = vector.broadcast %broadcast_in_dim3A_110 : i32 to vector<16xi32>
        %add3A_112 = arith.addi %broadcast_in_dim3A_111, %iota3A : vector<16xi32>
        %gather3A_113 = tpu.vector_load_idx %arg12[%add3A_112] : memref<2064xf32, #tpu.memory_space<vmem>>[vector<16xi32>], vector<16xf32>,
        %add3A_114 = arith.addf %add3A_109, %gather3A_113 : vector<16xf32>
        %broadcast_in_dim3A_115 = arith.constant 387 : i32
        %broadcast_in_dim3A_116 = vector.broadcast %broadcast_in_dim3A_115 : i32 to vector<16xi32>
        %add3A_117 = arith.addi %broadcast_in_dim3A_116, %iota3A : vector<16xi32>
        %gather3A_118 = tpu.vector_load_idx %arg12[%add3A_117] : memref<2064xf32, #tpu.memory_space<vmem>>[vector<16xi32>], vector<16xf32>,
        %add3A_119 = arith.addf %add3A_114, %gather3A_118 : vector<16xf32>
        %broadcast_in_dim3A_120 = arith.constant 516 : i32
        %broadcast_in_dim3A_121 = vector.broadcast %broadcast_in_dim3A_120 : i32 to vector<16xi32>
        %add3A_122 = arith.addi %broadcast_in_dim3A_121, %iota3A : vector<16xi32>
        %gather3A_123 = tpu.vector_load_idx %arg12[%add3A_122] : memref<2064xf32, #tpu.memory_space<vmem>>[vector<16xi32>], vector<16xf32>,
        %add3A_124 = arith.addf %add3A_119, %gather3A_123 : vector<16xf32>
        %broadcast_in_dim3A_125 = arith.constant 645 : i32
        %broadcast_in_dim3A_126 = vector.broadcast %broadcast_in_dim3A_125 : i32 to vector<16xi32>
        %add3A_127 = arith.addi %broadcast_in_dim3A_126, %iota3A : vector<16xi32>
        %gather3A_128 = tpu.vector_load_idx %arg12[%add3A_127] : memref<2064xf32, #tpu.memory_space<vmem>>[vector<16xi32>], vector<16xf32>,
        %add3A_129 = arith.addf %add3A_124, %gather3A_128 : vector<16xf32>
        %broadcast_in_dim3A_130 = arith.constant 774 : i32
        %broadcast_in_dim3A_131 = vector.broadcast %broadcast_in_dim3A_130 : i32 to vector<16xi32>
        %add3A_132 = arith.addi %broadcast_in_dim3A_131, %iota3A : vector<16xi32>
        %gather3A_133 = tpu.vector_load_idx %arg12[%add3A_132] : memref<2064xf32, #tpu.memory_space<vmem>>[vector<16xi32>], vector<16xf32>,
        %add3A_134 = arith.addf %add3A_129, %gather3A_133 : vector<16xf32>
        %broadcast_in_dim3A_135 = arith.constant 903 : i32
        %broadcast_in_dim3A_136 = vector.broadcast %broadcast_in_dim3A_135 : i32 to vector<16xi32>
        %add3A_137 = arith.addi %broadcast_in_dim3A_136, %iota3A : vector<16xi32>
        %gather3A_138 = tpu.vector_load_idx %arg12[%add3A_137] : memref<2064xf32, #tpu.memory_space<vmem>>[vector<16xi32>], vector<16xf32>,
        %add3A_139 = arith.addf %add3A_134, %gather3A_138 : vector<16xf32>
        %broadcast_in_dim3A_140 = arith.constant 1032 : i32
        %broadcast_in_dim3A_141 = vector.broadcast %broadcast_in_dim3A_140 : i32 to vector<16xi32>
        %add3A_142 = arith.addi %broadcast_in_dim3A_141, %iota3A : vector<16xi32>
        %gather3A_143 = tpu.vector_load_idx %arg12[%add3A_142] : memref<2064xf32, #tpu.memory_space<vmem>>[vector<16xi32>], vector<16xf32>,
        %add3A_144 = arith.addf %add3A_139, %gather3A_143 : vector<16xf32>
        %broadcast_in_dim3A_145 = arith.constant 1161 : i32
        %broadcast_in_dim3A_146 = vector.broadcast %broadcast_in_dim3A_145 : i32 to vector<16xi32>
        %add3A_147 = arith.addi %broadcast_in_dim3A_146, %iota3A : vector<16xi32>
        %gather3A_148 = tpu.vector_load_idx %arg12[%add3A_147] : memref<2064xf32, #tpu.memory_space<vmem>>[vector<16xi32>], vector<16xf32>,
        %add3A_149 = arith.addf %add3A_144, %gather3A_148 : vector<16xf32>
        %broadcast_in_dim3A_150 = arith.constant 1290 : i32
        %broadcast_in_dim3A_151 = vector.broadcast %broadcast_in_dim3A_150 : i32 to vector<16xi32>
        %add3A_152 = arith.addi %broadcast_in_dim3A_151, %iota3A : vector<16xi32>
        %gather3A_153 = tpu.vector_load_idx %arg12[%add3A_152] : memref<2064xf32, #tpu.memory_space<vmem>>[vector<16xi32>], vector<16xf32>,
        %add3A_154 = arith.addf %add3A_149, %gather3A_153 : vector<16xf32>
        %broadcast_in_dim3A_155 = arith.constant 1419 : i32
        %broadcast_in_dim3A_156 = vector.broadcast %broadcast_in_dim3A_155 : i32 to vector<16xi32>
        %add3A_157 = arith.addi %broadcast_in_dim3A_156, %iota3A : vector<16xi32>
        %gather3A_158 = tpu.vector_load_idx %arg12[%add3A_157] : memref<2064xf32, #tpu.memory_space<vmem>>[vector<16xi32>], vector<16xf32>,
        %add3A_159 = arith.addf %add3A_154, %gather3A_158 : vector<16xf32>
        %broadcast_in_dim3A_160 = arith.constant 1548 : i32
        %broadcast_in_dim3A_161 = vector.broadcast %broadcast_in_dim3A_160 : i32 to vector<16xi32>
        %add3A_162 = arith.addi %broadcast_in_dim3A_161, %iota3A : vector<16xi32>
        %gather3A_163 = tpu.vector_load_idx %arg12[%add3A_162] : memref<2064xf32, #tpu.memory_space<vmem>>[vector<16xi32>], vector<16xf32>,
        %add3A_164 = arith.addf %add3A_159, %gather3A_163 : vector<16xf32>
        %broadcast_in_dim3A_165 = arith.constant 1677 : i32
        %broadcast_in_dim3A_166 = vector.broadcast %broadcast_in_dim3A_165 : i32 to vector<16xi32>
        %add3A_167 = arith.addi %broadcast_in_dim3A_166, %iota3A : vector<16xi32>
        %gather3A_168 = tpu.vector_load_idx %arg12[%add3A_167] : memref<2064xf32, #tpu.memory_space<vmem>>[vector<16xi32>], vector<16xf32>,
        %add3A_169 = arith.addf %add3A_164, %gather3A_168 : vector<16xf32>
        %broadcast_in_dim3A_170 = arith.constant 1806 : i32
        %broadcast_in_dim3A_171 = vector.broadcast %broadcast_in_dim3A_170 : i32 to vector<16xi32>
        %add3A_172 = arith.addi %broadcast_in_dim3A_171, %iota3A : vector<16xi32>
        %gather3A_173 = tpu.vector_load_idx %arg12[%add3A_172] : memref<2064xf32, #tpu.memory_space<vmem>>[vector<16xi32>], vector<16xf32>,
        %add3A_174 = arith.addf %add3A_169, %gather3A_173 : vector<16xf32>
        %broadcast_in_dim3A_175 = arith.constant 1935 : i32
        %broadcast_in_dim3A_176 = vector.broadcast %broadcast_in_dim3A_175 : i32 to vector<16xi32>
        %add3A_177 = arith.addi %broadcast_in_dim3A_176, %iota3A : vector<16xi32>
        %gather3A_178 = tpu.vector_load_idx %arg12[%add3A_177] : memref<2064xf32, #tpu.memory_space<vmem>>[vector<16xi32>], vector<16xf32>,
        %add3A_179 = arith.addf %add3A_174, %gather3A_178 : vector<16xf32>
        %add3A_180 = arith.constant 0 : i32
        %add3A_181 = arith.addi %min3A_93, %add3A_180 : i32
        %swap3A = arith.index_cast %add3A_181 : i32 to index
        %swap3A_182 = tpu.vector_load %arg8[%swap3A] {strides = array<i32>} : memref<10000xf32, #tpu.memory_space<vmem>>, vector<16xf32>,
        tpu.vector_store %arg8[%swap3A], %add3A_179 {strides = array<i32>} : memref<10000xf32, #tpu.memory_space<vmem>>, vector<16xf32>,
        %broadcast_in_dim3A_183 = arith.constant 0.000000e+00 : f32
        %broadcast_in_dim3A_184 = vector.broadcast %broadcast_in_dim3A_183 : f32 to vector<16xf32>
        %broadcast_in_dim3A_185 = arith.constant 16 : i32
        %broadcast_in_dim3A_186 = vector.broadcast %broadcast_in_dim3A_185 : i32 to vector<16xi32>
        %add3A_187 = arith.addi %broadcast_in_dim3A_186, %iota3A : vector<16xi32>
        %gather3A_188 = tpu.vector_load_idx %arg12[%add3A_187] : memref<2064xf32, #tpu.memory_space<vmem>>[vector<16xi32>], vector<16xf32>,
        %add3A_189 = arith.addf %broadcast_in_dim3A_184, %gather3A_188 : vector<16xf32>
        %broadcast_in_dim3A_190 = arith.constant 145 : i32
        %broadcast_in_dim3A_191 = vector.broadcast %broadcast_in_dim3A_190 : i32 to vector<16xi32>
        %add3A_192 = arith.addi %broadcast_in_dim3A_191, %iota3A : vector<16xi32>
        %gather3A_193 = tpu.vector_load_idx %arg12[%add3A_192] : memref<2064xf32, #tpu.memory_space<vmem>>[vector<16xi32>], vector<16xf32>,
        %add3A_194 = arith.addf %add3A_189, %gather3A_193 : vector<16xf32>
        %broadcast_in_dim3A_195 = arith.constant 274 : i32
        %broadcast_in_dim3A_196 = vector.broadcast %broadcast_in_dim3A_195 : i32 to vector<16xi32>
        %add3A_197 = arith.addi %broadcast_in_dim3A_196, %iota3A : vector<16xi32>
        %gather3A_198 = tpu.vector_load_idx %arg12[%add3A_197] : memref<2064xf32, #tpu.memory_space<vmem>>[vector<16xi32>], vector<16xf32>,
        %add3A_199 = arith.addf %add3A_194, %gather3A_198 : vector<16xf32>
        %broadcast_in_dim3A_200 = arith.constant 403 : i32
        %broadcast_in_dim3A_201 = vector.broadcast %broadcast_in_dim3A_200 : i32 to vector<16xi32>
        %add3A_202 = arith.addi %broadcast_in_dim3A_201, %iota3A : vector<16xi32>
        %gather3A_203 = tpu.vector_load_idx %arg12[%add3A_202] : memref<2064xf32, #tpu.memory_space<vmem>>[vector<16xi32>], vector<16xf32>,
        %add3A_204 = arith.addf %add3A_199, %gather3A_203 : vector<16xf32>
        %broadcast_in_dim3A_205 = arith.constant 532 : i32
        %broadcast_in_dim3A_206 = vector.broadcast %broadcast_in_dim3A_205 : i32 to vector<16xi32>
        %add3A_207 = arith.addi %broadcast_in_dim3A_206, %iota3A : vector<16xi32>
        %gather3A_208 = tpu.vector_load_idx %arg12[%add3A_207] : memref<2064xf32, #tpu.memory_space<vmem>>[vector<16xi32>], vector<16xf32>,
        %add3A_209 = arith.addf %add3A_204, %gather3A_208 : vector<16xf32>
        %broadcast_in_dim3A_210 = arith.constant 661 : i32
        %broadcast_in_dim3A_211 = vector.broadcast %broadcast_in_dim3A_210 : i32 to vector<16xi32>
        %add3A_212 = arith.addi %broadcast_in_dim3A_211, %iota3A : vector<16xi32>
        %gather3A_213 = tpu.vector_load_idx %arg12[%add3A_212] : memref<2064xf32, #tpu.memory_space<vmem>>[vector<16xi32>], vector<16xf32>,
        %add3A_214 = arith.addf %add3A_209, %gather3A_213 : vector<16xf32>
        %broadcast_in_dim3A_215 = arith.constant 790 : i32
        %broadcast_in_dim3A_216 = vector.broadcast %broadcast_in_dim3A_215 : i32 to vector<16xi32>
        %add3A_217 = arith.addi %broadcast_in_dim3A_216, %iota3A : vector<16xi32>
        %gather3A_218 = tpu.vector_load_idx %arg12[%add3A_217] : memref<2064xf32, #tpu.memory_space<vmem>>[vector<16xi32>], vector<16xf32>,
        %add3A_219 = arith.addf %add3A_214, %gather3A_218 : vector<16xf32>
        %broadcast_in_dim3A_220 = arith.constant 919 : i32
        %broadcast_in_dim3A_221 = vector.broadcast %broadcast_in_dim3A_220 : i32 to vector<16xi32>
        %add3A_222 = arith.addi %broadcast_in_dim3A_221, %iota3A : vector<16xi32>
        %gather3A_223 = tpu.vector_load_idx %arg12[%add3A_222] : memref<2064xf32, #tpu.memory_space<vmem>>[vector<16xi32>], vector<16xf32>,
        %add3A_224 = arith.addf %add3A_219, %gather3A_223 : vector<16xf32>
        %broadcast_in_dim3A_225 = arith.constant 1048 : i32
        %broadcast_in_dim3A_226 = vector.broadcast %broadcast_in_dim3A_225 : i32 to vector<16xi32>
        %add3A_227 = arith.addi %broadcast_in_dim3A_226, %iota3A : vector<16xi32>
        %gather3A_228 = tpu.vector_load_idx %arg12[%add3A_227] : memref<2064xf32, #tpu.memory_space<vmem>>[vector<16xi32>], vector<16xf32>,
        %add3A_229 = arith.addf %add3A_224, %gather3A_228 : vector<16xf32>
        %broadcast_in_dim3A_230 = arith.constant 1177 : i32
        %broadcast_in_dim3A_231 = vector.broadcast %broadcast_in_dim3A_230 : i32 to vector<16xi32>
        %add3A_232 = arith.addi %broadcast_in_dim3A_231, %iota3A : vector<16xi32>
        %gather3A_233 = tpu.vector_load_idx %arg12[%add3A_232] : memref<2064xf32, #tpu.memory_space<vmem>>[vector<16xi32>], vector<16xf32>,
        %add3A_234 = arith.addf %add3A_229, %gather3A_233 : vector<16xf32>
        %broadcast_in_dim3A_235 = arith.constant 1306 : i32
        %broadcast_in_dim3A_236 = vector.broadcast %broadcast_in_dim3A_235 : i32 to vector<16xi32>
        %add3A_237 = arith.addi %broadcast_in_dim3A_236, %iota3A : vector<16xi32>
        %gather3A_238 = tpu.vector_load_idx %arg12[%add3A_237] : memref<2064xf32, #tpu.memory_space<vmem>>[vector<16xi32>], vector<16xf32>,
        %add3A_239 = arith.addf %add3A_234, %gather3A_238 : vector<16xf32>
        %broadcast_in_dim3A_240 = arith.constant 1435 : i32
        %broadcast_in_dim3A_241 = vector.broadcast %broadcast_in_dim3A_240 : i32 to vector<16xi32>
        %add3A_242 = arith.addi %broadcast_in_dim3A_241, %iota3A : vector<16xi32>
        %gather3A_243 = tpu.vector_load_idx %arg12[%add3A_242] : memref<2064xf32, #tpu.memory_space<vmem>>[vector<16xi32>], vector<16xf32>,
        %add3A_244 = arith.addf %add3A_239, %gather3A_243 : vector<16xf32>
        %broadcast_in_dim3A_245 = arith.constant 1564 : i32
        %broadcast_in_dim3A_246 = vector.broadcast %broadcast_in_dim3A_245 : i32 to vector<16xi32>
        %add3A_247 = arith.addi %broadcast_in_dim3A_246, %iota3A : vector<16xi32>
        %gather3A_248 = tpu.vector_load_idx %arg12[%add3A_247] : memref<2064xf32, #tpu.memory_space<vmem>>[vector<16xi32>], vector<16xf32>,
        %add3A_249 = arith.addf %add3A_244, %gather3A_248 : vector<16xf32>
        %broadcast_in_dim3A_250 = arith.constant 1693 : i32
        %broadcast_in_dim3A_251 = vector.broadcast %broadcast_in_dim3A_250 : i32 to vector<16xi32>
        %add3A_252 = arith.addi %broadcast_in_dim3A_251, %iota3A : vector<16xi32>
        %gather3A_253 = tpu.vector_load_idx %arg12[%add3A_252] : memref<2064xf32, #tpu.memory_space<vmem>>[vector<16xi32>], vector<16xf32>,
        %add3A_254 = arith.addf %add3A_249, %gather3A_253 : vector<16xf32>
        %broadcast_in_dim3A_255 = arith.constant 1822 : i32
        %broadcast_in_dim3A_256 = vector.broadcast %broadcast_in_dim3A_255 : i32 to vector<16xi32>
        %add3A_257 = arith.addi %broadcast_in_dim3A_256, %iota3A : vector<16xi32>
        %gather3A_258 = tpu.vector_load_idx %arg12[%add3A_257] : memref<2064xf32, #tpu.memory_space<vmem>>[vector<16xi32>], vector<16xf32>,
        %add3A_259 = arith.addf %add3A_254, %gather3A_258 : vector<16xf32>
        %broadcast_in_dim3A_260 = arith.constant 1951 : i32
        %broadcast_in_dim3A_261 = vector.broadcast %broadcast_in_dim3A_260 : i32 to vector<16xi32>
        %add3A_262 = arith.addi %broadcast_in_dim3A_261, %iota3A : vector<16xi32>
        %gather3A_263 = tpu.vector_load_idx %arg12[%add3A_262] : memref<2064xf32, #tpu.memory_space<vmem>>[vector<16xi32>], vector<16xf32>,
        %add3A_264 = arith.addf %add3A_259, %gather3A_263 : vector<16xf32>
        %add3A_265 = arith.constant 16 : i32
        %add3A_266 = arith.addi %min3A_93, %add3A_265 : i32
        %swap3A_267 = arith.index_cast %add3A_266 : i32 to index
        %swap3A_268 = tpu.vector_load %arg8[%swap3A_267] {strides = array<i32>} : memref<10000xf32, #tpu.memory_space<vmem>>, vector<16xf32>,
        tpu.vector_store %arg8[%swap3A_267], %add3A_264 {strides = array<i32>} : memref<10000xf32, #tpu.memory_space<vmem>>, vector<16xf32>,
        %broadcast_in_dim3A_269 = arith.constant 0.000000e+00 : f32
        %broadcast_in_dim3A_270 = vector.broadcast %broadcast_in_dim3A_269 : f32 to vector<16xf32>
        %broadcast_in_dim3A_271 = arith.constant 32 : i32
        %broadcast_in_dim3A_272 = vector.broadcast %broadcast_in_dim3A_271 : i32 to vector<16xi32>
        %add3A_273 = arith.addi %broadcast_in_dim3A_272, %iota3A : vector<16xi32>
        %gather3A_274 = tpu.vector_load_idx %arg12[%add3A_273] : memref<2064xf32, #tpu.memory_space<vmem>>[vector<16xi32>], vector<16xf32>,
        %add3A_275 = arith.addf %broadcast_in_dim3A_270, %gather3A_274 : vector<16xf32>
        %broadcast_in_dim3A_276 = arith.constant 161 : i32
        %broadcast_in_dim3A_277 = vector.broadcast %broadcast_in_dim3A_276 : i32 to vector<16xi32>
        %add3A_278 = arith.addi %broadcast_in_dim3A_277, %iota3A : vector<16xi32>
        %gather3A_279 = tpu.vector_load_idx %arg12[%add3A_278] : memref<2064xf32, #tpu.memory_space<vmem>>[vector<16xi32>], vector<16xf32>,
        %add3A_280 = arith.addf %add3A_275, %gather3A_279 : vector<16xf32>
        %broadcast_in_dim3A_281 = arith.constant 290 : i32
        %broadcast_in_dim3A_282 = vector.broadcast %broadcast_in_dim3A_281 : i32 to vector<16xi32>
        %add3A_283 = arith.addi %broadcast_in_dim3A_282, %iota3A : vector<16xi32>
        %gather3A_284 = tpu.vector_load_idx %arg12[%add3A_283] : memref<2064xf32, #tpu.memory_space<vmem>>[vector<16xi32>], vector<16xf32>,
        %add3A_285 = arith.addf %add3A_280, %gather3A_284 : vector<16xf32>
        %broadcast_in_dim3A_286 = arith.constant 419 : i32
        %broadcast_in_dim3A_287 = vector.broadcast %broadcast_in_dim3A_286 : i32 to vector<16xi32>
        %add3A_288 = arith.addi %broadcast_in_dim3A_287, %iota3A : vector<16xi32>
        %gather3A_289 = tpu.vector_load_idx %arg12[%add3A_288] : memref<2064xf32, #tpu.memory_space<vmem>>[vector<16xi32>], vector<16xf32>,
        %add3A_290 = arith.addf %add3A_285, %gather3A_289 : vector<16xf32>
        %broadcast_in_dim3A_291 = arith.constant 548 : i32
        %broadcast_in_dim3A_292 = vector.broadcast %broadcast_in_dim3A_291 : i32 to vector<16xi32>
        %add3A_293 = arith.addi %broadcast_in_dim3A_292, %iota3A : vector<16xi32>
        %gather3A_294 = tpu.vector_load_idx %arg12[%add3A_293] : memref<2064xf32, #tpu.memory_space<vmem>>[vector<16xi32>], vector<16xf32>,
        %add3A_295 = arith.addf %add3A_290, %gather3A_294 : vector<16xf32>
        %broadcast_in_dim3A_296 = arith.constant 677 : i32
        %broadcast_in_dim3A_297 = vector.broadcast %broadcast_in_dim3A_296 : i32 to vector<16xi32>
        %add3A_298 = arith.addi %broadcast_in_dim3A_297, %iota3A : vector<16xi32>
        %gather3A_299 = tpu.vector_load_idx %arg12[%add3A_298] : memref<2064xf32, #tpu.memory_space<vmem>>[vector<16xi32>], vector<16xf32>,
        %add3A_300 = arith.addf %add3A_295, %gather3A_299 : vector<16xf32>
        %broadcast_in_dim3A_301 = arith.constant 806 : i32
        %broadcast_in_dim3A_302 = vector.broadcast %broadcast_in_dim3A_301 : i32 to vector<16xi32>
        %add3A_303 = arith.addi %broadcast_in_dim3A_302, %iota3A : vector<16xi32>
        %gather3A_304 = tpu.vector_load_idx %arg12[%add3A_303] : memref<2064xf32, #tpu.memory_space<vmem>>[vector<16xi32>], vector<16xf32>,
        %add3A_305 = arith.addf %add3A_300, %gather3A_304 : vector<16xf32>
        %broadcast_in_dim3A_306 = arith.constant 935 : i32
        %broadcast_in_dim3A_307 = vector.broadcast %broadcast_in_dim3A_306 : i32 to vector<16xi32>
        %add3A_308 = arith.addi %broadcast_in_dim3A_307, %iota3A : vector<16xi32>
        %gather3A_309 = tpu.vector_load_idx %arg12[%add3A_308] : memref<2064xf32, #tpu.memory_space<vmem>>[vector<16xi32>], vector<16xf32>,
        %add3A_310 = arith.addf %add3A_305, %gather3A_309 : vector<16xf32>
        %broadcast_in_dim3A_311 = arith.constant 1064 : i32
        %broadcast_in_dim3A_312 = vector.broadcast %broadcast_in_dim3A_311 : i32 to vector<16xi32>
        %add3A_313 = arith.addi %broadcast_in_dim3A_312, %iota3A : vector<16xi32>
        %gather3A_314 = tpu.vector_load_idx %arg12[%add3A_313] : memref<2064xf32, #tpu.memory_space<vmem>>[vector<16xi32>], vector<16xf32>,
        %add3A_315 = arith.addf %add3A_310, %gather3A_314 : vector<16xf32>
        %broadcast_in_dim3A_316 = arith.constant 1193 : i32
        %broadcast_in_dim3A_317 = vector.broadcast %broadcast_in_dim3A_316 : i32 to vector<16xi32>
        %add3A_318 = arith.addi %broadcast_in_dim3A_317, %iota3A : vector<16xi32>
        %gather3A_319 = tpu.vector_load_idx %arg12[%add3A_318] : memref<2064xf32, #tpu.memory_space<vmem>>[vector<16xi32>], vector<16xf32>,
        %add3A_320 = arith.addf %add3A_315, %gather3A_319 : vector<16xf32>
        %broadcast_in_dim3A_321 = arith.constant 1322 : i32
        %broadcast_in_dim3A_322 = vector.broadcast %broadcast_in_dim3A_321 : i32 to vector<16xi32>
        %add3A_323 = arith.addi %broadcast_in_dim3A_322, %iota3A : vector<16xi32>
        %gather3A_324 = tpu.vector_load_idx %arg12[%add3A_323] : memref<2064xf32, #tpu.memory_space<vmem>>[vector<16xi32>], vector<16xf32>,
        %add3A_325 = arith.addf %add3A_320, %gather3A_324 : vector<16xf32>
        %broadcast_in_dim3A_326 = arith.constant 1451 : i32
        %broadcast_in_dim3A_327 = vector.broadcast %broadcast_in_dim3A_326 : i32 to vector<16xi32>
        %add3A_328 = arith.addi %broadcast_in_dim3A_327, %iota3A : vector<16xi32>
        %gather3A_329 = tpu.vector_load_idx %arg12[%add3A_328] : memref<2064xf32, #tpu.memory_space<vmem>>[vector<16xi32>], vector<16xf32>,
        %add3A_330 = arith.addf %add3A_325, %gather3A_329 : vector<16xf32>
        %broadcast_in_dim3A_331 = arith.constant 1580 : i32
        %broadcast_in_dim3A_332 = vector.broadcast %broadcast_in_dim3A_331 : i32 to vector<16xi32>
        %add3A_333 = arith.addi %broadcast_in_dim3A_332, %iota3A : vector<16xi32>
        %gather3A_334 = tpu.vector_load_idx %arg12[%add3A_333] : memref<2064xf32, #tpu.memory_space<vmem>>[vector<16xi32>], vector<16xf32>,
        %add3A_335 = arith.addf %add3A_330, %gather3A_334 : vector<16xf32>
        %broadcast_in_dim3A_336 = arith.constant 1709 : i32
        %broadcast_in_dim3A_337 = vector.broadcast %broadcast_in_dim3A_336 : i32 to vector<16xi32>
        %add3A_338 = arith.addi %broadcast_in_dim3A_337, %iota3A : vector<16xi32>
        %gather3A_339 = tpu.vector_load_idx %arg12[%add3A_338] : memref<2064xf32, #tpu.memory_space<vmem>>[vector<16xi32>], vector<16xf32>,
        %add3A_340 = arith.addf %add3A_335, %gather3A_339 : vector<16xf32>
        %broadcast_in_dim3A_341 = arith.constant 1838 : i32
        %broadcast_in_dim3A_342 = vector.broadcast %broadcast_in_dim3A_341 : i32 to vector<16xi32>
        %add3A_343 = arith.addi %broadcast_in_dim3A_342, %iota3A : vector<16xi32>
        %gather3A_344 = tpu.vector_load_idx %arg12[%add3A_343] : memref<2064xf32, #tpu.memory_space<vmem>>[vector<16xi32>], vector<16xf32>,
        %add3A_345 = arith.addf %add3A_340, %gather3A_344 : vector<16xf32>
        %broadcast_in_dim3A_346 = arith.constant 1967 : i32
        %broadcast_in_dim3A_347 = vector.broadcast %broadcast_in_dim3A_346 : i32 to vector<16xi32>
        %add3A_348 = arith.addi %broadcast_in_dim3A_347, %iota3A : vector<16xi32>
        %gather3A_349 = tpu.vector_load_idx %arg12[%add3A_348] : memref<2064xf32, #tpu.memory_space<vmem>>[vector<16xi32>], vector<16xf32>,
        %add3A_350 = arith.addf %add3A_345, %gather3A_349 : vector<16xf32>
        %add3A_351 = arith.constant 32 : i32
        %add3A_352 = arith.addi %min3A_93, %add3A_351 : i32
        %swap3A_353 = arith.index_cast %add3A_352 : i32 to index
        %swap3A_354 = tpu.vector_load %arg8[%swap3A_353] {strides = array<i32>} : memref<10000xf32, #tpu.memory_space<vmem>>, vector<16xf32>,
        tpu.vector_store %arg8[%swap3A_353], %add3A_350 {strides = array<i32>} : memref<10000xf32, #tpu.memory_space<vmem>>, vector<16xf32>,
        %broadcast_in_dim3A_355 = arith.constant 0.000000e+00 : f32
        %broadcast_in_dim3A_356 = vector.broadcast %broadcast_in_dim3A_355 : f32 to vector<16xf32>
        %broadcast_in_dim3A_357 = arith.constant 48 : i32
        %broadcast_in_dim3A_358 = vector.broadcast %broadcast_in_dim3A_357 : i32 to vector<16xi32>
        %add3A_359 = arith.addi %broadcast_in_dim3A_358, %iota3A : vector<16xi32>
        %gather3A_360 = tpu.vector_load_idx %arg12[%add3A_359] : memref<2064xf32, #tpu.memory_space<vmem>>[vector<16xi32>], vector<16xf32>,
        %add3A_361 = arith.addf %broadcast_in_dim3A_356, %gather3A_360 : vector<16xf32>
        %broadcast_in_dim3A_362 = arith.constant 177 : i32
        %broadcast_in_dim3A_363 = vector.broadcast %broadcast_in_dim3A_362 : i32 to vector<16xi32>
        %add3A_364 = arith.addi %broadcast_in_dim3A_363, %iota3A : vector<16xi32>
        %gather3A_365 = tpu.vector_load_idx %arg12[%add3A_364] : memref<2064xf32, #tpu.memory_space<vmem>>[vector<16xi32>], vector<16xf32>,
        %add3A_366 = arith.addf %add3A_361, %gather3A_365 : vector<16xf32>
        %broadcast_in_dim3A_367 = arith.constant 306 : i32
        %broadcast_in_dim3A_368 = vector.broadcast %broadcast_in_dim3A_367 : i32 to vector<16xi32>
        %add3A_369 = arith.addi %broadcast_in_dim3A_368, %iota3A : vector<16xi32>
        %gather3A_370 = tpu.vector_load_idx %arg12[%add3A_369] : memref<2064xf32, #tpu.memory_space<vmem>>[vector<16xi32>], vector<16xf32>,
        %add3A_371 = arith.addf %add3A_366, %gather3A_370 : vector<16xf32>
        %broadcast_in_dim3A_372 = arith.constant 435 : i32
        %broadcast_in_dim3A_373 = vector.broadcast %broadcast_in_dim3A_372 : i32 to vector<16xi32>
        %add3A_374 = arith.addi %broadcast_in_dim3A_373, %iota3A : vector<16xi32>
        %gather3A_375 = tpu.vector_load_idx %arg12[%add3A_374] : memref<2064xf32, #tpu.memory_space<vmem>>[vector<16xi32>], vector<16xf32>,
        %add3A_376 = arith.addf %add3A_371, %gather3A_375 : vector<16xf32>
        %broadcast_in_dim3A_377 = arith.constant 564 : i32
        %broadcast_in_dim3A_378 = vector.broadcast %broadcast_in_dim3A_377 : i32 to vector<16xi32>
        %add3A_379 = arith.addi %broadcast_in_dim3A_378, %iota3A : vector<16xi32>
        %gather3A_380 = tpu.vector_load_idx %arg12[%add3A_379] : memref<2064xf32, #tpu.memory_space<vmem>>[vector<16xi32>], vector<16xf32>,
        %add3A_381 = arith.addf %add3A_376, %gather3A_380 : vector<16xf32>
        %broadcast_in_dim3A_382 = arith.constant 693 : i32
        %broadcast_in_dim3A_383 = vector.broadcast %broadcast_in_dim3A_382 : i32 to vector<16xi32>
        %add3A_384 = arith.addi %broadcast_in_dim3A_383, %iota3A : vector<16xi32>
        %gather3A_385 = tpu.vector_load_idx %arg12[%add3A_384] : memref<2064xf32, #tpu.memory_space<vmem>>[vector<16xi32>], vector<16xf32>,
        %add3A_386 = arith.addf %add3A_381, %gather3A_385 : vector<16xf32>
        %broadcast_in_dim3A_387 = arith.constant 822 : i32
        %broadcast_in_dim3A_388 = vector.broadcast %broadcast_in_dim3A_387 : i32 to vector<16xi32>
        %add3A_389 = arith.addi %broadcast_in_dim3A_388, %iota3A : vector<16xi32>
        %gather3A_390 = tpu.vector_load_idx %arg12[%add3A_389] : memref<2064xf32, #tpu.memory_space<vmem>>[vector<16xi32>], vector<16xf32>,
        %add3A_391 = arith.addf %add3A_386, %gather3A_390 : vector<16xf32>
        %broadcast_in_dim3A_392 = arith.constant 951 : i32
        %broadcast_in_dim3A_393 = vector.broadcast %broadcast_in_dim3A_392 : i32 to vector<16xi32>
        %add3A_394 = arith.addi %broadcast_in_dim3A_393, %iota3A : vector<16xi32>
        %gather3A_395 = tpu.vector_load_idx %arg12[%add3A_394] : memref<2064xf32, #tpu.memory_space<vmem>>[vector<16xi32>], vector<16xf32>,
        %add3A_396 = arith.addf %add3A_391, %gather3A_395 : vector<16xf32>
        %broadcast_in_dim3A_397 = arith.constant 1080 : i32
        %broadcast_in_dim3A_398 = vector.broadcast %broadcast_in_dim3A_397 : i32 to vector<16xi32>
        %add3A_399 = arith.addi %broadcast_in_dim3A_398, %iota3A : vector<16xi32>
        %gather3A_400 = tpu.vector_load_idx %arg12[%add3A_399] : memref<2064xf32, #tpu.memory_space<vmem>>[vector<16xi32>], vector<16xf32>,
        %add3A_401 = arith.addf %add3A_396, %gather3A_400 : vector<16xf32>
        %broadcast_in_dim3A_402 = arith.constant 1209 : i32
        %broadcast_in_dim3A_403 = vector.broadcast %broadcast_in_dim3A_402 : i32 to vector<16xi32>
        %add3A_404 = arith.addi %broadcast_in_dim3A_403, %iota3A : vector<16xi32>
        %gather3A_405 = tpu.vector_load_idx %arg12[%add3A_404] : memref<2064xf32, #tpu.memory_space<vmem>>[vector<16xi32>], vector<16xf32>,
        %add3A_406 = arith.addf %add3A_401, %gather3A_405 : vector<16xf32>
        %broadcast_in_dim3A_407 = arith.constant 1338 : i32
        %broadcast_in_dim3A_408 = vector.broadcast %broadcast_in_dim3A_407 : i32 to vector<16xi32>
        %add3A_409 = arith.addi %broadcast_in_dim3A_408, %iota3A : vector<16xi32>
        %gather3A_410 = tpu.vector_load_idx %arg12[%add3A_409] : memref<2064xf32, #tpu.memory_space<vmem>>[vector<16xi32>], vector<16xf32>,
        %add3A_411 = arith.addf %add3A_406, %gather3A_410 : vector<16xf32>
        %broadcast_in_dim3A_412 = arith.constant 1467 : i32
        %broadcast_in_dim3A_413 = vector.broadcast %broadcast_in_dim3A_412 : i32 to vector<16xi32>
        %add3A_414 = arith.addi %broadcast_in_dim3A_413, %iota3A : vector<16xi32>
        %gather3A_415 = tpu.vector_load_idx %arg12[%add3A_414] : memref<2064xf32, #tpu.memory_space<vmem>>[vector<16xi32>], vector<16xf32>,
        %add3A_416 = arith.addf %add3A_411, %gather3A_415 : vector<16xf32>
        %broadcast_in_dim3A_417 = arith.constant 1596 : i32
        %broadcast_in_dim3A_418 = vector.broadcast %broadcast_in_dim3A_417 : i32 to vector<16xi32>
        %add3A_419 = arith.addi %broadcast_in_dim3A_418, %iota3A : vector<16xi32>
        %gather3A_420 = tpu.vector_load_idx %arg12[%add3A_419] : memref<2064xf32, #tpu.memory_space<vmem>>[vector<16xi32>], vector<16xf32>,
        %add3A_421 = arith.addf %add3A_416, %gather3A_420 : vector<16xf32>
        %broadcast_in_dim3A_422 = arith.constant 1725 : i32
        %broadcast_in_dim3A_423 = vector.broadcast %broadcast_in_dim3A_422 : i32 to vector<16xi32>
        %add3A_424 = arith.addi %broadcast_in_dim3A_423, %iota3A : vector<16xi32>
        %gather3A_425 = tpu.vector_load_idx %arg12[%add3A_424] : memref<2064xf32, #tpu.memory_space<vmem>>[vector<16xi32>], vector<16xf32>,
        %add3A_426 = arith.addf %add3A_421, %gather3A_425 : vector<16xf32>
        %broadcast_in_dim3A_427 = arith.constant 1854 : i32
        %broadcast_in_dim3A_428 = vector.broadcast %broadcast_in_dim3A_427 : i32 to vector<16xi32>
        %add3A_429 = arith.addi %broadcast_in_dim3A_428, %iota3A : vector<16xi32>
        %gather3A_430 = tpu.vector_load_idx %arg12[%add3A_429] : memref<2064xf32, #tpu.memory_space<vmem>>[vector<16xi32>], vector<16xf32>,
        %add3A_431 = arith.addf %add3A_426, %gather3A_430 : vector<16xf32>
        %broadcast_in_dim3A_432 = arith.constant 1983 : i32
        %broadcast_in_dim3A_433 = vector.broadcast %broadcast_in_dim3A_432 : i32 to vector<16xi32>
        %add3A_434 = arith.addi %broadcast_in_dim3A_433, %iota3A : vector<16xi32>
        %gather3A_435 = tpu.vector_load_idx %arg12[%add3A_434] : memref<2064xf32, #tpu.memory_space<vmem>>[vector<16xi32>], vector<16xf32>,
        %add3A_436 = arith.addf %add3A_431, %gather3A_435 : vector<16xf32>
        %add3A_437 = arith.constant 48 : i32
        %add3A_438 = arith.addi %min3A_93, %add3A_437 : i32
        %swap3A_439 = arith.index_cast %add3A_438 : i32 to index
        %swap3A_440 = tpu.vector_load %arg8[%swap3A_439] {strides = array<i32>} : memref<10000xf32, #tpu.memory_space<vmem>>, vector<16xf32>,
        tpu.vector_store %arg8[%swap3A_439], %add3A_436 {strides = array<i32>} : memref<10000xf32, #tpu.memory_space<vmem>>, vector<16xf32>,
        %broadcast_in_dim3A_441 = arith.constant 0.000000e+00 : f32
        %broadcast_in_dim3A_442 = vector.broadcast %broadcast_in_dim3A_441 : f32 to vector<16xf32>
        %broadcast_in_dim3A_443 = arith.constant 64 : i32
        %broadcast_in_dim3A_444 = vector.broadcast %broadcast_in_dim3A_443 : i32 to vector<16xi32>
        %add3A_445 = arith.addi %broadcast_in_dim3A_444, %iota3A : vector<16xi32>
        %gather3A_446 = tpu.vector_load_idx %arg12[%add3A_445] : memref<2064xf32, #tpu.memory_space<vmem>>[vector<16xi32>], vector<16xf32>,
        %add3A_447 = arith.addf %broadcast_in_dim3A_442, %gather3A_446 : vector<16xf32>
        %broadcast_in_dim3A_448 = arith.constant 193 : i32
        %broadcast_in_dim3A_449 = vector.broadcast %broadcast_in_dim3A_448 : i32 to vector<16xi32>
        %add3A_450 = arith.addi %broadcast_in_dim3A_449, %iota3A : vector<16xi32>
        %gather3A_451 = tpu.vector_load_idx %arg12[%add3A_450] : memref<2064xf32, #tpu.memory_space<vmem>>[vector<16xi32>], vector<16xf32>,
        %add3A_452 = arith.addf %add3A_447, %gather3A_451 : vector<16xf32>
        %broadcast_in_dim3A_453 = arith.constant 322 : i32
        %broadcast_in_dim3A_454 = vector.broadcast %broadcast_in_dim3A_453 : i32 to vector<16xi32>
        %add3A_455 = arith.addi %broadcast_in_dim3A_454, %iota3A : vector<16xi32>
        %gather3A_456 = tpu.vector_load_idx %arg12[%add3A_455] : memref<2064xf32, #tpu.memory_space<vmem>>[vector<16xi32>], vector<16xf32>,
        %add3A_457 = arith.addf %add3A_452, %gather3A_456 : vector<16xf32>
        %broadcast_in_dim3A_458 = arith.constant 451 : i32
        %broadcast_in_dim3A_459 = vector.broadcast %broadcast_in_dim3A_458 : i32 to vector<16xi32>
        %add3A_460 = arith.addi %broadcast_in_dim3A_459, %iota3A : vector<16xi32>
        %gather3A_461 = tpu.vector_load_idx %arg12[%add3A_460] : memref<2064xf32, #tpu.memory_space<vmem>>[vector<16xi32>], vector<16xf32>,
        %add3A_462 = arith.addf %add3A_457, %gather3A_461 : vector<16xf32>
        %broadcast_in_dim3A_463 = arith.constant 580 : i32
        %broadcast_in_dim3A_464 = vector.broadcast %broadcast_in_dim3A_463 : i32 to vector<16xi32>
        %add3A_465 = arith.addi %broadcast_in_dim3A_464, %iota3A : vector<16xi32>
        %gather3A_466 = tpu.vector_load_idx %arg12[%add3A_465] : memref<2064xf32, #tpu.memory_space<vmem>>[vector<16xi32>], vector<16xf32>,
        %add3A_467 = arith.addf %add3A_462, %gather3A_466 : vector<16xf32>
        %broadcast_in_dim3A_468 = arith.constant 709 : i32
        %broadcast_in_dim3A_469 = vector.broadcast %broadcast_in_dim3A_468 : i32 to vector<16xi32>
        %add3A_470 = arith.addi %broadcast_in_dim3A_469, %iota3A : vector<16xi32>
        %gather3A_471 = tpu.vector_load_idx %arg12[%add3A_470] : memref<2064xf32, #tpu.memory_space<vmem>>[vector<16xi32>], vector<16xf32>,
        %add3A_472 = arith.addf %add3A_467, %gather3A_471 : vector<16xf32>
        %broadcast_in_dim3A_473 = arith.constant 838 : i32
        %broadcast_in_dim3A_474 = vector.broadcast %broadcast_in_dim3A_473 : i32 to vector<16xi32>
        %add3A_475 = arith.addi %broadcast_in_dim3A_474, %iota3A : vector<16xi32>
        %gather3A_476 = tpu.vector_load_idx %arg12[%add3A_475] : memref<2064xf32, #tpu.memory_space<vmem>>[vector<16xi32>], vector<16xf32>,
        %add3A_477 = arith.addf %add3A_472, %gather3A_476 : vector<16xf32>
        %broadcast_in_dim3A_478 = arith.constant 967 : i32
        %broadcast_in_dim3A_479 = vector.broadcast %broadcast_in_dim3A_478 : i32 to vector<16xi32>
        %add3A_480 = arith.addi %broadcast_in_dim3A_479, %iota3A : vector<16xi32>
        %gather3A_481 = tpu.vector_load_idx %arg12[%add3A_480] : memref<2064xf32, #tpu.memory_space<vmem>>[vector<16xi32>], vector<16xf32>,
        %add3A_482 = arith.addf %add3A_477, %gather3A_481 : vector<16xf32>
        %broadcast_in_dim3A_483 = arith.constant 1096 : i32
        %broadcast_in_dim3A_484 = vector.broadcast %broadcast_in_dim3A_483 : i32 to vector<16xi32>
        %add3A_485 = arith.addi %broadcast_in_dim3A_484, %iota3A : vector<16xi32>
        %gather3A_486 = tpu.vector_load_idx %arg12[%add3A_485] : memref<2064xf32, #tpu.memory_space<vmem>>[vector<16xi32>], vector<16xf32>,
        %add3A_487 = arith.addf %add3A_482, %gather3A_486 : vector<16xf32>
        %broadcast_in_dim3A_488 = arith.constant 1225 : i32
        %broadcast_in_dim3A_489 = vector.broadcast %broadcast_in_dim3A_488 : i32 to vector<16xi32>
        %add3A_490 = arith.addi %broadcast_in_dim3A_489, %iota3A : vector<16xi32>
        %gather3A_491 = tpu.vector_load_idx %arg12[%add3A_490] : memref<2064xf32, #tpu.memory_space<vmem>>[vector<16xi32>], vector<16xf32>,
        %add3A_492 = arith.addf %add3A_487, %gather3A_491 : vector<16xf32>
        %broadcast_in_dim3A_493 = arith.constant 1354 : i32
        %broadcast_in_dim3A_494 = vector.broadcast %broadcast_in_dim3A_493 : i32 to vector<16xi32>
        %add3A_495 = arith.addi %broadcast_in_dim3A_494, %iota3A : vector<16xi32>
        %gather3A_496 = tpu.vector_load_idx %arg12[%add3A_495] : memref<2064xf32, #tpu.memory_space<vmem>>[vector<16xi32>], vector<16xf32>,
        %add3A_497 = arith.addf %add3A_492, %gather3A_496 : vector<16xf32>
        %broadcast_in_dim3A_498 = arith.constant 1483 : i32
        %broadcast_in_dim3A_499 = vector.broadcast %broadcast_in_dim3A_498 : i32 to vector<16xi32>
        %add3A_500 = arith.addi %broadcast_in_dim3A_499, %iota3A : vector<16xi32>
        %gather3A_501 = tpu.vector_load_idx %arg12[%add3A_500] : memref<2064xf32, #tpu.memory_space<vmem>>[vector<16xi32>], vector<16xf32>,
        %add3A_502 = arith.addf %add3A_497, %gather3A_501 : vector<16xf32>
        %broadcast_in_dim3A_503 = arith.constant 1612 : i32
        %broadcast_in_dim3A_504 = vector.broadcast %broadcast_in_dim3A_503 : i32 to vector<16xi32>
        %add3A_505 = arith.addi %broadcast_in_dim3A_504, %iota3A : vector<16xi32>
        %gather3A_506 = tpu.vector_load_idx %arg12[%add3A_505] : memref<2064xf32, #tpu.memory_space<vmem>>[vector<16xi32>], vector<16xf32>,
        %add3A_507 = arith.addf %add3A_502, %gather3A_506 : vector<16xf32>
        %broadcast_in_dim3A_508 = arith.constant 1741 : i32
        %broadcast_in_dim3A_509 = vector.broadcast %broadcast_in_dim3A_508 : i32 to vector<16xi32>
        %add3A_510 = arith.addi %broadcast_in_dim3A_509, %iota3A : vector<16xi32>
        %gather3A_511 = tpu.vector_load_idx %arg12[%add3A_510] : memref<2064xf32, #tpu.memory_space<vmem>>[vector<16xi32>], vector<16xf32>,
        %add3A_512 = arith.addf %add3A_507, %gather3A_511 : vector<16xf32>
        %broadcast_in_dim3A_513 = arith.constant 1870 : i32
        %broadcast_in_dim3A_514 = vector.broadcast %broadcast_in_dim3A_513 : i32 to vector<16xi32>
        %add3A_515 = arith.addi %broadcast_in_dim3A_514, %iota3A : vector<16xi32>
        %gather3A_516 = tpu.vector_load_idx %arg12[%add3A_515] : memref<2064xf32, #tpu.memory_space<vmem>>[vector<16xi32>], vector<16xf32>,
        %add3A_517 = arith.addf %add3A_512, %gather3A_516 : vector<16xf32>
        %broadcast_in_dim3A_518 = arith.constant 1999 : i32
        %broadcast_in_dim3A_519 = vector.broadcast %broadcast_in_dim3A_518 : i32 to vector<16xi32>
        %add3A_520 = arith.addi %broadcast_in_dim3A_519, %iota3A : vector<16xi32>
        %gather3A_521 = tpu.vector_load_idx %arg12[%add3A_520] : memref<2064xf32, #tpu.memory_space<vmem>>[vector<16xi32>], vector<16xf32>,
        %add3A_522 = arith.addf %add3A_517, %gather3A_521 : vector<16xf32>
        %add3A_523 = arith.constant 64 : i32
        %add3A_524 = arith.addi %min3A_93, %add3A_523 : i32
        %swap3A_525 = arith.index_cast %add3A_524 : i32 to index
        %swap3A_526 = tpu.vector_load %arg8[%swap3A_525] {strides = array<i32>} : memref<10000xf32, #tpu.memory_space<vmem>>, vector<16xf32>,
        tpu.vector_store %arg8[%swap3A_525], %add3A_522 {strides = array<i32>} : memref<10000xf32, #tpu.memory_space<vmem>>, vector<16xf32>,
        %broadcast_in_dim3A_527 = arith.constant 0.000000e+00 : f32
        %broadcast_in_dim3A_528 = vector.broadcast %broadcast_in_dim3A_527 : f32 to vector<16xf32>
        %broadcast_in_dim3A_529 = arith.constant 80 : i32
        %broadcast_in_dim3A_530 = vector.broadcast %broadcast_in_dim3A_529 : i32 to vector<16xi32>
        %add3A_531 = arith.addi %broadcast_in_dim3A_530, %iota3A : vector<16xi32>
        %gather3A_532 = tpu.vector_load_idx %arg12[%add3A_531] : memref<2064xf32, #tpu.memory_space<vmem>>[vector<16xi32>], vector<16xf32>,
        %add3A_533 = arith.addf %broadcast_in_dim3A_528, %gather3A_532 : vector<16xf32>
        %broadcast_in_dim3A_534 = arith.constant 209 : i32
        %broadcast_in_dim3A_535 = vector.broadcast %broadcast_in_dim3A_534 : i32 to vector<16xi32>
        %add3A_536 = arith.addi %broadcast_in_dim3A_535, %iota3A : vector<16xi32>
        %gather3A_537 = tpu.vector_load_idx %arg12[%add3A_536] : memref<2064xf32, #tpu.memory_space<vmem>>[vector<16xi32>], vector<16xf32>,
        %add3A_538 = arith.addf %add3A_533, %gather3A_537 : vector<16xf32>
        %broadcast_in_dim3A_539 = arith.constant 338 : i32
        %broadcast_in_dim3A_540 = vector.broadcast %broadcast_in_dim3A_539 : i32 to vector<16xi32>
        %add3A_541 = arith.addi %broadcast_in_dim3A_540, %iota3A : vector<16xi32>
        %gather3A_542 = tpu.vector_load_idx %arg12[%add3A_541] : memref<2064xf32, #tpu.memory_space<vmem>>[vector<16xi32>], vector<16xf32>,
        %add3A_543 = arith.addf %add3A_538, %gather3A_542 : vector<16xf32>
        %broadcast_in_dim3A_544 = arith.constant 467 : i32
        %broadcast_in_dim3A_545 = vector.broadcast %broadcast_in_dim3A_544 : i32 to vector<16xi32>
        %add3A_546 = arith.addi %broadcast_in_dim3A_545, %iota3A : vector<16xi32>
        %gather3A_547 = tpu.vector_load_idx %arg12[%add3A_546] : memref<2064xf32, #tpu.memory_space<vmem>>[vector<16xi32>], vector<16xf32>,
        %add3A_548 = arith.addf %add3A_543, %gather3A_547 : vector<16xf32>
        %broadcast_in_dim3A_549 = arith.constant 596 : i32
        %broadcast_in_dim3A_550 = vector.broadcast %broadcast_in_dim3A_549 : i32 to vector<16xi32>
        %add3A_551 = arith.addi %broadcast_in_dim3A_550, %iota3A : vector<16xi32>
        %gather3A_552 = tpu.vector_load_idx %arg12[%add3A_551] : memref<2064xf32, #tpu.memory_space<vmem>>[vector<16xi32>], vector<16xf32>,
        %add3A_553 = arith.addf %add3A_548, %gather3A_552 : vector<16xf32>
        %broadcast_in_dim3A_554 = arith.constant 725 : i32
        %broadcast_in_dim3A_555 = vector.broadcast %broadcast_in_dim3A_554 : i32 to vector<16xi32>
        %add3A_556 = arith.addi %broadcast_in_dim3A_555, %iota3A : vector<16xi32>
        %gather3A_557 = tpu.vector_load_idx %arg12[%add3A_556] : memref<2064xf32, #tpu.memory_space<vmem>>[vector<16xi32>], vector<16xf32>,
        %add3A_558 = arith.addf %add3A_553, %gather3A_557 : vector<16xf32>
        %broadcast_in_dim3A_559 = arith.constant 854 : i32
        %broadcast_in_dim3A_560 = vector.broadcast %broadcast_in_dim3A_559 : i32 to vector<16xi32>
        %add3A_561 = arith.addi %broadcast_in_dim3A_560, %iota3A : vector<16xi32>
        %gather3A_562 = tpu.vector_load_idx %arg12[%add3A_561] : memref<2064xf32, #tpu.memory_space<vmem>>[vector<16xi32>], vector<16xf32>,
        %add3A_563 = arith.addf %add3A_558, %gather3A_562 : vector<16xf32>
        %broadcast_in_dim3A_564 = arith.constant 983 : i32
        %broadcast_in_dim3A_565 = vector.broadcast %broadcast_in_dim3A_564 : i32 to vector<16xi32>
        %add3A_566 = arith.addi %broadcast_in_dim3A_565, %iota3A : vector<16xi32>
        %gather3A_567 = tpu.vector_load_idx %arg12[%add3A_566] : memref<2064xf32, #tpu.memory_space<vmem>>[vector<16xi32>], vector<16xf32>,
        %add3A_568 = arith.addf %add3A_563, %gather3A_567 : vector<16xf32>
        %broadcast_in_dim3A_569 = arith.constant 1112 : i32
        %broadcast_in_dim3A_570 = vector.broadcast %broadcast_in_dim3A_569 : i32 to vector<16xi32>
        %add3A_571 = arith.addi %broadcast_in_dim3A_570, %iota3A : vector<16xi32>
        %gather3A_572 = tpu.vector_load_idx %arg12[%add3A_571] : memref<2064xf32, #tpu.memory_space<vmem>>[vector<16xi32>], vector<16xf32>,
        %add3A_573 = arith.addf %add3A_568, %gather3A_572 : vector<16xf32>
        %broadcast_in_dim3A_574 = arith.constant 1241 : i32
        %broadcast_in_dim3A_575 = vector.broadcast %broadcast_in_dim3A_574 : i32 to vector<16xi32>
        %add3A_576 = arith.addi %broadcast_in_dim3A_575, %iota3A : vector<16xi32>
        %gather3A_577 = tpu.vector_load_idx %arg12[%add3A_576] : memref<2064xf32, #tpu.memory_space<vmem>>[vector<16xi32>], vector<16xf32>,
        %add3A_578 = arith.addf %add3A_573, %gather3A_577 : vector<16xf32>
        %broadcast_in_dim3A_579 = arith.constant 1370 : i32
        %broadcast_in_dim3A_580 = vector.broadcast %broadcast_in_dim3A_579 : i32 to vector<16xi32>
        %add3A_581 = arith.addi %broadcast_in_dim3A_580, %iota3A : vector<16xi32>
        %gather3A_582 = tpu.vector_load_idx %arg12[%add3A_581] : memref<2064xf32, #tpu.memory_space<vmem>>[vector<16xi32>], vector<16xf32>,
        %add3A_583 = arith.addf %add3A_578, %gather3A_582 : vector<16xf32>
        %broadcast_in_dim3A_584 = arith.constant 1499 : i32
        %broadcast_in_dim3A_585 = vector.broadcast %broadcast_in_dim3A_584 : i32 to vector<16xi32>
        %add3A_586 = arith.addi %broadcast_in_dim3A_585, %iota3A : vector<16xi32>
        %gather3A_587 = tpu.vector_load_idx %arg12[%add3A_586] : memref<2064xf32, #tpu.memory_space<vmem>>[vector<16xi32>], vector<16xf32>,
        %add3A_588 = arith.addf %add3A_583, %gather3A_587 : vector<16xf32>
        %broadcast_in_dim3A_589 = arith.constant 1628 : i32
        %broadcast_in_dim3A_590 = vector.broadcast %broadcast_in_dim3A_589 : i32 to vector<16xi32>
        %add3A_591 = arith.addi %broadcast_in_dim3A_590, %iota3A : vector<16xi32>
        %gather3A_592 = tpu.vector_load_idx %arg12[%add3A_591] : memref<2064xf32, #tpu.memory_space<vmem>>[vector<16xi32>], vector<16xf32>,
        %add3A_593 = arith.addf %add3A_588, %gather3A_592 : vector<16xf32>
        %broadcast_in_dim3A_594 = arith.constant 1757 : i32
        %broadcast_in_dim3A_595 = vector.broadcast %broadcast_in_dim3A_594 : i32 to vector<16xi32>
        %add3A_596 = arith.addi %broadcast_in_dim3A_595, %iota3A : vector<16xi32>
        %gather3A_597 = tpu.vector_load_idx %arg12[%add3A_596] : memref<2064xf32, #tpu.memory_space<vmem>>[vector<16xi32>], vector<16xf32>,
        %add3A_598 = arith.addf %add3A_593, %gather3A_597 : vector<16xf32>
        %broadcast_in_dim3A_599 = arith.constant 1886 : i32
        %broadcast_in_dim3A_600 = vector.broadcast %broadcast_in_dim3A_599 : i32 to vector<16xi32>
        %add3A_601 = arith.addi %broadcast_in_dim3A_600, %iota3A : vector<16xi32>
        %gather3A_602 = tpu.vector_load_idx %arg12[%add3A_601] : memref<2064xf32, #tpu.memory_space<vmem>>[vector<16xi32>], vector<16xf32>,
        %add3A_603 = arith.addf %add3A_598, %gather3A_602 : vector<16xf32>
        %broadcast_in_dim3A_604 = arith.constant 2015 : i32
        %broadcast_in_dim3A_605 = vector.broadcast %broadcast_in_dim3A_604 : i32 to vector<16xi32>
        %add3A_606 = arith.addi %broadcast_in_dim3A_605, %iota3A : vector<16xi32>
        %gather3A_607 = tpu.vector_load_idx %arg12[%add3A_606] : memref<2064xf32, #tpu.memory_space<vmem>>[vector<16xi32>], vector<16xf32>,
        %add3A_608 = arith.addf %add3A_603, %gather3A_607 : vector<16xf32>
        %add3A_609 = arith.constant 80 : i32
        %add3A_610 = arith.addi %min3A_93, %add3A_609 : i32
        %swap3A_611 = arith.index_cast %add3A_610 : i32 to index
        %swap3A_612 = tpu.vector_load %arg8[%swap3A_611] {strides = array<i32>} : memref<10000xf32, #tpu.memory_space<vmem>>, vector<16xf32>,
        tpu.vector_store %arg8[%swap3A_611], %add3A_608 {strides = array<i32>} : memref<10000xf32, #tpu.memory_space<vmem>>, vector<16xf32>,
        %broadcast_in_dim3A_613 = arith.constant 0.000000e+00 : f32
        %broadcast_in_dim3A_614 = vector.broadcast %broadcast_in_dim3A_613 : f32 to vector<16xf32>
        %broadcast_in_dim3A_615 = arith.constant 96 : i32
        %broadcast_in_dim3A_616 = vector.broadcast %broadcast_in_dim3A_615 : i32 to vector<16xi32>
        %add3A_617 = arith.addi %broadcast_in_dim3A_616, %iota3A : vector<16xi32>
        %gather3A_618 = tpu.vector_load_idx %arg12[%add3A_617] : memref<2064xf32, #tpu.memory_space<vmem>>[vector<16xi32>], vector<16xf32>,
        %add3A_619 = arith.addf %broadcast_in_dim3A_614, %gather3A_618 : vector<16xf32>
        %broadcast_in_dim3A_620 = arith.constant 225 : i32
        %broadcast_in_dim3A_621 = vector.broadcast %broadcast_in_dim3A_620 : i32 to vector<16xi32>
        %add3A_622 = arith.addi %broadcast_in_dim3A_621, %iota3A : vector<16xi32>
        %gather3A_623 = tpu.vector_load_idx %arg12[%add3A_622] : memref<2064xf32, #tpu.memory_space<vmem>>[vector<16xi32>], vector<16xf32>,
        %add3A_624 = arith.addf %add3A_619, %gather3A_623 : vector<16xf32>
        %broadcast_in_dim3A_625 = arith.constant 354 : i32
        %broadcast_in_dim3A_626 = vector.broadcast %broadcast_in_dim3A_625 : i32 to vector<16xi32>
        %add3A_627 = arith.addi %broadcast_in_dim3A_626, %iota3A : vector<16xi32>
        %gather3A_628 = tpu.vector_load_idx %arg12[%add3A_627] : memref<2064xf32, #tpu.memory_space<vmem>>[vector<16xi32>], vector<16xf32>,
        %add3A_629 = arith.addf %add3A_624, %gather3A_628 : vector<16xf32>
        %broadcast_in_dim3A_630 = arith.constant 483 : i32
        %broadcast_in_dim3A_631 = vector.broadcast %broadcast_in_dim3A_630 : i32 to vector<16xi32>
        %add3A_632 = arith.addi %broadcast_in_dim3A_631, %iota3A : vector<16xi32>
        %gather3A_633 = tpu.vector_load_idx %arg12[%add3A_632] : memref<2064xf32, #tpu.memory_space<vmem>>[vector<16xi32>], vector<16xf32>,
        %add3A_634 = arith.addf %add3A_629, %gather3A_633 : vector<16xf32>
        %broadcast_in_dim3A_635 = arith.constant 612 : i32
        %broadcast_in_dim3A_636 = vector.broadcast %broadcast_in_dim3A_635 : i32 to vector<16xi32>
        %add3A_637 = arith.addi %broadcast_in_dim3A_636, %iota3A : vector<16xi32>
        %gather3A_638 = tpu.vector_load_idx %arg12[%add3A_637] : memref<2064xf32, #tpu.memory_space<vmem>>[vector<16xi32>], vector<16xf32>,
        %add3A_639 = arith.addf %add3A_634, %gather3A_638 : vector<16xf32>
        %broadcast_in_dim3A_640 = arith.constant 741 : i32
        %broadcast_in_dim3A_641 = vector.broadcast %broadcast_in_dim3A_640 : i32 to vector<16xi32>
        %add3A_642 = arith.addi %broadcast_in_dim3A_641, %iota3A : vector<16xi32>
        %gather3A_643 = tpu.vector_load_idx %arg12[%add3A_642] : memref<2064xf32, #tpu.memory_space<vmem>>[vector<16xi32>], vector<16xf32>,
        %add3A_644 = arith.addf %add3A_639, %gather3A_643 : vector<16xf32>
        %broadcast_in_dim3A_645 = arith.constant 870 : i32
        %broadcast_in_dim3A_646 = vector.broadcast %broadcast_in_dim3A_645 : i32 to vector<16xi32>
        %add3A_647 = arith.addi %broadcast_in_dim3A_646, %iota3A : vector<16xi32>
        %gather3A_648 = tpu.vector_load_idx %arg12[%add3A_647] : memref<2064xf32, #tpu.memory_space<vmem>>[vector<16xi32>], vector<16xf32>,
        %add3A_649 = arith.addf %add3A_644, %gather3A_648 : vector<16xf32>
        %broadcast_in_dim3A_650 = arith.constant 999 : i32
        %broadcast_in_dim3A_651 = vector.broadcast %broadcast_in_dim3A_650 : i32 to vector<16xi32>
        %add3A_652 = arith.addi %broadcast_in_dim3A_651, %iota3A : vector<16xi32>
        %gather3A_653 = tpu.vector_load_idx %arg12[%add3A_652] : memref<2064xf32, #tpu.memory_space<vmem>>[vector<16xi32>], vector<16xf32>,
        %add3A_654 = arith.addf %add3A_649, %gather3A_653 : vector<16xf32>
        %broadcast_in_dim3A_655 = arith.constant 1128 : i32
        %broadcast_in_dim3A_656 = vector.broadcast %broadcast_in_dim3A_655 : i32 to vector<16xi32>
        %add3A_657 = arith.addi %broadcast_in_dim3A_656, %iota3A : vector<16xi32>
        %gather3A_658 = tpu.vector_load_idx %arg12[%add3A_657] : memref<2064xf32, #tpu.memory_space<vmem>>[vector<16xi32>], vector<16xf32>,
        %add3A_659 = arith.addf %add3A_654, %gather3A_658 : vector<16xf32>
        %broadcast_in_dim3A_660 = arith.constant 1257 : i32
        %broadcast_in_dim3A_661 = vector.broadcast %broadcast_in_dim3A_660 : i32 to vector<16xi32>
        %add3A_662 = arith.addi %broadcast_in_dim3A_661, %iota3A : vector<16xi32>
        %gather3A_663 = tpu.vector_load_idx %arg12[%add3A_662] : memref<2064xf32, #tpu.memory_space<vmem>>[vector<16xi32>], vector<16xf32>,
        %add3A_664 = arith.addf %add3A_659, %gather3A_663 : vector<16xf32>
        %broadcast_in_dim3A_665 = arith.constant 1386 : i32
        %broadcast_in_dim3A_666 = vector.broadcast %broadcast_in_dim3A_665 : i32 to vector<16xi32>
        %add3A_667 = arith.addi %broadcast_in_dim3A_666, %iota3A : vector<16xi32>
        %gather3A_668 = tpu.vector_load_idx %arg12[%add3A_667] : memref<2064xf32, #tpu.memory_space<vmem>>[vector<16xi32>], vector<16xf32>,
        %add3A_669 = arith.addf %add3A_664, %gather3A_668 : vector<16xf32>
        %broadcast_in_dim3A_670 = arith.constant 1515 : i32
        %broadcast_in_dim3A_671 = vector.broadcast %broadcast_in_dim3A_670 : i32 to vector<16xi32>
        %add3A_672 = arith.addi %broadcast_in_dim3A_671, %iota3A : vector<16xi32>
        %gather3A_673 = tpu.vector_load_idx %arg12[%add3A_672] : memref<2064xf32, #tpu.memory_space<vmem>>[vector<16xi32>], vector<16xf32>,
        %add3A_674 = arith.addf %add3A_669, %gather3A_673 : vector<16xf32>
        %broadcast_in_dim3A_675 = arith.constant 1644 : i32
        %broadcast_in_dim3A_676 = vector.broadcast %broadcast_in_dim3A_675 : i32 to vector<16xi32>
        %add3A_677 = arith.addi %broadcast_in_dim3A_676, %iota3A : vector<16xi32>
        %gather3A_678 = tpu.vector_load_idx %arg12[%add3A_677] : memref<2064xf32, #tpu.memory_space<vmem>>[vector<16xi32>], vector<16xf32>,
        %add3A_679 = arith.addf %add3A_674, %gather3A_678 : vector<16xf32>
        %broadcast_in_dim3A_680 = arith.constant 1773 : i32
        %broadcast_in_dim3A_681 = vector.broadcast %broadcast_in_dim3A_680 : i32 to vector<16xi32>
        %add3A_682 = arith.addi %broadcast_in_dim3A_681, %iota3A : vector<16xi32>
        %gather3A_683 = tpu.vector_load_idx %arg12[%add3A_682] : memref<2064xf32, #tpu.memory_space<vmem>>[vector<16xi32>], vector<16xf32>,
        %add3A_684 = arith.addf %add3A_679, %gather3A_683 : vector<16xf32>
        %broadcast_in_dim3A_685 = arith.constant 1902 : i32
        %broadcast_in_dim3A_686 = vector.broadcast %broadcast_in_dim3A_685 : i32 to vector<16xi32>
        %add3A_687 = arith.addi %broadcast_in_dim3A_686, %iota3A : vector<16xi32>
        %gather3A_688 = tpu.vector_load_idx %arg12[%add3A_687] : memref<2064xf32, #tpu.memory_space<vmem>>[vector<16xi32>], vector<16xf32>,
        %add3A_689 = arith.addf %add3A_684, %gather3A_688 : vector<16xf32>
        %broadcast_in_dim3A_690 = arith.constant 2031 : i32
        %broadcast_in_dim3A_691 = vector.broadcast %broadcast_in_dim3A_690 : i32 to vector<16xi32>
        %add3A_692 = arith.addi %broadcast_in_dim3A_691, %iota3A : vector<16xi32>
        %gather3A_693 = tpu.vector_load_idx %arg12[%add3A_692] : memref<2064xf32, #tpu.memory_space<vmem>>[vector<16xi32>], vector<16xf32>,
        %add3A_694 = arith.addf %add3A_689, %gather3A_693 : vector<16xf32>
        %add3A_695 = arith.constant 96 : i32
        %add3A_696 = arith.addi %min3A_93, %add3A_695 : i32
        %swap3A_697 = arith.index_cast %add3A_696 : i32 to index
        %swap3A_698 = tpu.vector_load %arg8[%swap3A_697] {strides = array<i32>} : memref<10000xf32, #tpu.memory_space<vmem>>, vector<16xf32>,
        tpu.vector_store %arg8[%swap3A_697], %add3A_694 {strides = array<i32>} : memref<10000xf32, #tpu.memory_space<vmem>>, vector<16xf32>,
        %add3A_699 = arith.constant 3 : i32
        %add3A_700 = arith.addi %add3A_70, %add3A_699 : i32
        %lt3A_701 = arith.constant 90 : i32
        %lt3A_702 = arith.cmpi slt, %add3A_700, %lt3A_701 : i32
        %convert_element_type3A_703 = arith.extui %lt3A_702 : i1 to i32
        %cond3A_704 = arith.constant 0 : i32
        %cond3A_705 = arith.cmpi ne, %convert_element_type3A_703, %cond3A_704 : i32
        scf.if %cond3A_705 {
          %add3A_706 = arith.constant 3 : i32
          %add3A_707 = arith.addi %add3A_70, %add3A_706 : i32
          %mul3A_708 = arith.constant 112 : i32
          %mul3A_709 = arith.muli %add3A_707, %mul3A_708 : i32
          %min3A_710 = arith.constant 9888 : i32
          %min3A_711 = arith.minsi %mul3A_709, %min3A_710 : i32
          %dma_start3A_712 = arith.constant 0 : i32
          %dma_start3A_713 = arith.constant 0 : i32
          %dma_start3A_714 = tpu.memref_slice %arg10[%dma_start3A_712, %dma_start3A_713] : memref<224x128xf32, #tpu.memory_space<vmem>> -> memref<112x128xf32, #tpu.memory_space<vmem>>
          %dma_start3A_715 = tpu.memref_slice %arg6[%min3A_711] : memref<10000xi32, #tpu.memory_space<vmem>> -> memref<112xi32, #tpu.memory_space<vmem>>
          %dma_start3A_716 = arith.constant 0 : i32
          %dma_start3A_717 = arith.constant 0 : i32
          %dma_start3A_718 = tpu.memref_slice %arg2[%dma_start3A_716, %dma_start3A_717] : memref<10000x128xf32, #tpu.memory_space<hbm>> -> memref<10000x128xf32, #tpu.memory_space<hbm>>
          tpu.enqueue_indirect_dma source(%dma_start3A_718 : memref<10000x128xf32, #tpu.memory_space<hbm>>) target(%dma_start3A_714 : memref<112x128xf32, #tpu.memory_space<vmem>>) offsets(%dma_start3A_715 : memref<112xi32, #tpu.memory_space<vmem>>) semaphore(%arg14 : memref<!tpu.dma_semaphore, #tpu.memory_space<semaphore_mem>>)
          %dma_start3A_719 = arith.constant 112 : i32
          %dma_start3A_720 = arith.constant 0 : i32
          %dma_start3A_721 = tpu.memref_slice %arg10[%dma_start3A_719, %dma_start3A_720] : memref<224x128xf32, #tpu.memory_space<vmem>> -> memref<112x128xf32, #tpu.memory_space<vmem>>
          %dma_start3A_722 = tpu.memref_slice %arg7[%min3A_711] : memref<10000xi32, #tpu.memory_space<vmem>> -> memref<112xi32, #tpu.memory_space<vmem>>
          %dma_start3A_723 = arith.constant 0 : i32
          %dma_start3A_724 = arith.constant 0 : i32
          %dma_start3A_725 = tpu.memref_slice %arg2[%dma_start3A_723, %dma_start3A_724] : memref<10000x128xf32, #tpu.memory_space<hbm>> -> memref<10000x128xf32, #tpu.memory_space<hbm>>
          tpu.enqueue_indirect_dma source(%dma_start3A_725 : memref<10000x128xf32, #tpu.memory_space<hbm>>) target(%dma_start3A_721 : memref<112x128xf32, #tpu.memory_space<vmem>>) offsets(%dma_start3A_722 : memref<112xi32, #tpu.memory_space<vmem>>) semaphore(%arg14 : memref<!tpu.dma_semaphore, #tpu.memory_space<semaphore_mem>>)
        } else {
        }
      } else {
      }
      %mul3A_76 = arith.constant 3 : i32
      %mul3A_77 = arith.muli %mul3A_76, %scan3A_60 : i32
      %add3A_78 = arith.constant 2 : i32
      %add3A_79 = arith.addi %mul3A_77, %add3A_78 : i32
      %lt3A_80 = arith.constant 90 : i32
      %lt3A_81 = arith.cmpi slt, %add3A_79, %lt3A_80 : i32
      %convert_element_type3A_82 = arith.extui %lt3A_81 : i1 to i32
      %cond3A_83 = arith.constant 0 : i32
      %cond3A_84 = arith.cmpi ne, %convert_element_type3A_82, %cond3A_83 : i32
      scf.if %cond3A_84 {
        %dma_wait3A = arith.constant 0 : i32
        %dma_wait3A_85 = arith.constant 0 : i32
        %dma_wait3A_86 = tpu.memref_slice %arg2[%dma_wait3A, %dma_wait3A_85] : memref<10000x128xf32, #tpu.memory_space<hbm>> -> memref<224x128xf32, #tpu.memory_space<hbm>>
        %dma_wait3A_87 = arith.constant 0 : i32
        %dma_wait3A_88 = arith.constant 0 : i32
        %dma_wait3A_89 = tpu.memref_slice %arg2[%dma_wait3A_87, %dma_wait3A_88] : memref<10000x128xf32, #tpu.memory_space<hbm>> -> memref<224x128xf32, #tpu.memory_space<hbm>>
        tpu.wait_dma2 semaphore(%arg15 : memref<!tpu.dma_semaphore, #tpu.memory_space<semaphore_mem>>) src(%dma_wait3A_89 : memref<224x128xf32, #tpu.memory_space<hbm>>) dst(%arg11 : memref<224x128xf32, #tpu.memory_space<vmem>>)
        %mul3A_90 = arith.constant 112 : i32
        %mul3A_91 = arith.muli %add3A_79, %mul3A_90 : i32
        %min3A_92 = arith.constant 9888 : i32
        %min3A_93 = arith.minsi %mul3A_91, %min3A_92 : i32
        %scan3A_94 = arith.constant 0 : i32
        %scan3A_95 = arith.constant 0 : i32
        %scan3A_96 = arith.constant 112 : i32
        %scan3A_97 = arith.addi %scan3A_95, %scan3A_96 : i32
        %scan3A_98 = arith.constant 1 : i32
        scf.for %scan3A_706 = %scan3A_95 to %scan3A_97 step %scan3A_98  : i32 {
          %broadcast_in_dim3A_707 = arith.constant 0.000000e+00 : f32
          %broadcast_in_dim3A_708 = vector.broadcast %broadcast_in_dim3A_707 : f32 to vector<16xf32>
          %get3A = arith.index_cast %scan3A_706 : i32 to index
          %get3A_709 = arith.constant 0 : index
          %get3A_710 = tpu.vector_load %arg11[%get3A, %get3A_709] {strides = array<i32>} : memref<224x128xf32, #tpu.memory_space<vmem>>, vector<16xf32>,
          %add3A_711 = arith.constant 112 : i32
          %add3A_712 = arith.addi %add3A_711, %scan3A_706 : i32
          %get3A_713 = arith.index_cast %add3A_712 : i32 to index
          %get3A_714 = arith.constant 0 : index
          %get3A_715 = tpu.vector_load %arg11[%get3A_713, %get3A_714] {strides = array<i32>} : memref<224x128xf32, #tpu.memory_space<vmem>>, vector<16xf32>,
          %mul3A_716 = arith.mulf %get3A_710, %get3A_715 : vector<16xf32>
          %add3A_717 = arith.addf %broadcast_in_dim3A_708, %mul3A_716 : vector<16xf32>
          %get3A_718 = arith.index_cast %scan3A_706 : i32 to index
          %get3A_719 = arith.constant 16 : index
          %get3A_720 = tpu.vector_load %arg11[%get3A_718, %get3A_719] {strides = array<i32>} : memref<224x128xf32, #tpu.memory_space<vmem>>, vector<16xf32>,
          %add3A_721 = arith.constant 112 : i32
          %add3A_722 = arith.addi %add3A_721, %scan3A_706 : i32
          %get3A_723 = arith.index_cast %add3A_722 : i32 to index
          %get3A_724 = arith.constant 16 : index
          %get3A_725 = tpu.vector_load %arg11[%get3A_723, %get3A_724] {strides = array<i32>} : memref<224x128xf32, #tpu.memory_space<vmem>>, vector<16xf32>,
          %mul3A_726 = arith.mulf %get3A_720, %get3A_725 : vector<16xf32>
          %add3A_727 = arith.addf %add3A_717, %mul3A_726 : vector<16xf32>
          %get3A_728 = arith.index_cast %scan3A_706 : i32 to index
          %get3A_729 = arith.constant 32 : index
          %get3A_730 = tpu.vector_load %arg11[%get3A_728, %get3A_729] {strides = array<i32>} : memref<224x128xf32, #tpu.memory_space<vmem>>, vector<16xf32>,
          %add3A_731 = arith.constant 112 : i32
          %add3A_732 = arith.addi %add3A_731, %scan3A_706 : i32
          %get3A_733 = arith.index_cast %add3A_732 : i32 to index
          %get3A_734 = arith.constant 32 : index
          %get3A_735 = tpu.vector_load %arg11[%get3A_733, %get3A_734] {strides = array<i32>} : memref<224x128xf32, #tpu.memory_space<vmem>>, vector<16xf32>,
          %mul3A_736 = arith.mulf %get3A_730, %get3A_735 : vector<16xf32>
          %add3A_737 = arith.addf %add3A_727, %mul3A_736 : vector<16xf32>
          %get3A_738 = arith.index_cast %scan3A_706 : i32 to index
          %get3A_739 = arith.constant 48 : index
          %get3A_740 = tpu.vector_load %arg11[%get3A_738, %get3A_739] {strides = array<i32>} : memref<224x128xf32, #tpu.memory_space<vmem>>, vector<16xf32>,
          %add3A_741 = arith.constant 112 : i32
          %add3A_742 = arith.addi %add3A_741, %scan3A_706 : i32
          %get3A_743 = arith.index_cast %add3A_742 : i32 to index
          %get3A_744 = arith.constant 48 : index
          %get3A_745 = tpu.vector_load %arg11[%get3A_743, %get3A_744] {strides = array<i32>} : memref<224x128xf32, #tpu.memory_space<vmem>>, vector<16xf32>,
          %mul3A_746 = arith.mulf %get3A_740, %get3A_745 : vector<16xf32>
          %add3A_747 = arith.addf %add3A_737, %mul3A_746 : vector<16xf32>
          %get3A_748 = arith.index_cast %scan3A_706 : i32 to index
          %get3A_749 = arith.constant 64 : index
          %get3A_750 = tpu.vector_load %arg11[%get3A_748, %get3A_749] {strides = array<i32>} : memref<224x128xf32, #tpu.memory_space<vmem>>, vector<16xf32>,
          %add3A_751 = arith.constant 112 : i32
          %add3A_752 = arith.addi %add3A_751, %scan3A_706 : i32
          %get3A_753 = arith.index_cast %add3A_752 : i32 to index
          %get3A_754 = arith.constant 64 : index
          %get3A_755 = tpu.vector_load %arg11[%get3A_753, %get3A_754] {strides = array<i32>} : memref<224x128xf32, #tpu.memory_space<vmem>>, vector<16xf32>,
          %mul3A_756 = arith.mulf %get3A_750, %get3A_755 : vector<16xf32>
          %add3A_757 = arith.addf %add3A_747, %mul3A_756 : vector<16xf32>
          %get3A_758 = arith.index_cast %scan3A_706 : i32 to index
          %get3A_759 = arith.constant 80 : index
          %get3A_760 = tpu.vector_load %arg11[%get3A_758, %get3A_759] {strides = array<i32>} : memref<224x128xf32, #tpu.memory_space<vmem>>, vector<16xf32>,
          %add3A_761 = arith.constant 112 : i32
          %add3A_762 = arith.addi %add3A_761, %scan3A_706 : i32
          %get3A_763 = arith.index_cast %add3A_762 : i32 to index
          %get3A_764 = arith.constant 80 : index
          %get3A_765 = tpu.vector_load %arg11[%get3A_763, %get3A_764] {strides = array<i32>} : memref<224x128xf32, #tpu.memory_space<vmem>>, vector<16xf32>,
          %mul3A_766 = arith.mulf %get3A_760, %get3A_765 : vector<16xf32>
          %add3A_767 = arith.addf %add3A_757, %mul3A_766 : vector<16xf32>
          %get3A_768 = arith.index_cast %scan3A_706 : i32 to index
          %get3A_769 = arith.constant 96 : index
          %get3A_770 = tpu.vector_load %arg11[%get3A_768, %get3A_769] {strides = array<i32>} : memref<224x128xf32, #tpu.memory_space<vmem>>, vector<16xf32>,
          %add3A_771 = arith.constant 112 : i32
          %add3A_772 = arith.addi %add3A_771, %scan3A_706 : i32
          %get3A_773 = arith.index_cast %add3A_772 : i32 to index
          %get3A_774 = arith.constant 96 : index
          %get3A_775 = tpu.vector_load %arg11[%get3A_773, %get3A_774] {strides = array<i32>} : memref<224x128xf32, #tpu.memory_space<vmem>>, vector<16xf32>,
          %mul3A_776 = arith.mulf %get3A_770, %get3A_775 : vector<16xf32>
          %add3A_777 = arith.addf %add3A_767, %mul3A_776 : vector<16xf32>
          %get3A_778 = arith.index_cast %scan3A_706 : i32 to index
          %get3A_779 = arith.constant 112 : index
          %get3A_780 = tpu.vector_load %arg11[%get3A_778, %get3A_779] {strides = array<i32>} : memref<224x128xf32, #tpu.memory_space<vmem>>, vector<16xf32>,
          %add3A_781 = arith.constant 112 : i32
          %add3A_782 = arith.addi %add3A_781, %scan3A_706 : i32
          %get3A_783 = arith.index_cast %add3A_782 : i32 to index
          %get3A_784 = arith.constant 112 : index
          %get3A_785 = tpu.vector_load %arg11[%get3A_783, %get3A_784] {strides = array<i32>} : memref<224x128xf32, #tpu.memory_space<vmem>>, vector<16xf32>,
          %mul3A_786 = arith.mulf %get3A_780, %get3A_785 : vector<16xf32>
          %add3A_787 = arith.addf %add3A_777, %mul3A_786 : vector<16xf32>
          %add3A_788 = vector.broadcast %scan3A_706 : i32 to vector<16xi32>
          %add3A_789 = arith.addi %mul3A_5, %add3A_788 : vector<16xi32>
          tpu.vector_store_idx %arg12[%add3A_789], %add3A_787 : memref<2064xf32, #tpu.memory_space<vmem>>[vector<16xi32>], vector<16xf32>,
        }
        %scan3A_99 = arith.constant 112 : i32
        %broadcast_in_dim3A = arith.constant 0.000000e+00 : f32
        %broadcast_in_dim3A_100 = vector.broadcast %broadcast_in_dim3A : f32 to vector<16xf32>
        %broadcast_in_dim3A_101 = arith.constant 0 : i32
        %broadcast_in_dim3A_102 = vector.broadcast %broadcast_in_dim3A_101 : i32 to vector<16xi32>
        %add3A_103 = arith.addi %broadcast_in_dim3A_102, %iota3A : vector<16xi32>
        %gather3A = tpu.vector_load_idx %arg12[%add3A_103] : memref<2064xf32, #tpu.memory_space<vmem>>[vector<16xi32>], vector<16xf32>,
        %add3A_104 = arith.addf %broadcast_in_dim3A_100, %gather3A : vector<16xf32>
        %broadcast_in_dim3A_105 = arith.constant 129 : i32
        %broadcast_in_dim3A_106 = vector.broadcast %broadcast_in_dim3A_105 : i32 to vector<16xi32>
        %add3A_107 = arith.addi %broadcast_in_dim3A_106, %iota3A : vector<16xi32>
        %gather3A_108 = tpu.vector_load_idx %arg12[%add3A_107] : memref<2064xf32, #tpu.memory_space<vmem>>[vector<16xi32>], vector<16xf32>,
        %add3A_109 = arith.addf %add3A_104, %gather3A_108 : vector<16xf32>
        %broadcast_in_dim3A_110 = arith.constant 258 : i32
        %broadcast_in_dim3A_111 = vector.broadcast %broadcast_in_dim3A_110 : i32 to vector<16xi32>
        %add3A_112 = arith.addi %broadcast_in_dim3A_111, %iota3A : vector<16xi32>
        %gather3A_113 = tpu.vector_load_idx %arg12[%add3A_112] : memref<2064xf32, #tpu.memory_space<vmem>>[vector<16xi32>], vector<16xf32>,
        %add3A_114 = arith.addf %add3A_109, %gather3A_113 : vector<16xf32>
        %broadcast_in_dim3A_115 = arith.constant 387 : i32
        %broadcast_in_dim3A_116 = vector.broadcast %broadcast_in_dim3A_115 : i32 to vector<16xi32>
        %add3A_117 = arith.addi %broadcast_in_dim3A_116, %iota3A : vector<16xi32>
        %gather3A_118 = tpu.vector_load_idx %arg12[%add3A_117] : memref<2064xf32, #tpu.memory_space<vmem>>[vector<16xi32>], vector<16xf32>,
        %add3A_119 = arith.addf %add3A_114, %gather3A_118 : vector<16xf32>
        %broadcast_in_dim3A_120 = arith.constant 516 : i32
        %broadcast_in_dim3A_121 = vector.broadcast %broadcast_in_dim3A_120 : i32 to vector<16xi32>
        %add3A_122 = arith.addi %broadcast_in_dim3A_121, %iota3A : vector<16xi32>
        %gather3A_123 = tpu.vector_load_idx %arg12[%add3A_122] : memref<2064xf32, #tpu.memory_space<vmem>>[vector<16xi32>], vector<16xf32>,
        %add3A_124 = arith.addf %add3A_119, %gather3A_123 : vector<16xf32>
        %broadcast_in_dim3A_125 = arith.constant 645 : i32
        %broadcast_in_dim3A_126 = vector.broadcast %broadcast_in_dim3A_125 : i32 to vector<16xi32>
        %add3A_127 = arith.addi %broadcast_in_dim3A_126, %iota3A : vector<16xi32>
        %gather3A_128 = tpu.vector_load_idx %arg12[%add3A_127] : memref<2064xf32, #tpu.memory_space<vmem>>[vector<16xi32>], vector<16xf32>,
        %add3A_129 = arith.addf %add3A_124, %gather3A_128 : vector<16xf32>
        %broadcast_in_dim3A_130 = arith.constant 774 : i32
        %broadcast_in_dim3A_131 = vector.broadcast %broadcast_in_dim3A_130 : i32 to vector<16xi32>
        %add3A_132 = arith.addi %broadcast_in_dim3A_131, %iota3A : vector<16xi32>
        %gather3A_133 = tpu.vector_load_idx %arg12[%add3A_132] : memref<2064xf32, #tpu.memory_space<vmem>>[vector<16xi32>], vector<16xf32>,
        %add3A_134 = arith.addf %add3A_129, %gather3A_133 : vector<16xf32>
        %broadcast_in_dim3A_135 = arith.constant 903 : i32
        %broadcast_in_dim3A_136 = vector.broadcast %broadcast_in_dim3A_135 : i32 to vector<16xi32>
        %add3A_137 = arith.addi %broadcast_in_dim3A_136, %iota3A : vector<16xi32>
        %gather3A_138 = tpu.vector_load_idx %arg12[%add3A_137] : memref<2064xf32, #tpu.memory_space<vmem>>[vector<16xi32>], vector<16xf32>,
        %add3A_139 = arith.addf %add3A_134, %gather3A_138 : vector<16xf32>
        %broadcast_in_dim3A_140 = arith.constant 1032 : i32
        %broadcast_in_dim3A_141 = vector.broadcast %broadcast_in_dim3A_140 : i32 to vector<16xi32>
        %add3A_142 = arith.addi %broadcast_in_dim3A_141, %iota3A : vector<16xi32>
        %gather3A_143 = tpu.vector_load_idx %arg12[%add3A_142] : memref<2064xf32, #tpu.memory_space<vmem>>[vector<16xi32>], vector<16xf32>,
        %add3A_144 = arith.addf %add3A_139, %gather3A_143 : vector<16xf32>
        %broadcast_in_dim3A_145 = arith.constant 1161 : i32
        %broadcast_in_dim3A_146 = vector.broadcast %broadcast_in_dim3A_145 : i32 to vector<16xi32>
        %add3A_147 = arith.addi %broadcast_in_dim3A_146, %iota3A : vector<16xi32>
        %gather3A_148 = tpu.vector_load_idx %arg12[%add3A_147] : memref<2064xf32, #tpu.memory_space<vmem>>[vector<16xi32>], vector<16xf32>,
        %add3A_149 = arith.addf %add3A_144, %gather3A_148 : vector<16xf32>
        %broadcast_in_dim3A_150 = arith.constant 1290 : i32
        %broadcast_in_dim3A_151 = vector.broadcast %broadcast_in_dim3A_150 : i32 to vector<16xi32>
        %add3A_152 = arith.addi %broadcast_in_dim3A_151, %iota3A : vector<16xi32>
        %gather3A_153 = tpu.vector_load_idx %arg12[%add3A_152] : memref<2064xf32, #tpu.memory_space<vmem>>[vector<16xi32>], vector<16xf32>,
        %add3A_154 = arith.addf %add3A_149, %gather3A_153 : vector<16xf32>
        %broadcast_in_dim3A_155 = arith.constant 1419 : i32
        %broadcast_in_dim3A_156 = vector.broadcast %broadcast_in_dim3A_155 : i32 to vector<16xi32>
        %add3A_157 = arith.addi %broadcast_in_dim3A_156, %iota3A : vector<16xi32>
        %gather3A_158 = tpu.vector_load_idx %arg12[%add3A_157] : memref<2064xf32, #tpu.memory_space<vmem>>[vector<16xi32>], vector<16xf32>,
        %add3A_159 = arith.addf %add3A_154, %gather3A_158 : vector<16xf32>
        %broadcast_in_dim3A_160 = arith.constant 1548 : i32
        %broadcast_in_dim3A_161 = vector.broadcast %broadcast_in_dim3A_160 : i32 to vector<16xi32>
        %add3A_162 = arith.addi %broadcast_in_dim3A_161, %iota3A : vector<16xi32>
        %gather3A_163 = tpu.vector_load_idx %arg12[%add3A_162] : memref<2064xf32, #tpu.memory_space<vmem>>[vector<16xi32>], vector<16xf32>,
        %add3A_164 = arith.addf %add3A_159, %gather3A_163 : vector<16xf32>
        %broadcast_in_dim3A_165 = arith.constant 1677 : i32
        %broadcast_in_dim3A_166 = vector.broadcast %broadcast_in_dim3A_165 : i32 to vector<16xi32>
        %add3A_167 = arith.addi %broadcast_in_dim3A_166, %iota3A : vector<16xi32>
        %gather3A_168 = tpu.vector_load_idx %arg12[%add3A_167] : memref<2064xf32, #tpu.memory_space<vmem>>[vector<16xi32>], vector<16xf32>,
        %add3A_169 = arith.addf %add3A_164, %gather3A_168 : vector<16xf32>
        %broadcast_in_dim3A_170 = arith.constant 1806 : i32
        %broadcast_in_dim3A_171 = vector.broadcast %broadcast_in_dim3A_170 : i32 to vector<16xi32>
        %add3A_172 = arith.addi %broadcast_in_dim3A_171, %iota3A : vector<16xi32>
        %gather3A_173 = tpu.vector_load_idx %arg12[%add3A_172] : memref<2064xf32, #tpu.memory_space<vmem>>[vector<16xi32>], vector<16xf32>,
        %add3A_174 = arith.addf %add3A_169, %gather3A_173 : vector<16xf32>
        %broadcast_in_dim3A_175 = arith.constant 1935 : i32
        %broadcast_in_dim3A_176 = vector.broadcast %broadcast_in_dim3A_175 : i32 to vector<16xi32>
        %add3A_177 = arith.addi %broadcast_in_dim3A_176, %iota3A : vector<16xi32>
        %gather3A_178 = tpu.vector_load_idx %arg12[%add3A_177] : memref<2064xf32, #tpu.memory_space<vmem>>[vector<16xi32>], vector<16xf32>,
        %add3A_179 = arith.addf %add3A_174, %gather3A_178 : vector<16xf32>
        %add3A_180 = arith.constant 0 : i32
        %add3A_181 = arith.addi %min3A_93, %add3A_180 : i32
        %swap3A = arith.index_cast %add3A_181 : i32 to index
        %swap3A_182 = tpu.vector_load %arg8[%swap3A] {strides = array<i32>} : memref<10000xf32, #tpu.memory_space<vmem>>, vector<16xf32>,
        tpu.vector_store %arg8[%swap3A], %add3A_179 {strides = array<i32>} : memref<10000xf32, #tpu.memory_space<vmem>>, vector<16xf32>,
        %broadcast_in_dim3A_183 = arith.constant 0.000000e+00 : f32
        %broadcast_in_dim3A_184 = vector.broadcast %broadcast_in_dim3A_183 : f32 to vector<16xf32>
        %broadcast_in_dim3A_185 = arith.constant 16 : i32
        %broadcast_in_dim3A_186 = vector.broadcast %broadcast_in_dim3A_185 : i32 to vector<16xi32>
        %add3A_187 = arith.addi %broadcast_in_dim3A_186, %iota3A : vector<16xi32>
        %gather3A_188 = tpu.vector_load_idx %arg12[%add3A_187] : memref<2064xf32, #tpu.memory_space<vmem>>[vector<16xi32>], vector<16xf32>,
        %add3A_189 = arith.addf %broadcast_in_dim3A_184, %gather3A_188 : vector<16xf32>
        %broadcast_in_dim3A_190 = arith.constant 145 : i32
        %broadcast_in_dim3A_191 = vector.broadcast %broadcast_in_dim3A_190 : i32 to vector<16xi32>
        %add3A_192 = arith.addi %broadcast_in_dim3A_191, %iota3A : vector<16xi32>
        %gather3A_193 = tpu.vector_load_idx %arg12[%add3A_192] : memref<2064xf32, #tpu.memory_space<vmem>>[vector<16xi32>], vector<16xf32>,
        %add3A_194 = arith.addf %add3A_189, %gather3A_193 : vector<16xf32>
        %broadcast_in_dim3A_195 = arith.constant 274 : i32
        %broadcast_in_dim3A_196 = vector.broadcast %broadcast_in_dim3A_195 : i32 to vector<16xi32>
        %add3A_197 = arith.addi %broadcast_in_dim3A_196, %iota3A : vector<16xi32>
        %gather3A_198 = tpu.vector_load_idx %arg12[%add3A_197] : memref<2064xf32, #tpu.memory_space<vmem>>[vector<16xi32>], vector<16xf32>,
        %add3A_199 = arith.addf %add3A_194, %gather3A_198 : vector<16xf32>
        %broadcast_in_dim3A_200 = arith.constant 403 : i32
        %broadcast_in_dim3A_201 = vector.broadcast %broadcast_in_dim3A_200 : i32 to vector<16xi32>
        %add3A_202 = arith.addi %broadcast_in_dim3A_201, %iota3A : vector<16xi32>
        %gather3A_203 = tpu.vector_load_idx %arg12[%add3A_202] : memref<2064xf32, #tpu.memory_space<vmem>>[vector<16xi32>], vector<16xf32>,
        %add3A_204 = arith.addf %add3A_199, %gather3A_203 : vector<16xf32>
        %broadcast_in_dim3A_205 = arith.constant 532 : i32
        %broadcast_in_dim3A_206 = vector.broadcast %broadcast_in_dim3A_205 : i32 to vector<16xi32>
        %add3A_207 = arith.addi %broadcast_in_dim3A_206, %iota3A : vector<16xi32>
        %gather3A_208 = tpu.vector_load_idx %arg12[%add3A_207] : memref<2064xf32, #tpu.memory_space<vmem>>[vector<16xi32>], vector<16xf32>,
        %add3A_209 = arith.addf %add3A_204, %gather3A_208 : vector<16xf32>
        %broadcast_in_dim3A_210 = arith.constant 661 : i32
        %broadcast_in_dim3A_211 = vector.broadcast %broadcast_in_dim3A_210 : i32 to vector<16xi32>
        %add3A_212 = arith.addi %broadcast_in_dim3A_211, %iota3A : vector<16xi32>
        %gather3A_213 = tpu.vector_load_idx %arg12[%add3A_212] : memref<2064xf32, #tpu.memory_space<vmem>>[vector<16xi32>], vector<16xf32>,
        %add3A_214 = arith.addf %add3A_209, %gather3A_213 : vector<16xf32>
        %broadcast_in_dim3A_215 = arith.constant 790 : i32
        %broadcast_in_dim3A_216 = vector.broadcast %broadcast_in_dim3A_215 : i32 to vector<16xi32>
        %add3A_217 = arith.addi %broadcast_in_dim3A_216, %iota3A : vector<16xi32>
        %gather3A_218 = tpu.vector_load_idx %arg12[%add3A_217] : memref<2064xf32, #tpu.memory_space<vmem>>[vector<16xi32>], vector<16xf32>,
        %add3A_219 = arith.addf %add3A_214, %gather3A_218 : vector<16xf32>
        %broadcast_in_dim3A_220 = arith.constant 919 : i32
        %broadcast_in_dim3A_221 = vector.broadcast %broadcast_in_dim3A_220 : i32 to vector<16xi32>
        %add3A_222 = arith.addi %broadcast_in_dim3A_221, %iota3A : vector<16xi32>
        %gather3A_223 = tpu.vector_load_idx %arg12[%add3A_222] : memref<2064xf32, #tpu.memory_space<vmem>>[vector<16xi32>], vector<16xf32>,
        %add3A_224 = arith.addf %add3A_219, %gather3A_223 : vector<16xf32>
        %broadcast_in_dim3A_225 = arith.constant 1048 : i32
        %broadcast_in_dim3A_226 = vector.broadcast %broadcast_in_dim3A_225 : i32 to vector<16xi32>
        %add3A_227 = arith.addi %broadcast_in_dim3A_226, %iota3A : vector<16xi32>
        %gather3A_228 = tpu.vector_load_idx %arg12[%add3A_227] : memref<2064xf32, #tpu.memory_space<vmem>>[vector<16xi32>], vector<16xf32>,
        %add3A_229 = arith.addf %add3A_224, %gather3A_228 : vector<16xf32>
        %broadcast_in_dim3A_230 = arith.constant 1177 : i32
        %broadcast_in_dim3A_231 = vector.broadcast %broadcast_in_dim3A_230 : i32 to vector<16xi32>
        %add3A_232 = arith.addi %broadcast_in_dim3A_231, %iota3A : vector<16xi32>
        %gather3A_233 = tpu.vector_load_idx %arg12[%add3A_232] : memref<2064xf32, #tpu.memory_space<vmem>>[vector<16xi32>], vector<16xf32>,
        %add3A_234 = arith.addf %add3A_229, %gather3A_233 : vector<16xf32>
        %broadcast_in_dim3A_235 = arith.constant 1306 : i32
        %broadcast_in_dim3A_236 = vector.broadcast %broadcast_in_dim3A_235 : i32 to vector<16xi32>
        %add3A_237 = arith.addi %broadcast_in_dim3A_236, %iota3A : vector<16xi32>
        %gather3A_238 = tpu.vector_load_idx %arg12[%add3A_237] : memref<2064xf32, #tpu.memory_space<vmem>>[vector<16xi32>], vector<16xf32>,
        %add3A_239 = arith.addf %add3A_234, %gather3A_238 : vector<16xf32>
        %broadcast_in_dim3A_240 = arith.constant 1435 : i32
        %broadcast_in_dim3A_241 = vector.broadcast %broadcast_in_dim3A_240 : i32 to vector<16xi32>
        %add3A_242 = arith.addi %broadcast_in_dim3A_241, %iota3A : vector<16xi32>
        %gather3A_243 = tpu.vector_load_idx %arg12[%add3A_242] : memref<2064xf32, #tpu.memory_space<vmem>>[vector<16xi32>], vector<16xf32>,
        %add3A_244 = arith.addf %add3A_239, %gather3A_243 : vector<16xf32>
        %broadcast_in_dim3A_245 = arith.constant 1564 : i32
        %broadcast_in_dim3A_246 = vector.broadcast %broadcast_in_dim3A_245 : i32 to vector<16xi32>
        %add3A_247 = arith.addi %broadcast_in_dim3A_246, %iota3A : vector<16xi32>
        %gather3A_248 = tpu.vector_load_idx %arg12[%add3A_247] : memref<2064xf32, #tpu.memory_space<vmem>>[vector<16xi32>], vector<16xf32>,
        %add3A_249 = arith.addf %add3A_244, %gather3A_248 : vector<16xf32>
        %broadcast_in_dim3A_250 = arith.constant 1693 : i32
        %broadcast_in_dim3A_251 = vector.broadcast %broadcast_in_dim3A_250 : i32 to vector<16xi32>
        %add3A_252 = arith.addi %broadcast_in_dim3A_251, %iota3A : vector<16xi32>
        %gather3A_253 = tpu.vector_load_idx %arg12[%add3A_252] : memref<2064xf32, #tpu.memory_space<vmem>>[vector<16xi32>], vector<16xf32>,
        %add3A_254 = arith.addf %add3A_249, %gather3A_253 : vector<16xf32>
        %broadcast_in_dim3A_255 = arith.constant 1822 : i32
        %broadcast_in_dim3A_256 = vector.broadcast %broadcast_in_dim3A_255 : i32 to vector<16xi32>
        %add3A_257 = arith.addi %broadcast_in_dim3A_256, %iota3A : vector<16xi32>
        %gather3A_258 = tpu.vector_load_idx %arg12[%add3A_257] : memref<2064xf32, #tpu.memory_space<vmem>>[vector<16xi32>], vector<16xf32>,
        %add3A_259 = arith.addf %add3A_254, %gather3A_258 : vector<16xf32>
        %broadcast_in_dim3A_260 = arith.constant 1951 : i32
        %broadcast_in_dim3A_261 = vector.broadcast %broadcast_in_dim3A_260 : i32 to vector<16xi32>
        %add3A_262 = arith.addi %broadcast_in_dim3A_261, %iota3A : vector<16xi32>
        %gather3A_263 = tpu.vector_load_idx %arg12[%add3A_262] : memref<2064xf32, #tpu.memory_space<vmem>>[vector<16xi32>], vector<16xf32>,
        %add3A_264 = arith.addf %add3A_259, %gather3A_263 : vector<16xf32>
        %add3A_265 = arith.constant 16 : i32
        %add3A_266 = arith.addi %min3A_93, %add3A_265 : i32
        %swap3A_267 = arith.index_cast %add3A_266 : i32 to index
        %swap3A_268 = tpu.vector_load %arg8[%swap3A_267] {strides = array<i32>} : memref<10000xf32, #tpu.memory_space<vmem>>, vector<16xf32>,
        tpu.vector_store %arg8[%swap3A_267], %add3A_264 {strides = array<i32>} : memref<10000xf32, #tpu.memory_space<vmem>>, vector<16xf32>,
        %broadcast_in_dim3A_269 = arith.constant 0.000000e+00 : f32
        %broadcast_in_dim3A_270 = vector.broadcast %broadcast_in_dim3A_269 : f32 to vector<16xf32>
        %broadcast_in_dim3A_271 = arith.constant 32 : i32
        %broadcast_in_dim3A_272 = vector.broadcast %broadcast_in_dim3A_271 : i32 to vector<16xi32>
        %add3A_273 = arith.addi %broadcast_in_dim3A_272, %iota3A : vector<16xi32>
        %gather3A_274 = tpu.vector_load_idx %arg12[%add3A_273] : memref<2064xf32, #tpu.memory_space<vmem>>[vector<16xi32>], vector<16xf32>,
        %add3A_275 = arith.addf %broadcast_in_dim3A_270, %gather3A_274 : vector<16xf32>
        %broadcast_in_dim3A_276 = arith.constant 161 : i32
        %broadcast_in_dim3A_277 = vector.broadcast %broadcast_in_dim3A_276 : i32 to vector<16xi32>
        %add3A_278 = arith.addi %broadcast_in_dim3A_277, %iota3A : vector<16xi32>
        %gather3A_279 = tpu.vector_load_idx %arg12[%add3A_278] : memref<2064xf32, #tpu.memory_space<vmem>>[vector<16xi32>], vector<16xf32>,
        %add3A_280 = arith.addf %add3A_275, %gather3A_279 : vector<16xf32>
        %broadcast_in_dim3A_281 = arith.constant 290 : i32
        %broadcast_in_dim3A_282 = vector.broadcast %broadcast_in_dim3A_281 : i32 to vector<16xi32>
        %add3A_283 = arith.addi %broadcast_in_dim3A_282, %iota3A : vector<16xi32>
        %gather3A_284 = tpu.vector_load_idx %arg12[%add3A_283] : memref<2064xf32, #tpu.memory_space<vmem>>[vector<16xi32>], vector<16xf32>,
        %add3A_285 = arith.addf %add3A_280, %gather3A_284 : vector<16xf32>
        %broadcast_in_dim3A_286 = arith.constant 419 : i32
        %broadcast_in_dim3A_287 = vector.broadcast %broadcast_in_dim3A_286 : i32 to vector<16xi32>
        %add3A_288 = arith.addi %broadcast_in_dim3A_287, %iota3A : vector<16xi32>
        %gather3A_289 = tpu.vector_load_idx %arg12[%add3A_288] : memref<2064xf32, #tpu.memory_space<vmem>>[vector<16xi32>], vector<16xf32>,
        %add3A_290 = arith.addf %add3A_285, %gather3A_289 : vector<16xf32>
        %broadcast_in_dim3A_291 = arith.constant 548 : i32
        %broadcast_in_dim3A_292 = vector.broadcast %broadcast_in_dim3A_291 : i32 to vector<16xi32>
        %add3A_293 = arith.addi %broadcast_in_dim3A_292, %iota3A : vector<16xi32>
        %gather3A_294 = tpu.vector_load_idx %arg12[%add3A_293] : memref<2064xf32, #tpu.memory_space<vmem>>[vector<16xi32>], vector<16xf32>,
        %add3A_295 = arith.addf %add3A_290, %gather3A_294 : vector<16xf32>
        %broadcast_in_dim3A_296 = arith.constant 677 : i32
        %broadcast_in_dim3A_297 = vector.broadcast %broadcast_in_dim3A_296 : i32 to vector<16xi32>
        %add3A_298 = arith.addi %broadcast_in_dim3A_297, %iota3A : vector<16xi32>
        %gather3A_299 = tpu.vector_load_idx %arg12[%add3A_298] : memref<2064xf32, #tpu.memory_space<vmem>>[vector<16xi32>], vector<16xf32>,
        %add3A_300 = arith.addf %add3A_295, %gather3A_299 : vector<16xf32>
        %broadcast_in_dim3A_301 = arith.constant 806 : i32
        %broadcast_in_dim3A_302 = vector.broadcast %broadcast_in_dim3A_301 : i32 to vector<16xi32>
        %add3A_303 = arith.addi %broadcast_in_dim3A_302, %iota3A : vector<16xi32>
        %gather3A_304 = tpu.vector_load_idx %arg12[%add3A_303] : memref<2064xf32, #tpu.memory_space<vmem>>[vector<16xi32>], vector<16xf32>,
        %add3A_305 = arith.addf %add3A_300, %gather3A_304 : vector<16xf32>
        %broadcast_in_dim3A_306 = arith.constant 935 : i32
        %broadcast_in_dim3A_307 = vector.broadcast %broadcast_in_dim3A_306 : i32 to vector<16xi32>
        %add3A_308 = arith.addi %broadcast_in_dim3A_307, %iota3A : vector<16xi32>
        %gather3A_309 = tpu.vector_load_idx %arg12[%add3A_308] : memref<2064xf32, #tpu.memory_space<vmem>>[vector<16xi32>], vector<16xf32>,
        %add3A_310 = arith.addf %add3A_305, %gather3A_309 : vector<16xf32>
        %broadcast_in_dim3A_311 = arith.constant 1064 : i32
        %broadcast_in_dim3A_312 = vector.broadcast %broadcast_in_dim3A_311 : i32 to vector<16xi32>
        %add3A_313 = arith.addi %broadcast_in_dim3A_312, %iota3A : vector<16xi32>
        %gather3A_314 = tpu.vector_load_idx %arg12[%add3A_313] : memref<2064xf32, #tpu.memory_space<vmem>>[vector<16xi32>], vector<16xf32>,
        %add3A_315 = arith.addf %add3A_310, %gather3A_314 : vector<16xf32>
        %broadcast_in_dim3A_316 = arith.constant 1193 : i32
        %broadcast_in_dim3A_317 = vector.broadcast %broadcast_in_dim3A_316 : i32 to vector<16xi32>
        %add3A_318 = arith.addi %broadcast_in_dim3A_317, %iota3A : vector<16xi32>
        %gather3A_319 = tpu.vector_load_idx %arg12[%add3A_318] : memref<2064xf32, #tpu.memory_space<vmem>>[vector<16xi32>], vector<16xf32>,
        %add3A_320 = arith.addf %add3A_315, %gather3A_319 : vector<16xf32>
        %broadcast_in_dim3A_321 = arith.constant 1322 : i32
        %broadcast_in_dim3A_322 = vector.broadcast %broadcast_in_dim3A_321 : i32 to vector<16xi32>
        %add3A_323 = arith.addi %broadcast_in_dim3A_322, %iota3A : vector<16xi32>
        %gather3A_324 = tpu.vector_load_idx %arg12[%add3A_323] : memref<2064xf32, #tpu.memory_space<vmem>>[vector<16xi32>], vector<16xf32>,
        %add3A_325 = arith.addf %add3A_320, %gather3A_324 : vector<16xf32>
        %broadcast_in_dim3A_326 = arith.constant 1451 : i32
        %broadcast_in_dim3A_327 = vector.broadcast %broadcast_in_dim3A_326 : i32 to vector<16xi32>
        %add3A_328 = arith.addi %broadcast_in_dim3A_327, %iota3A : vector<16xi32>
        %gather3A_329 = tpu.vector_load_idx %arg12[%add3A_328] : memref<2064xf32, #tpu.memory_space<vmem>>[vector<16xi32>], vector<16xf32>,
        %add3A_330 = arith.addf %add3A_325, %gather3A_329 : vector<16xf32>
        %broadcast_in_dim3A_331 = arith.constant 1580 : i32
        %broadcast_in_dim3A_332 = vector.broadcast %broadcast_in_dim3A_331 : i32 to vector<16xi32>
        %add3A_333 = arith.addi %broadcast_in_dim3A_332, %iota3A : vector<16xi32>
        %gather3A_334 = tpu.vector_load_idx %arg12[%add3A_333] : memref<2064xf32, #tpu.memory_space<vmem>>[vector<16xi32>], vector<16xf32>,
        %add3A_335 = arith.addf %add3A_330, %gather3A_334 : vector<16xf32>
        %broadcast_in_dim3A_336 = arith.constant 1709 : i32
        %broadcast_in_dim3A_337 = vector.broadcast %broadcast_in_dim3A_336 : i32 to vector<16xi32>
        %add3A_338 = arith.addi %broadcast_in_dim3A_337, %iota3A : vector<16xi32>
        %gather3A_339 = tpu.vector_load_idx %arg12[%add3A_338] : memref<2064xf32, #tpu.memory_space<vmem>>[vector<16xi32>], vector<16xf32>,
        %add3A_340 = arith.addf %add3A_335, %gather3A_339 : vector<16xf32>
        %broadcast_in_dim3A_341 = arith.constant 1838 : i32
        %broadcast_in_dim3A_342 = vector.broadcast %broadcast_in_dim3A_341 : i32 to vector<16xi32>
        %add3A_343 = arith.addi %broadcast_in_dim3A_342, %iota3A : vector<16xi32>
        %gather3A_344 = tpu.vector_load_idx %arg12[%add3A_343] : memref<2064xf32, #tpu.memory_space<vmem>>[vector<16xi32>], vector<16xf32>,
        %add3A_345 = arith.addf %add3A_340, %gather3A_344 : vector<16xf32>
        %broadcast_in_dim3A_346 = arith.constant 1967 : i32
        %broadcast_in_dim3A_347 = vector.broadcast %broadcast_in_dim3A_346 : i32 to vector<16xi32>
        %add3A_348 = arith.addi %broadcast_in_dim3A_347, %iota3A : vector<16xi32>
        %gather3A_349 = tpu.vector_load_idx %arg12[%add3A_348] : memref<2064xf32, #tpu.memory_space<vmem>>[vector<16xi32>], vector<16xf32>,
        %add3A_350 = arith.addf %add3A_345, %gather3A_349 : vector<16xf32>
        %add3A_351 = arith.constant 32 : i32
        %add3A_352 = arith.addi %min3A_93, %add3A_351 : i32
        %swap3A_353 = arith.index_cast %add3A_352 : i32 to index
        %swap3A_354 = tpu.vector_load %arg8[%swap3A_353] {strides = array<i32>} : memref<10000xf32, #tpu.memory_space<vmem>>, vector<16xf32>,
        tpu.vector_store %arg8[%swap3A_353], %add3A_350 {strides = array<i32>} : memref<10000xf32, #tpu.memory_space<vmem>>, vector<16xf32>,
        %broadcast_in_dim3A_355 = arith.constant 0.000000e+00 : f32
        %broadcast_in_dim3A_356 = vector.broadcast %broadcast_in_dim3A_355 : f32 to vector<16xf32>
        %broadcast_in_dim3A_357 = arith.constant 48 : i32
        %broadcast_in_dim3A_358 = vector.broadcast %broadcast_in_dim3A_357 : i32 to vector<16xi32>
        %add3A_359 = arith.addi %broadcast_in_dim3A_358, %iota3A : vector<16xi32>
        %gather3A_360 = tpu.vector_load_idx %arg12[%add3A_359] : memref<2064xf32, #tpu.memory_space<vmem>>[vector<16xi32>], vector<16xf32>,
        %add3A_361 = arith.addf %broadcast_in_dim3A_356, %gather3A_360 : vector<16xf32>
        %broadcast_in_dim3A_362 = arith.constant 177 : i32
        %broadcast_in_dim3A_363 = vector.broadcast %broadcast_in_dim3A_362 : i32 to vector<16xi32>
        %add3A_364 = arith.addi %broadcast_in_dim3A_363, %iota3A : vector<16xi32>
        %gather3A_365 = tpu.vector_load_idx %arg12[%add3A_364] : memref<2064xf32, #tpu.memory_space<vmem>>[vector<16xi32>], vector<16xf32>,
        %add3A_366 = arith.addf %add3A_361, %gather3A_365 : vector<16xf32>
        %broadcast_in_dim3A_367 = arith.constant 306 : i32
        %broadcast_in_dim3A_368 = vector.broadcast %broadcast_in_dim3A_367 : i32 to vector<16xi32>
        %add3A_369 = arith.addi %broadcast_in_dim3A_368, %iota3A : vector<16xi32>
        %gather3A_370 = tpu.vector_load_idx %arg12[%add3A_369] : memref<2064xf32, #tpu.memory_space<vmem>>[vector<16xi32>], vector<16xf32>,
        %add3A_371 = arith.addf %add3A_366, %gather3A_370 : vector<16xf32>
        %broadcast_in_dim3A_372 = arith.constant 435 : i32
        %broadcast_in_dim3A_373 = vector.broadcast %broadcast_in_dim3A_372 : i32 to vector<16xi32>
        %add3A_374 = arith.addi %broadcast_in_dim3A_373, %iota3A : vector<16xi32>
        %gather3A_375 = tpu.vector_load_idx %arg12[%add3A_374] : memref<2064xf32, #tpu.memory_space<vmem>>[vector<16xi32>], vector<16xf32>,
        %add3A_376 = arith.addf %add3A_371, %gather3A_375 : vector<16xf32>
        %broadcast_in_dim3A_377 = arith.constant 564 : i32
        %broadcast_in_dim3A_378 = vector.broadcast %broadcast_in_dim3A_377 : i32 to vector<16xi32>
        %add3A_379 = arith.addi %broadcast_in_dim3A_378, %iota3A : vector<16xi32>
        %gather3A_380 = tpu.vector_load_idx %arg12[%add3A_379] : memref<2064xf32, #tpu.memory_space<vmem>>[vector<16xi32>], vector<16xf32>,
        %add3A_381 = arith.addf %add3A_376, %gather3A_380 : vector<16xf32>
        %broadcast_in_dim3A_382 = arith.constant 693 : i32
        %broadcast_in_dim3A_383 = vector.broadcast %broadcast_in_dim3A_382 : i32 to vector<16xi32>
        %add3A_384 = arith.addi %broadcast_in_dim3A_383, %iota3A : vector<16xi32>
        %gather3A_385 = tpu.vector_load_idx %arg12[%add3A_384] : memref<2064xf32, #tpu.memory_space<vmem>>[vector<16xi32>], vector<16xf32>,
        %add3A_386 = arith.addf %add3A_381, %gather3A_385 : vector<16xf32>
        %broadcast_in_dim3A_387 = arith.constant 822 : i32
        %broadcast_in_dim3A_388 = vector.broadcast %broadcast_in_dim3A_387 : i32 to vector<16xi32>
        %add3A_389 = arith.addi %broadcast_in_dim3A_388, %iota3A : vector<16xi32>
        %gather3A_390 = tpu.vector_load_idx %arg12[%add3A_389] : memref<2064xf32, #tpu.memory_space<vmem>>[vector<16xi32>], vector<16xf32>,
        %add3A_391 = arith.addf %add3A_386, %gather3A_390 : vector<16xf32>
        %broadcast_in_dim3A_392 = arith.constant 951 : i32
        %broadcast_in_dim3A_393 = vector.broadcast %broadcast_in_dim3A_392 : i32 to vector<16xi32>
        %add3A_394 = arith.addi %broadcast_in_dim3A_393, %iota3A : vector<16xi32>
        %gather3A_395 = tpu.vector_load_idx %arg12[%add3A_394] : memref<2064xf32, #tpu.memory_space<vmem>>[vector<16xi32>], vector<16xf32>,
        %add3A_396 = arith.addf %add3A_391, %gather3A_395 : vector<16xf32>
        %broadcast_in_dim3A_397 = arith.constant 1080 : i32
        %broadcast_in_dim3A_398 = vector.broadcast %broadcast_in_dim3A_397 : i32 to vector<16xi32>
        %add3A_399 = arith.addi %broadcast_in_dim3A_398, %iota3A : vector<16xi32>
        %gather3A_400 = tpu.vector_load_idx %arg12[%add3A_399] : memref<2064xf32, #tpu.memory_space<vmem>>[vector<16xi32>], vector<16xf32>,
        %add3A_401 = arith.addf %add3A_396, %gather3A_400 : vector<16xf32>
        %broadcast_in_dim3A_402 = arith.constant 1209 : i32
        %broadcast_in_dim3A_403 = vector.broadcast %broadcast_in_dim3A_402 : i32 to vector<16xi32>
        %add3A_404 = arith.addi %broadcast_in_dim3A_403, %iota3A : vector<16xi32>
        %gather3A_405 = tpu.vector_load_idx %arg12[%add3A_404] : memref<2064xf32, #tpu.memory_space<vmem>>[vector<16xi32>], vector<16xf32>,
        %add3A_406 = arith.addf %add3A_401, %gather3A_405 : vector<16xf32>
        %broadcast_in_dim3A_407 = arith.constant 1338 : i32
        %broadcast_in_dim3A_408 = vector.broadcast %broadcast_in_dim3A_407 : i32 to vector<16xi32>
        %add3A_409 = arith.addi %broadcast_in_dim3A_408, %iota3A : vector<16xi32>
        %gather3A_410 = tpu.vector_load_idx %arg12[%add3A_409] : memref<2064xf32, #tpu.memory_space<vmem>>[vector<16xi32>], vector<16xf32>,
        %add3A_411 = arith.addf %add3A_406, %gather3A_410 : vector<16xf32>
        %broadcast_in_dim3A_412 = arith.constant 1467 : i32
        %broadcast_in_dim3A_413 = vector.broadcast %broadcast_in_dim3A_412 : i32 to vector<16xi32>
        %add3A_414 = arith.addi %broadcast_in_dim3A_413, %iota3A : vector<16xi32>
        %gather3A_415 = tpu.vector_load_idx %arg12[%add3A_414] : memref<2064xf32, #tpu.memory_space<vmem>>[vector<16xi32>], vector<16xf32>,
        %add3A_416 = arith.addf %add3A_411, %gather3A_415 : vector<16xf32>
        %broadcast_in_dim3A_417 = arith.constant 1596 : i32
        %broadcast_in_dim3A_418 = vector.broadcast %broadcast_in_dim3A_417 : i32 to vector<16xi32>
        %add3A_419 = arith.addi %broadcast_in_dim3A_418, %iota3A : vector<16xi32>
        %gather3A_420 = tpu.vector_load_idx %arg12[%add3A_419] : memref<2064xf32, #tpu.memory_space<vmem>>[vector<16xi32>], vector<16xf32>,
        %add3A_421 = arith.addf %add3A_416, %gather3A_420 : vector<16xf32>
        %broadcast_in_dim3A_422 = arith.constant 1725 : i32
        %broadcast_in_dim3A_423 = vector.broadcast %broadcast_in_dim3A_422 : i32 to vector<16xi32>
        %add3A_424 = arith.addi %broadcast_in_dim3A_423, %iota3A : vector<16xi32>
        %gather3A_425 = tpu.vector_load_idx %arg12[%add3A_424] : memref<2064xf32, #tpu.memory_space<vmem>>[vector<16xi32>], vector<16xf32>,
        %add3A_426 = arith.addf %add3A_421, %gather3A_425 : vector<16xf32>
        %broadcast_in_dim3A_427 = arith.constant 1854 : i32
        %broadcast_in_dim3A_428 = vector.broadcast %broadcast_in_dim3A_427 : i32 to vector<16xi32>
        %add3A_429 = arith.addi %broadcast_in_dim3A_428, %iota3A : vector<16xi32>
        %gather3A_430 = tpu.vector_load_idx %arg12[%add3A_429] : memref<2064xf32, #tpu.memory_space<vmem>>[vector<16xi32>], vector<16xf32>,
        %add3A_431 = arith.addf %add3A_426, %gather3A_430 : vector<16xf32>
        %broadcast_in_dim3A_432 = arith.constant 1983 : i32
        %broadcast_in_dim3A_433 = vector.broadcast %broadcast_in_dim3A_432 : i32 to vector<16xi32>
        %add3A_434 = arith.addi %broadcast_in_dim3A_433, %iota3A : vector<16xi32>
        %gather3A_435 = tpu.vector_load_idx %arg12[%add3A_434] : memref<2064xf32, #tpu.memory_space<vmem>>[vector<16xi32>], vector<16xf32>,
        %add3A_436 = arith.addf %add3A_431, %gather3A_435 : vector<16xf32>
        %add3A_437 = arith.constant 48 : i32
        %add3A_438 = arith.addi %min3A_93, %add3A_437 : i32
        %swap3A_439 = arith.index_cast %add3A_438 : i32 to index
        %swap3A_440 = tpu.vector_load %arg8[%swap3A_439] {strides = array<i32>} : memref<10000xf32, #tpu.memory_space<vmem>>, vector<16xf32>,
        tpu.vector_store %arg8[%swap3A_439], %add3A_436 {strides = array<i32>} : memref<10000xf32, #tpu.memory_space<vmem>>, vector<16xf32>,
        %broadcast_in_dim3A_441 = arith.constant 0.000000e+00 : f32
        %broadcast_in_dim3A_442 = vector.broadcast %broadcast_in_dim3A_441 : f32 to vector<16xf32>
        %broadcast_in_dim3A_443 = arith.constant 64 : i32
        %broadcast_in_dim3A_444 = vector.broadcast %broadcast_in_dim3A_443 : i32 to vector<16xi32>
        %add3A_445 = arith.addi %broadcast_in_dim3A_444, %iota3A : vector<16xi32>
        %gather3A_446 = tpu.vector_load_idx %arg12[%add3A_445] : memref<2064xf32, #tpu.memory_space<vmem>>[vector<16xi32>], vector<16xf32>,
        %add3A_447 = arith.addf %broadcast_in_dim3A_442, %gather3A_446 : vector<16xf32>
        %broadcast_in_dim3A_448 = arith.constant 193 : i32
        %broadcast_in_dim3A_449 = vector.broadcast %broadcast_in_dim3A_448 : i32 to vector<16xi32>
        %add3A_450 = arith.addi %broadcast_in_dim3A_449, %iota3A : vector<16xi32>
        %gather3A_451 = tpu.vector_load_idx %arg12[%add3A_450] : memref<2064xf32, #tpu.memory_space<vmem>>[vector<16xi32>], vector<16xf32>,
        %add3A_452 = arith.addf %add3A_447, %gather3A_451 : vector<16xf32>
        %broadcast_in_dim3A_453 = arith.constant 322 : i32
        %broadcast_in_dim3A_454 = vector.broadcast %broadcast_in_dim3A_453 : i32 to vector<16xi32>
        %add3A_455 = arith.addi %broadcast_in_dim3A_454, %iota3A : vector<16xi32>
        %gather3A_456 = tpu.vector_load_idx %arg12[%add3A_455] : memref<2064xf32, #tpu.memory_space<vmem>>[vector<16xi32>], vector<16xf32>,
        %add3A_457 = arith.addf %add3A_452, %gather3A_456 : vector<16xf32>
        %broadcast_in_dim3A_458 = arith.constant 451 : i32
        %broadcast_in_dim3A_459 = vector.broadcast %broadcast_in_dim3A_458 : i32 to vector<16xi32>
        %add3A_460 = arith.addi %broadcast_in_dim3A_459, %iota3A : vector<16xi32>
        %gather3A_461 = tpu.vector_load_idx %arg12[%add3A_460] : memref<2064xf32, #tpu.memory_space<vmem>>[vector<16xi32>], vector<16xf32>,
        %add3A_462 = arith.addf %add3A_457, %gather3A_461 : vector<16xf32>
        %broadcast_in_dim3A_463 = arith.constant 580 : i32
        %broadcast_in_dim3A_464 = vector.broadcast %broadcast_in_dim3A_463 : i32 to vector<16xi32>
        %add3A_465 = arith.addi %broadcast_in_dim3A_464, %iota3A : vector<16xi32>
        %gather3A_466 = tpu.vector_load_idx %arg12[%add3A_465] : memref<2064xf32, #tpu.memory_space<vmem>>[vector<16xi32>], vector<16xf32>,
        %add3A_467 = arith.addf %add3A_462, %gather3A_466 : vector<16xf32>
        %broadcast_in_dim3A_468 = arith.constant 709 : i32
        %broadcast_in_dim3A_469 = vector.broadcast %broadcast_in_dim3A_468 : i32 to vector<16xi32>
        %add3A_470 = arith.addi %broadcast_in_dim3A_469, %iota3A : vector<16xi32>
        %gather3A_471 = tpu.vector_load_idx %arg12[%add3A_470] : memref<2064xf32, #tpu.memory_space<vmem>>[vector<16xi32>], vector<16xf32>,
        %add3A_472 = arith.addf %add3A_467, %gather3A_471 : vector<16xf32>
        %broadcast_in_dim3A_473 = arith.constant 838 : i32
        %broadcast_in_dim3A_474 = vector.broadcast %broadcast_in_dim3A_473 : i32 to vector<16xi32>
        %add3A_475 = arith.addi %broadcast_in_dim3A_474, %iota3A : vector<16xi32>
        %gather3A_476 = tpu.vector_load_idx %arg12[%add3A_475] : memref<2064xf32, #tpu.memory_space<vmem>>[vector<16xi32>], vector<16xf32>,
        %add3A_477 = arith.addf %add3A_472, %gather3A_476 : vector<16xf32>
        %broadcast_in_dim3A_478 = arith.constant 967 : i32
        %broadcast_in_dim3A_479 = vector.broadcast %broadcast_in_dim3A_478 : i32 to vector<16xi32>
        %add3A_480 = arith.addi %broadcast_in_dim3A_479, %iota3A : vector<16xi32>
        %gather3A_481 = tpu.vector_load_idx %arg12[%add3A_480] : memref<2064xf32, #tpu.memory_space<vmem>>[vector<16xi32>], vector<16xf32>,
        %add3A_482 = arith.addf %add3A_477, %gather3A_481 : vector<16xf32>
        %broadcast_in_dim3A_483 = arith.constant 1096 : i32
        %broadcast_in_dim3A_484 = vector.broadcast %broadcast_in_dim3A_483 : i32 to vector<16xi32>
        %add3A_485 = arith.addi %broadcast_in_dim3A_484, %iota3A : vector<16xi32>
        %gather3A_486 = tpu.vector_load_idx %arg12[%add3A_485] : memref<2064xf32, #tpu.memory_space<vmem>>[vector<16xi32>], vector<16xf32>,
        %add3A_487 = arith.addf %add3A_482, %gather3A_486 : vector<16xf32>
        %broadcast_in_dim3A_488 = arith.constant 1225 : i32
        %broadcast_in_dim3A_489 = vector.broadcast %broadcast_in_dim3A_488 : i32 to vector<16xi32>
        %add3A_490 = arith.addi %broadcast_in_dim3A_489, %iota3A : vector<16xi32>
        %gather3A_491 = tpu.vector_load_idx %arg12[%add3A_490] : memref<2064xf32, #tpu.memory_space<vmem>>[vector<16xi32>], vector<16xf32>,
        %add3A_492 = arith.addf %add3A_487, %gather3A_491 : vector<16xf32>
        %broadcast_in_dim3A_493 = arith.constant 1354 : i32
        %broadcast_in_dim3A_494 = vector.broadcast %broadcast_in_dim3A_493 : i32 to vector<16xi32>
        %add3A_495 = arith.addi %broadcast_in_dim3A_494, %iota3A : vector<16xi32>
        %gather3A_496 = tpu.vector_load_idx %arg12[%add3A_495] : memref<2064xf32, #tpu.memory_space<vmem>>[vector<16xi32>], vector<16xf32>,
        %add3A_497 = arith.addf %add3A_492, %gather3A_496 : vector<16xf32>
        %broadcast_in_dim3A_498 = arith.constant 1483 : i32
        %broadcast_in_dim3A_499 = vector.broadcast %broadcast_in_dim3A_498 : i32 to vector<16xi32>
        %add3A_500 = arith.addi %broadcast_in_dim3A_499, %iota3A : vector<16xi32>
        %gather3A_501 = tpu.vector_load_idx %arg12[%add3A_500] : memref<2064xf32, #tpu.memory_space<vmem>>[vector<16xi32>], vector<16xf32>,
        %add3A_502 = arith.addf %add3A_497, %gather3A_501 : vector<16xf32>
        %broadcast_in_dim3A_503 = arith.constant 1612 : i32
        %broadcast_in_dim3A_504 = vector.broadcast %broadcast_in_dim3A_503 : i32 to vector<16xi32>
        %add3A_505 = arith.addi %broadcast_in_dim3A_504, %iota3A : vector<16xi32>
        %gather3A_506 = tpu.vector_load_idx %arg12[%add3A_505] : memref<2064xf32, #tpu.memory_space<vmem>>[vector<16xi32>], vector<16xf32>,
        %add3A_507 = arith.addf %add3A_502, %gather3A_506 : vector<16xf32>
        %broadcast_in_dim3A_508 = arith.constant 1741 : i32
        %broadcast_in_dim3A_509 = vector.broadcast %broadcast_in_dim3A_508 : i32 to vector<16xi32>
        %add3A_510 = arith.addi %broadcast_in_dim3A_509, %iota3A : vector<16xi32>
        %gather3A_511 = tpu.vector_load_idx %arg12[%add3A_510] : memref<2064xf32, #tpu.memory_space<vmem>>[vector<16xi32>], vector<16xf32>,
        %add3A_512 = arith.addf %add3A_507, %gather3A_511 : vector<16xf32>
        %broadcast_in_dim3A_513 = arith.constant 1870 : i32
        %broadcast_in_dim3A_514 = vector.broadcast %broadcast_in_dim3A_513 : i32 to vector<16xi32>
        %add3A_515 = arith.addi %broadcast_in_dim3A_514, %iota3A : vector<16xi32>
        %gather3A_516 = tpu.vector_load_idx %arg12[%add3A_515] : memref<2064xf32, #tpu.memory_space<vmem>>[vector<16xi32>], vector<16xf32>,
        %add3A_517 = arith.addf %add3A_512, %gather3A_516 : vector<16xf32>
        %broadcast_in_dim3A_518 = arith.constant 1999 : i32
        %broadcast_in_dim3A_519 = vector.broadcast %broadcast_in_dim3A_518 : i32 to vector<16xi32>
        %add3A_520 = arith.addi %broadcast_in_dim3A_519, %iota3A : vector<16xi32>
        %gather3A_521 = tpu.vector_load_idx %arg12[%add3A_520] : memref<2064xf32, #tpu.memory_space<vmem>>[vector<16xi32>], vector<16xf32>,
        %add3A_522 = arith.addf %add3A_517, %gather3A_521 : vector<16xf32>
        %add3A_523 = arith.constant 64 : i32
        %add3A_524 = arith.addi %min3A_93, %add3A_523 : i32
        %swap3A_525 = arith.index_cast %add3A_524 : i32 to index
        %swap3A_526 = tpu.vector_load %arg8[%swap3A_525] {strides = array<i32>} : memref<10000xf32, #tpu.memory_space<vmem>>, vector<16xf32>,
        tpu.vector_store %arg8[%swap3A_525], %add3A_522 {strides = array<i32>} : memref<10000xf32, #tpu.memory_space<vmem>>, vector<16xf32>,
        %broadcast_in_dim3A_527 = arith.constant 0.000000e+00 : f32
        %broadcast_in_dim3A_528 = vector.broadcast %broadcast_in_dim3A_527 : f32 to vector<16xf32>
        %broadcast_in_dim3A_529 = arith.constant 80 : i32
        %broadcast_in_dim3A_530 = vector.broadcast %broadcast_in_dim3A_529 : i32 to vector<16xi32>
        %add3A_531 = arith.addi %broadcast_in_dim3A_530, %iota3A : vector<16xi32>
        %gather3A_532 = tpu.vector_load_idx %arg12[%add3A_531] : memref<2064xf32, #tpu.memory_space<vmem>>[vector<16xi32>], vector<16xf32>,
        %add3A_533 = arith.addf %broadcast_in_dim3A_528, %gather3A_532 : vector<16xf32>
        %broadcast_in_dim3A_534 = arith.constant 209 : i32
        %broadcast_in_dim3A_535 = vector.broadcast %broadcast_in_dim3A_534 : i32 to vector<16xi32>
        %add3A_536 = arith.addi %broadcast_in_dim3A_535, %iota3A : vector<16xi32>
        %gather3A_537 = tpu.vector_load_idx %arg12[%add3A_536] : memref<2064xf32, #tpu.memory_space<vmem>>[vector<16xi32>], vector<16xf32>,
        %add3A_538 = arith.addf %add3A_533, %gather3A_537 : vector<16xf32>
        %broadcast_in_dim3A_539 = arith.constant 338 : i32
        %broadcast_in_dim3A_540 = vector.broadcast %broadcast_in_dim3A_539 : i32 to vector<16xi32>
        %add3A_541 = arith.addi %broadcast_in_dim3A_540, %iota3A : vector<16xi32>
        %gather3A_542 = tpu.vector_load_idx %arg12[%add3A_541] : memref<2064xf32, #tpu.memory_space<vmem>>[vector<16xi32>], vector<16xf32>,
        %add3A_543 = arith.addf %add3A_538, %gather3A_542 : vector<16xf32>
        %broadcast_in_dim3A_544 = arith.constant 467 : i32
        %broadcast_in_dim3A_545 = vector.broadcast %broadcast_in_dim3A_544 : i32 to vector<16xi32>
        %add3A_546 = arith.addi %broadcast_in_dim3A_545, %iota3A : vector<16xi32>
        %gather3A_547 = tpu.vector_load_idx %arg12[%add3A_546] : memref<2064xf32, #tpu.memory_space<vmem>>[vector<16xi32>], vector<16xf32>,
        %add3A_548 = arith.addf %add3A_543, %gather3A_547 : vector<16xf32>
        %broadcast_in_dim3A_549 = arith.constant 596 : i32
        %broadcast_in_dim3A_550 = vector.broadcast %broadcast_in_dim3A_549 : i32 to vector<16xi32>
        %add3A_551 = arith.addi %broadcast_in_dim3A_550, %iota3A : vector<16xi32>
        %gather3A_552 = tpu.vector_load_idx %arg12[%add3A_551] : memref<2064xf32, #tpu.memory_space<vmem>>[vector<16xi32>], vector<16xf32>,
        %add3A_553 = arith.addf %add3A_548, %gather3A_552 : vector<16xf32>
        %broadcast_in_dim3A_554 = arith.constant 725 : i32
        %broadcast_in_dim3A_555 = vector.broadcast %broadcast_in_dim3A_554 : i32 to vector<16xi32>
        %add3A_556 = arith.addi %broadcast_in_dim3A_555, %iota3A : vector<16xi32>
        %gather3A_557 = tpu.vector_load_idx %arg12[%add3A_556] : memref<2064xf32, #tpu.memory_space<vmem>>[vector<16xi32>], vector<16xf32>,
        %add3A_558 = arith.addf %add3A_553, %gather3A_557 : vector<16xf32>
        %broadcast_in_dim3A_559 = arith.constant 854 : i32
        %broadcast_in_dim3A_560 = vector.broadcast %broadcast_in_dim3A_559 : i32 to vector<16xi32>
        %add3A_561 = arith.addi %broadcast_in_dim3A_560, %iota3A : vector<16xi32>
        %gather3A_562 = tpu.vector_load_idx %arg12[%add3A_561] : memref<2064xf32, #tpu.memory_space<vmem>>[vector<16xi32>], vector<16xf32>,
        %add3A_563 = arith.addf %add3A_558, %gather3A_562 : vector<16xf32>
        %broadcast_in_dim3A_564 = arith.constant 983 : i32
        %broadcast_in_dim3A_565 = vector.broadcast %broadcast_in_dim3A_564 : i32 to vector<16xi32>
        %add3A_566 = arith.addi %broadcast_in_dim3A_565, %iota3A : vector<16xi32>
        %gather3A_567 = tpu.vector_load_idx %arg12[%add3A_566] : memref<2064xf32, #tpu.memory_space<vmem>>[vector<16xi32>], vector<16xf32>,
        %add3A_568 = arith.addf %add3A_563, %gather3A_567 : vector<16xf32>
        %broadcast_in_dim3A_569 = arith.constant 1112 : i32
        %broadcast_in_dim3A_570 = vector.broadcast %broadcast_in_dim3A_569 : i32 to vector<16xi32>
        %add3A_571 = arith.addi %broadcast_in_dim3A_570, %iota3A : vector<16xi32>
        %gather3A_572 = tpu.vector_load_idx %arg12[%add3A_571] : memref<2064xf32, #tpu.memory_space<vmem>>[vector<16xi32>], vector<16xf32>,
        %add3A_573 = arith.addf %add3A_568, %gather3A_572 : vector<16xf32>
        %broadcast_in_dim3A_574 = arith.constant 1241 : i32
        %broadcast_in_dim3A_575 = vector.broadcast %broadcast_in_dim3A_574 : i32 to vector<16xi32>
        %add3A_576 = arith.addi %broadcast_in_dim3A_575, %iota3A : vector<16xi32>
        %gather3A_577 = tpu.vector_load_idx %arg12[%add3A_576] : memref<2064xf32, #tpu.memory_space<vmem>>[vector<16xi32>], vector<16xf32>,
        %add3A_578 = arith.addf %add3A_573, %gather3A_577 : vector<16xf32>
        %broadcast_in_dim3A_579 = arith.constant 1370 : i32
        %broadcast_in_dim3A_580 = vector.broadcast %broadcast_in_dim3A_579 : i32 to vector<16xi32>
        %add3A_581 = arith.addi %broadcast_in_dim3A_580, %iota3A : vector<16xi32>
        %gather3A_582 = tpu.vector_load_idx %arg12[%add3A_581] : memref<2064xf32, #tpu.memory_space<vmem>>[vector<16xi32>], vector<16xf32>,
        %add3A_583 = arith.addf %add3A_578, %gather3A_582 : vector<16xf32>
        %broadcast_in_dim3A_584 = arith.constant 1499 : i32
        %broadcast_in_dim3A_585 = vector.broadcast %broadcast_in_dim3A_584 : i32 to vector<16xi32>
        %add3A_586 = arith.addi %broadcast_in_dim3A_585, %iota3A : vector<16xi32>
        %gather3A_587 = tpu.vector_load_idx %arg12[%add3A_586] : memref<2064xf32, #tpu.memory_space<vmem>>[vector<16xi32>], vector<16xf32>,
        %add3A_588 = arith.addf %add3A_583, %gather3A_587 : vector<16xf32>
        %broadcast_in_dim3A_589 = arith.constant 1628 : i32
        %broadcast_in_dim3A_590 = vector.broadcast %broadcast_in_dim3A_589 : i32 to vector<16xi32>
        %add3A_591 = arith.addi %broadcast_in_dim3A_590, %iota3A : vector<16xi32>
        %gather3A_592 = tpu.vector_load_idx %arg12[%add3A_591] : memref<2064xf32, #tpu.memory_space<vmem>>[vector<16xi32>], vector<16xf32>,
        %add3A_593 = arith.addf %add3A_588, %gather3A_592 : vector<16xf32>
        %broadcast_in_dim3A_594 = arith.constant 1757 : i32
        %broadcast_in_dim3A_595 = vector.broadcast %broadcast_in_dim3A_594 : i32 to vector<16xi32>
        %add3A_596 = arith.addi %broadcast_in_dim3A_595, %iota3A : vector<16xi32>
        %gather3A_597 = tpu.vector_load_idx %arg12[%add3A_596] : memref<2064xf32, #tpu.memory_space<vmem>>[vector<16xi32>], vector<16xf32>,
        %add3A_598 = arith.addf %add3A_593, %gather3A_597 : vector<16xf32>
        %broadcast_in_dim3A_599 = arith.constant 1886 : i32
        %broadcast_in_dim3A_600 = vector.broadcast %broadcast_in_dim3A_599 : i32 to vector<16xi32>
        %add3A_601 = arith.addi %broadcast_in_dim3A_600, %iota3A : vector<16xi32>
        %gather3A_602 = tpu.vector_load_idx %arg12[%add3A_601] : memref<2064xf32, #tpu.memory_space<vmem>>[vector<16xi32>], vector<16xf32>,
        %add3A_603 = arith.addf %add3A_598, %gather3A_602 : vector<16xf32>
        %broadcast_in_dim3A_604 = arith.constant 2015 : i32
        %broadcast_in_dim3A_605 = vector.broadcast %broadcast_in_dim3A_604 : i32 to vector<16xi32>
        %add3A_606 = arith.addi %broadcast_in_dim3A_605, %iota3A : vector<16xi32>
        %gather3A_607 = tpu.vector_load_idx %arg12[%add3A_606] : memref<2064xf32, #tpu.memory_space<vmem>>[vector<16xi32>], vector<16xf32>,
        %add3A_608 = arith.addf %add3A_603, %gather3A_607 : vector<16xf32>
        %add3A_609 = arith.constant 80 : i32
        %add3A_610 = arith.addi %min3A_93, %add3A_609 : i32
        %swap3A_611 = arith.index_cast %add3A_610 : i32 to index
        %swap3A_612 = tpu.vector_load %arg8[%swap3A_611] {strides = array<i32>} : memref<10000xf32, #tpu.memory_space<vmem>>, vector<16xf32>,
        tpu.vector_store %arg8[%swap3A_611], %add3A_608 {strides = array<i32>} : memref<10000xf32, #tpu.memory_space<vmem>>, vector<16xf32>,
        %broadcast_in_dim3A_613 = arith.constant 0.000000e+00 : f32
        %broadcast_in_dim3A_614 = vector.broadcast %broadcast_in_dim3A_613 : f32 to vector<16xf32>
        %broadcast_in_dim3A_615 = arith.constant 96 : i32
        %broadcast_in_dim3A_616 = vector.broadcast %broadcast_in_dim3A_615 : i32 to vector<16xi32>
        %add3A_617 = arith.addi %broadcast_in_dim3A_616, %iota3A : vector<16xi32>
        %gather3A_618 = tpu.vector_load_idx %arg12[%add3A_617] : memref<2064xf32, #tpu.memory_space<vmem>>[vector<16xi32>], vector<16xf32>,
        %add3A_619 = arith.addf %broadcast_in_dim3A_614, %gather3A_618 : vector<16xf32>
        %broadcast_in_dim3A_620 = arith.constant 225 : i32
        %broadcast_in_dim3A_621 = vector.broadcast %broadcast_in_dim3A_620 : i32 to vector<16xi32>
        %add3A_622 = arith.addi %broadcast_in_dim3A_621, %iota3A : vector<16xi32>
        %gather3A_623 = tpu.vector_load_idx %arg12[%add3A_622] : memref<2064xf32, #tpu.memory_space<vmem>>[vector<16xi32>], vector<16xf32>,
        %add3A_624 = arith.addf %add3A_619, %gather3A_623 : vector<16xf32>
        %broadcast_in_dim3A_625 = arith.constant 354 : i32
        %broadcast_in_dim3A_626 = vector.broadcast %broadcast_in_dim3A_625 : i32 to vector<16xi32>
        %add3A_627 = arith.addi %broadcast_in_dim3A_626, %iota3A : vector<16xi32>
        %gather3A_628 = tpu.vector_load_idx %arg12[%add3A_627] : memref<2064xf32, #tpu.memory_space<vmem>>[vector<16xi32>], vector<16xf32>,
        %add3A_629 = arith.addf %add3A_624, %gather3A_628 : vector<16xf32>
        %broadcast_in_dim3A_630 = arith.constant 483 : i32
        %broadcast_in_dim3A_631 = vector.broadcast %broadcast_in_dim3A_630 : i32 to vector<16xi32>
        %add3A_632 = arith.addi %broadcast_in_dim3A_631, %iota3A : vector<16xi32>
        %gather3A_633 = tpu.vector_load_idx %arg12[%add3A_632] : memref<2064xf32, #tpu.memory_space<vmem>>[vector<16xi32>], vector<16xf32>,
        %add3A_634 = arith.addf %add3A_629, %gather3A_633 : vector<16xf32>
        %broadcast_in_dim3A_635 = arith.constant 612 : i32
        %broadcast_in_dim3A_636 = vector.broadcast %broadcast_in_dim3A_635 : i32 to vector<16xi32>
        %add3A_637 = arith.addi %broadcast_in_dim3A_636, %iota3A : vector<16xi32>
        %gather3A_638 = tpu.vector_load_idx %arg12[%add3A_637] : memref<2064xf32, #tpu.memory_space<vmem>>[vector<16xi32>], vector<16xf32>,
        %add3A_639 = arith.addf %add3A_634, %gather3A_638 : vector<16xf32>
        %broadcast_in_dim3A_640 = arith.constant 741 : i32
        %broadcast_in_dim3A_641 = vector.broadcast %broadcast_in_dim3A_640 : i32 to vector<16xi32>
        %add3A_642 = arith.addi %broadcast_in_dim3A_641, %iota3A : vector<16xi32>
        %gather3A_643 = tpu.vector_load_idx %arg12[%add3A_642] : memref<2064xf32, #tpu.memory_space<vmem>>[vector<16xi32>], vector<16xf32>,
        %add3A_644 = arith.addf %add3A_639, %gather3A_643 : vector<16xf32>
        %broadcast_in_dim3A_645 = arith.constant 870 : i32
        %broadcast_in_dim3A_646 = vector.broadcast %broadcast_in_dim3A_645 : i32 to vector<16xi32>
        %add3A_647 = arith.addi %broadcast_in_dim3A_646, %iota3A : vector<16xi32>
        %gather3A_648 = tpu.vector_load_idx %arg12[%add3A_647] : memref<2064xf32, #tpu.memory_space<vmem>>[vector<16xi32>], vector<16xf32>,
        %add3A_649 = arith.addf %add3A_644, %gather3A_648 : vector<16xf32>
        %broadcast_in_dim3A_650 = arith.constant 999 : i32
        %broadcast_in_dim3A_651 = vector.broadcast %broadcast_in_dim3A_650 : i32 to vector<16xi32>
        %add3A_652 = arith.addi %broadcast_in_dim3A_651, %iota3A : vector<16xi32>
        %gather3A_653 = tpu.vector_load_idx %arg12[%add3A_652] : memref<2064xf32, #tpu.memory_space<vmem>>[vector<16xi32>], vector<16xf32>,
        %add3A_654 = arith.addf %add3A_649, %gather3A_653 : vector<16xf32>
        %broadcast_in_dim3A_655 = arith.constant 1128 : i32
        %broadcast_in_dim3A_656 = vector.broadcast %broadcast_in_dim3A_655 : i32 to vector<16xi32>
        %add3A_657 = arith.addi %broadcast_in_dim3A_656, %iota3A : vector<16xi32>
        %gather3A_658 = tpu.vector_load_idx %arg12[%add3A_657] : memref<2064xf32, #tpu.memory_space<vmem>>[vector<16xi32>], vector<16xf32>,
        %add3A_659 = arith.addf %add3A_654, %gather3A_658 : vector<16xf32>
        %broadcast_in_dim3A_660 = arith.constant 1257 : i32
        %broadcast_in_dim3A_661 = vector.broadcast %broadcast_in_dim3A_660 : i32 to vector<16xi32>
        %add3A_662 = arith.addi %broadcast_in_dim3A_661, %iota3A : vector<16xi32>
        %gather3A_663 = tpu.vector_load_idx %arg12[%add3A_662] : memref<2064xf32, #tpu.memory_space<vmem>>[vector<16xi32>], vector<16xf32>,
        %add3A_664 = arith.addf %add3A_659, %gather3A_663 : vector<16xf32>
        %broadcast_in_dim3A_665 = arith.constant 1386 : i32
        %broadcast_in_dim3A_666 = vector.broadcast %broadcast_in_dim3A_665 : i32 to vector<16xi32>
        %add3A_667 = arith.addi %broadcast_in_dim3A_666, %iota3A : vector<16xi32>
        %gather3A_668 = tpu.vector_load_idx %arg12[%add3A_667] : memref<2064xf32, #tpu.memory_space<vmem>>[vector<16xi32>], vector<16xf32>,
        %add3A_669 = arith.addf %add3A_664, %gather3A_668 : vector<16xf32>
        %broadcast_in_dim3A_670 = arith.constant 1515 : i32
        %broadcast_in_dim3A_671 = vector.broadcast %broadcast_in_dim3A_670 : i32 to vector<16xi32>
        %add3A_672 = arith.addi %broadcast_in_dim3A_671, %iota3A : vector<16xi32>
        %gather3A_673 = tpu.vector_load_idx %arg12[%add3A_672] : memref<2064xf32, #tpu.memory_space<vmem>>[vector<16xi32>], vector<16xf32>,
        %add3A_674 = arith.addf %add3A_669, %gather3A_673 : vector<16xf32>
        %broadcast_in_dim3A_675 = arith.constant 1644 : i32
        %broadcast_in_dim3A_676 = vector.broadcast %broadcast_in_dim3A_675 : i32 to vector<16xi32>
        %add3A_677 = arith.addi %broadcast_in_dim3A_676, %iota3A : vector<16xi32>
        %gather3A_678 = tpu.vector_load_idx %arg12[%add3A_677] : memref<2064xf32, #tpu.memory_space<vmem>>[vector<16xi32>], vector<16xf32>,
        %add3A_679 = arith.addf %add3A_674, %gather3A_678 : vector<16xf32>
        %broadcast_in_dim3A_680 = arith.constant 1773 : i32
        %broadcast_in_dim3A_681 = vector.broadcast %broadcast_in_dim3A_680 : i32 to vector<16xi32>
        %add3A_682 = arith.addi %broadcast_in_dim3A_681, %iota3A : vector<16xi32>
        %gather3A_683 = tpu.vector_load_idx %arg12[%add3A_682] : memref<2064xf32, #tpu.memory_space<vmem>>[vector<16xi32>], vector<16xf32>,
        %add3A_684 = arith.addf %add3A_679, %gather3A_683 : vector<16xf32>
        %broadcast_in_dim3A_685 = arith.constant 1902 : i32
        %broadcast_in_dim3A_686 = vector.broadcast %broadcast_in_dim3A_685 : i32 to vector<16xi32>
        %add3A_687 = arith.addi %broadcast_in_dim3A_686, %iota3A : vector<16xi32>
        %gather3A_688 = tpu.vector_load_idx %arg12[%add3A_687] : memref<2064xf32, #tpu.memory_space<vmem>>[vector<16xi32>], vector<16xf32>,
        %add3A_689 = arith.addf %add3A_684, %gather3A_688 : vector<16xf32>
        %broadcast_in_dim3A_690 = arith.constant 2031 : i32
        %broadcast_in_dim3A_691 = vector.broadcast %broadcast_in_dim3A_690 : i32 to vector<16xi32>
        %add3A_692 = arith.addi %broadcast_in_dim3A_691, %iota3A : vector<16xi32>
        %gather3A_693 = tpu.vector_load_idx %arg12[%add3A_692] : memref<2064xf32, #tpu.memory_space<vmem>>[vector<16xi32>], vector<16xf32>,
        %add3A_694 = arith.addf %add3A_689, %gather3A_693 : vector<16xf32>
        %add3A_695 = arith.constant 96 : i32
        %add3A_696 = arith.addi %min3A_93, %add3A_695 : i32
        %swap3A_697 = arith.index_cast %add3A_696 : i32 to index
        %swap3A_698 = tpu.vector_load %arg8[%swap3A_697] {strides = array<i32>} : memref<10000xf32, #tpu.memory_space<vmem>>, vector<16xf32>,
        tpu.vector_store %arg8[%swap3A_697], %add3A_694 {strides = array<i32>} : memref<10000xf32, #tpu.memory_space<vmem>>, vector<16xf32>,
        %add3A_699 = arith.constant 3 : i32
        %add3A_700 = arith.addi %add3A_79, %add3A_699 : i32
        %lt3A_701 = arith.constant 90 : i32
        %lt3A_702 = arith.cmpi slt, %add3A_700, %lt3A_701 : i32
        %convert_element_type3A_703 = arith.extui %lt3A_702 : i1 to i32
        %cond3A_704 = arith.constant 0 : i32
        %cond3A_705 = arith.cmpi ne, %convert_element_type3A_703, %cond3A_704 : i32
        scf.if %cond3A_705 {
          %add3A_706 = arith.constant 3 : i32
          %add3A_707 = arith.addi %add3A_79, %add3A_706 : i32
          %mul3A_708 = arith.constant 112 : i32
          %mul3A_709 = arith.muli %add3A_707, %mul3A_708 : i32
          %min3A_710 = arith.constant 9888 : i32
          %min3A_711 = arith.minsi %mul3A_709, %min3A_710 : i32
          %dma_start3A_712 = arith.constant 0 : i32
          %dma_start3A_713 = arith.constant 0 : i32
          %dma_start3A_714 = tpu.memref_slice %arg11[%dma_start3A_712, %dma_start3A_713] : memref<224x128xf32, #tpu.memory_space<vmem>> -> memref<112x128xf32, #tpu.memory_space<vmem>>
          %dma_start3A_715 = tpu.memref_slice %arg6[%min3A_711] : memref<10000xi32, #tpu.memory_space<vmem>> -> memref<112xi32, #tpu.memory_space<vmem>>
          %dma_start3A_716 = arith.constant 0 : i32
          %dma_start3A_717 = arith.constant 0 : i32
          %dma_start3A_718 = tpu.memref_slice %arg2[%dma_start3A_716, %dma_start3A_717] : memref<10000x128xf32, #tpu.memory_space<hbm>> -> memref<10000x128xf32, #tpu.memory_space<hbm>>
          tpu.enqueue_indirect_dma source(%dma_start3A_718 : memref<10000x128xf32, #tpu.memory_space<hbm>>) target(%dma_start3A_714 : memref<112x128xf32, #tpu.memory_space<vmem>>) offsets(%dma_start3A_715 : memref<112xi32, #tpu.memory_space<vmem>>) semaphore(%arg15 : memref<!tpu.dma_semaphore, #tpu.memory_space<semaphore_mem>>)
          %dma_start3A_719 = arith.constant 112 : i32
          %dma_start3A_720 = arith.constant 0 : i32
          %dma_start3A_721 = tpu.memref_slice %arg11[%dma_start3A_719, %dma_start3A_720] : memref<224x128xf32, #tpu.memory_space<vmem>> -> memref<112x128xf32, #tpu.memory_space<vmem>>
          %dma_start3A_722 = tpu.memref_slice %arg7[%min3A_711] : memref<10000xi32, #tpu.memory_space<vmem>> -> memref<112xi32, #tpu.memory_space<vmem>>
          %dma_start3A_723 = arith.constant 0 : i32
          %dma_start3A_724 = arith.constant 0 : i32
          %dma_start3A_725 = tpu.memref_slice %arg2[%dma_start3A_723, %dma_start3A_724] : memref<10000x128xf32, #tpu.memory_space<hbm>> -> memref<10000x128xf32, #tpu.memory_space<hbm>>
          tpu.enqueue_indirect_dma source(%dma_start3A_725 : memref<10000x128xf32, #tpu.memory_space<hbm>>) target(%dma_start3A_721 : memref<112x128xf32, #tpu.memory_space<vmem>>) offsets(%dma_start3A_722 : memref<112xi32, #tpu.memory_space<vmem>>) semaphore(%arg15 : memref<!tpu.dma_semaphore, #tpu.memory_space<semaphore_mem>>)
        } else {
        }
      } else {
      }
    }
    %scan3A_59 = arith.constant 30 : i32
    "tpu.region"() ({
      %run_scoped3A = tpu.sem_alloc : memref<!tpu.dma_semaphore, #tpu.memory_space<semaphore_mem>>
      %dma_start3A_60 = tpu.memref_slice %arg5[%mul3A_2] : memref<320000xf32, #tpu.memory_space<hbm>> -> memref<10000xf32, #tpu.memory_space<hbm>>
      %dma_start3A_61 = tpu.memref_slice %arg5[%mul3A_2] : memref<320000xf32, #tpu.memory_space<hbm>> -> memref<10000xf32, #tpu.memory_space<hbm>>
      tpu.enqueue_dma source(%arg8 : memref<10000xf32, #tpu.memory_space<vmem>>) target(%dma_start3A_61 : memref<10000xf32, #tpu.memory_space<hbm>>) target_semaphore(%run_scoped3A : memref<!tpu.dma_semaphore, #tpu.memory_space<semaphore_mem>>)
      %dma_wait3A = tpu.memref_slice %arg5[%mul3A_2] : memref<320000xf32, #tpu.memory_space<hbm>> -> memref<10000xf32, #tpu.memory_space<hbm>>
      %dma_wait3A_62 = tpu.memref_slice %arg5[%mul3A_2] : memref<320000xf32, #tpu.memory_space<hbm>> -> memref<10000xf32, #tpu.memory_space<hbm>>
      tpu.wait_dma2 semaphore(%run_scoped3A : memref<!tpu.dma_semaphore, #tpu.memory_space<semaphore_mem>>) src(%arg8 : memref<10000xf32, #tpu.memory_space<vmem>>) dst(%dma_wait3A_62 : memref<10000xf32, #tpu.memory_space<hbm>>)
      tpu.yield
    }) : () -> ()
    return
  }
}

</mosaic_0001>

<sc_bundles>
// kernel: kernel.3.cloned.1.call-start
scs
__scs_entry_jumppad:
0x0: {  	(pc) =	sbr.rel $0x88, $3  }
0x1: {  	(tag) =	ssettag $0x0;
	lr =	simm.s32 $0x1  }
0x2: {  	[smem:$0x3F9F] =	sst lr;
	_ =	strace $0xD0000000  }
0x3: {  	_ = 	snop  }
0x4: {  	_ = 	snop  }
0x5: {  	_ = 	snop  }
0x6: {  	_ = 	snop  }
0x7: {  	_ = 	snop  }
__scs_overlays_trampoline_lowered:
0x8: {  	[smem:$0x3FAE] =	sst s0  }
0x9: {  	[smem:$0x3FAF] =	sst s1  }
0xa: {  	[smem:$0x3FB0] =	sst s2  }
0xb: {  	[smem:$0x3FB1] =	sst s3  }
0xc: {  	[smem:$0x3FB2] =	sst s4  }
0xd: {  	[smem:$0x3FB3] =	sst s5  }
0xe: {  	[smem:$0x3FB4] =	sst s6  }
0xf: {  	[smem:$0x3FB5] =	sst s7  }
0x10: {  	[smem:$0x3FB6] =	sst s8  }
0x11: {  	[smem:$0x3FB7] =	sst s9;
	s0 =	simm.s32 @!p0 $0x0  }
0x12: {  	s1 =	sld [smem:$0x3F9D];
	s0 =	simm.s32 @p0 $0x1  }
0x13: {  	[smem:$0x3FB8] =	sst s0;
	s0 =	simm.s32 @!p1 $0x0  }
0x14: {  	s2 =	sld [smem:$0x3F9C];
	s0 =	simm.s32 @p1 $0x1  }
0x15: {  	[smem:$0x3FB9] =	sst s0;
	s0 =	simm.s32 @!p2 $0x0  }
0x16: {  	s3 =	sld [smem:$0x3FDB];
	s0 =	simm.s32 @p2 $0x1  }
0x17: {  	s4 =	simm.s32 $0x1BF5;
	[smem:$0x3FBB] =	sst s0  }
0x18: {  	s0 =	sld [smem:$0x3F9E];
	_ =	swait.ge [sflag:s4], $0x0  }
0x19: {  	s7 =	sld [smem:$0x3F9F]  }
0x1a: {  	s8 =	sadd.s32 $0xFFFFE003, lr  }
0x1b: {  	s9 =	sadd.s32 $0xFFFFFEF7, lr;
	s5 =	simm.s32 $0xFFFFFFFF;
	p2 =	slt.u32 s8, $0xFFFFF086  }
0x1c: {  	p1 =	slt.u32 s9, $0xF7A;
	s5 =	simm.s32 @!p2 $0x0  }
0x1d: {  	s5 =	simm.s32 @p1 $0x1;
	p0 =	seq.s32 s7, s2  }
0x1e: {  	s7 =	smul.u32 @!p0 $0xF7A, s2;
	p2 =	seq.s32 @!p0 s5, $0x0  }
0x1f: {  	s9 =	smul.u32 $0xF7A, s1;
	s8 =	simm.s32 @!p0 $0x1BF5;
	p2 =	por !p2, p0  }
0x20: {  	[sflag:s8] =	ssyncset.s32 @!p0 $0xFFFFF086;
	s6 =	sadd.s32 @!p0 s3, s7;
	s7 =	simm.s32 @!p0 $0x108  }
0x21: {  	s3 =	sadd.s32 s3, s9;
	s6 =	sadd.s32 @!p0 $0x88, s6;
	s7 =	simm.s32 @p2 $0x1082  }
0x22: {  	[simem:s7], [sflag:s8] =	dma.local @!p0 [hbm:s6], $0xF7A  }
0x23: {  	s9 =	sor.u32 $0xD0000000, s2;
	s6 =	simm.s32 $0x108;
	_ =	swait.ge @!p0 [sflag:s8], $0x0  }
0x24: {  	s3 =	sadd.s32 $0x88, s3;
	s6 =	simm.s32 @!p1 $0x1082;
	[sflag:s4] =	ssyncset.s32 $0xFFFFF086  }
0x25: {  	[simem:s6], [sflag:s4] =	dma.local [hbm:s3], $0xF7A  }
0x26: {  	[smem:$0x3F9F] =	sst s1;
	(tag) =	ssettag s2;
	_ =	strace s9  }
0x27: {  	s1 =	sld [smem:$0x3FAF]  }
0x28: {  	s2 =	sld [smem:$0x3FB0]  }
0x29: {  	s4 =	sld [smem:$0x3FB2]  }
0x2a: {  	p0 =	seq.s32 s5, $0x0;
	s5 =	sld [smem:$0x3FB3]  }
0x2b: {  	s6 =	sld [smem:$0x3FB4]  }
0x2c: {  	s7 =	sld [smem:$0x3FB5]  }
0x2d: {  	s3 =	simm.s32 $0x108;
	s8 =	sld [smem:$0x3FB6]  }
0x2e: {  	s3 =	simm.s32 @!p0 $0x1082;
	s9 =	sld [smem:$0x3FB7]  }
0x2f: {  	lr =	sadd.s32 s0, s3;
	s0 =	sld [smem:$0x3FAE]  }
0x30: {  	s3 =	sld [smem:$0x3FB1]  }
0x31: {  	[smem:$0x3FBA] =	sst s10  }
0x32: {  	s10 =	sld [smem:$0x3FB8];
	_ =	sdelay $0x3  }
0x33: {  	p0 =	seq.s32 s10, $0x1;
	s10 =	sld [smem:$0x3FBA];
	_ =	sdelay $0x3  }
0x34: {  	[smem:$0x3FBA] =	sst s10  }
0x35: {  	s10 =	sld [smem:$0x3FB9];
	_ =	sdelay $0x3  }
0x36: {  	p1 =	seq.s32 s10, $0x1;
	s10 =	sld [smem:$0x3FBA];
	_ =	sdelay $0x3  }
0x37: {  	[smem:$0x3FBA] =	sst s10  }
0x38: {  	s10 =	sld [smem:$0x3FBB]  }
0x39: {  	_ = 	snop;
	(pc) =	sbr.ind lr, $3  }
0x3a: {  	_ = 	snop  }
0x3b: {  	_ = 	snop  }
0x3c: {  	p2 =	seq.s32 s10, $0x1;
	s10 =	sld [smem:$0x3FBA]  }
0x3d: {  	_ =	shalt  }
0x3e: {  	_ =	shalt  }
0x3f: {  	_ =	shalt  }
0x40: {  	_ =	shalt  }
0x41: {  	_ =	shalt  }
0x42: {  	_ =	shalt  }
0x43: {  	_ =	shalt  }
0x44: {  	_ =	shalt  }
0x45: {  	_ =	shalt  }
0x46: {  	_ =	shalt  }
0x47: {  	_ =	shalt  }
0x48: {  	_ =	shalt  }
0x49: {  	_ =	shalt  }
0x4a: {  	_ =	shalt  }
0x4b: {  	_ =	shalt  }
0x4c: {  	_ =	shalt  }
0x4d: {  	_ =	shalt  }
0x4e: {  	_ =	shalt  }
0x4f: {  	_ =	shalt  }
0x50: {  	_ =	shalt  }
0x51: {  	_ =	shalt  }
0x52: {  	_ =	shalt  }
0x53: {  	_ =	shalt  }
0x54: {  	_ =	shalt  }
0x55: {  	_ =	shalt  }
0x56: {  	_ =	shalt  }
0x57: {  	_ =	shalt  }
0x58: {  	_ =	shalt  }
0x59: {  	_ =	shalt  }
0x5a: {  	_ =	shalt  }
0x5b: {  	_ =	shalt  }
0x5c: {  	_ =	shalt  }
0x5d: {  	_ =	shalt  }
0x5e: {  	_ =	shalt  }
0x5f: {  	_ =	shalt  }
0x60: {  	_ =	shalt  }
0x61: {  	_ =	shalt  }
0x62: {  	_ =	shalt  }
0x63: {  	_ =	shalt  }
0x64: {  	_ =	shalt  }
0x65: {  	_ =	shalt  }
0x66: {  	_ =	shalt  }
0x67: {  	_ =	shalt  }
0x68: {  	_ =	shalt  }
0x69: {  	_ =	shalt  }
0x6a: {  	_ =	shalt  }
0x6b: {  	_ =	shalt  }
0x6c: {  	_ =	shalt  }
0x6d: {  	_ =	shalt  }
0x6e: {  	_ =	shalt  }
0x6f: {  	_ =	shalt  }
0x70: {  	_ =	shalt  }
0x71: {  	_ =	shalt  }
0x72: {  	_ =	shalt  }
0x73: {  	_ =	shalt  }
0x74: {  	_ =	shalt  }
0x75: {  	_ =	shalt  }
0x76: {  	_ =	shalt  }
0x77: {  	_ =	shalt  }
0x78: {  	_ =	shalt  }
0x79: {  	_ =	shalt  }
0x7a: {  	_ =	shalt  }
0x7b: {  	_ =	shalt  }
0x7c: {  	_ =	shalt  }
0x7d: {  	_ =	shalt  }
0x7e: {  	_ =	shalt  }
0x7f: {  	_ =	shalt  }
0x80: {  	_ =	shalt  }
0x81: {  	_ =	shalt  }
0x82: {  	_ =	shalt  }
0x83: {  	_ =	shalt  }
0x84: {  	_ =	shalt  }
0x85: {  	_ =	shalt  }
0x86: {  	_ =	shalt  }
0x87: {  	_ =	shalt  }
.Lfunc_end0:
.L_simem_size_0:
called_computation_lowered:
.L_overlay_start_0:
0x88: {  	s2 =	sld [smem:$0x3FD9]  }
0x89: {  	s3 =	sld [smem:$0x3FFE];
	_ =	sdelay $0x1  }
0x8a: {  	s1 =	srdreg.scid  }
0x8b: {  	s0 =	sand.u32 $0x1, s1  }
0x8c: {  	s17 =	sshll.u32 s0, $0xA;
	s2 =	sadd.s32 s3, s2  }
0x8d: {  	s2 =	sadd.s32 s2, s17  }
0x8e: {  	[smem:$0x3FC6] =	sst s2  }
0x8f: {  	_ = 	snop  }
0x90: {  	s2 =	sld [smem:$0x3FC9]  }
0x91: {  	s18 =	sld [smem:$0x3FD0];
	(tm) =	ssettm $0x1  }
0x92: {  	s4 =	sld [smem:$0x3FFB];
	_ =	sdelay $0x3  }
0x93: {  	_ =	strace s4  }
0x94: {  	s4 =	sld [smem:$0x3FFC];
	_ =	sdelay $0x3  }
0x95: {  	_ =	strace s4  }
0x96: {  	s4 =	sld [smem:$0x3FFD];
	_ =	sdelay $0x3  }
0x97: {  	_ =	strace s4  }
0x98: {  	_ =	strace $0x8FFFFFFF  }
0x99: {  	s19 =	sld [smem:$0x3FDB];
	_ =	sdelay $0x1  }
0x9a: {  	s5 =	simm.s32 $_scs_section_size  }
0x9b: {  	s6 =	simm.s32 $_size__tile_overlayer_lowered;
	s7 =	simm.s32 $_tile_overlayer_lowered  }
0x9c: {  	s22 =	simm.s32 $0x1BFF;
	s21 =	sshll.u32 s7, $0x1;
	s4 =	sadd.s32 s5, s19  }
0x9d: {  	s8 =	simm.s32 $0x0;
	s20 =	sshll.u32 s6, $0x1;
	s6 =	sadd.s32 s21, s4  }
0x9e: {  	[timem:s8], [sflag:s22] =	dma.local [hbm:s6], s20  }
0x9f: {  	_ =	swait.ge [sflag:s22], s20  }
0xa0: {  	s5 =	ssub.s32 $0x0, s20;
	[sflag:s22] =	ssyncset.done $0x0  }
0xa1: {  	[sflag:s22] =	ssyncadd.s32 s5;
	_ =	sdelay $0x1  }
0xa2: {  	s23 =	simm.s32 $0x1B8B  }
0xa3: {  	_ =	swait.ge [sflag:s23], $0x1  }
0xa4: {  	[sflag:s23] =	ssyncset.done $0x0  }
0xa5: {  	s25 =	simm.s32 $0x1B8E;
	s24 =	sld [smem:$0x3FFE];
	[sflag:s23] =	ssyncadd.s32 $0xFFFFFFFF  }
0xa6: {  	s26 =	simm.s32 $execute0_lowered;
	[smem:$0x3FD2] =	sst s25  }
0xa7: {  	s6 =	sshll.u32 s26, $0x1;
	_ =	strace $0x80000046;
	[dreg:$0x1] =	wrdreg $0xFFFFFFFF  }
0xa8: {  	s28 =	simm.s32 $_size_execute0_lowered;
	s4 =	sadd.s32 s4, s6;
	[dreg:$0x0] =	wrdreg $0x0  }
0xa9: {  	s6 =	sshll.u32 s28, $0x1;
	[dreg:$0x2] =	wrdreg s4  }
0xaa: {  	[dreg:$0x3] =	wrdreg s6  }
0xab: {  	[dreg:$0x4] =	wrdreg $0xC0  }
0xac: {  	_ =	task [dreg:s8], $0x5FFFF  }
0xad: {  	[dreg:$0x1] =	wrdreg $0xFFFFFFFF  }
0xae: {  	[dreg:$0x0] =	wrdreg $0x60  }
0xaf: {  	[dreg:$0x2] =	wrdreg s2  }
0xb0: {  	[dreg:$0x3] =	wrdreg s24  }
0xb1: {  	[dreg:$0x4] =	wrdreg s18  }
0xb2: {  	[dreg:$0x5] =	wrdreg $0x9  }
0xb3: {  	_ =	task.clear_ibuf [dreg:s8], $0x6FFFF;
	_ =	strace $0x90000046  }
0xb4: {  	s29 =	simm.s32 $0x9;
	_ =	strace $0x80000048  }
0xb5: {  	_ =	swait.ge [sflag:s29], $0x1  }
0xb6: {  	[sflag:s29] =	ssyncadd.s32 $0xFFFFFFFF  }
0xb7: {  	_ =	strace $0x90000048  }
0xb8: {  	_ =	sfence  }
0xb9: {  	s30 =	sld [smem:$0x0];
	_ =	sdelay $0x2  }
0xba: {  	s31 =	sshll.u32 s1, $0xD;
	s1 =	sshrl.u32 s1, $0x2  }
0xbb: {  	s3 =	sand.u32 $0x4000, s31;
	s1 =	sadd.s32 s1, s30  }
0xbc: {  	s0 =	sor.u32 s3, s0;
	s1 =	sshll.u32 s1, $0x11  }
0xbd: {  	s0 =	sor.u32 s1, s0  }
0xbe: {  	s0 =	sadd.s32 $0x8F2B, s0  }
0xbf: {  	[sflag:s0] =	ssyncadd.remote.s32 $0x1  }
0xc0: {  	_ =	sfence.sel $0xFFFF  }
0xc1: {  	[dreg:$0x0] =	wrdreg $0xFFFFFFFF;
	(pc) =	sbr.abs _section_cstart, $3  }
0xc2: {  	[dreg:$0x1] =	wrdreg $0xFFFFFFFF  }
0xc3: {  	_ =	task.clear_ibuf [dreg:s8], $0x2FFFF;
	_ =	strace $0x9FFFFFFF  }
0xc4: {  	(tm) =	ssettm $0x7FFFFFFF  }
0xc5: {  	_ =	shalt  }
tec
execute0_lowered:
.L_overlay_start_1:
0x0: {  	(tag) =	ssettag $0x1  }
0x1: {  	v0 =	vlaneseq.u32  }
0x2: {  	v2 =	vadd.s32 $0x81, v0  }
0x3: {  	[tilespmem:$0x1FC70] =	vst v2;
	v2 =	vadd.s32 $0x102, v0  }
0x4: {  	[tilespmem:$0x1FC80] =	vst v2;
	v2 =	vadd.s32 $0x183, v0  }
0x5: {  	[tilespmem:$0x1FC90] =	vst v2;
	v2 =	vadd.s32 $0x204, v0  }
0x6: {  	[tilespmem:$0x1FCA0] =	vst v2;
	v2 =	vadd.s32 $0x285, v0  }
0x7: {  	[tilespmem:$0x1FCB0] =	vst v2;
	v2 =	vadd.s32 $0x306, v0  }
0x8: {  	[tilespmem:$0x1FCC0] =	vst v2;
	v2 =	vadd.s32 $0x387, v0  }
0x9: {  	[tilespmem:$0x1FCD0] =	vst v2;
	v2 =	vadd.s32 $0x408, v0  }
0xa: {  	[tilespmem:$0x1FCE0] =	vst v2;
	v2 =	vadd.s32 $0x489, v0  }
0xb: {  	[tilespmem:$0x1FCF0] =	vst v2;
	v2 =	vadd.s32 $0x50A, v0  }
0xc: {  	[tilespmem:$0x1FD00] =	vst v2;
	v2 =	vadd.s32 $0x58B, v0  }
0xd: {  	[tilespmem:$0x1FD10] =	vst v2;
	v2 =	vadd.s32 $0x60C, v0  }
0xe: {  	[tilespmem:$0x1FD20] =	vst v2;
	v2 =	vadd.s32 $0x68D, v0  }
0xf: {  	[tilespmem:$0x1FD30] =	vst v2;
	v2 =	vadd.s32 $0x70E, v0  }
0x10: {  	[tilespmem:$0x1FD40] =	vst v2;
	v2 =	vadd.s32 $0x78F, v0  }
0x11: {  	[tilespmem:$0x1FD50] =	vst v2;
	v2 =	vor.u32 $0x10, v0  }
0x12: {  	[tilespmem:$0x1FD60] =	vst v2;
	v2 =	vadd.s32 $0x91, v0  }
0x13: {  	[tilespmem:$0x1FD70] =	vst v2;
	v2 =	vadd.s32 $0x112, v0  }
0x14: {  	[tilespmem:$0x1FD80] =	vst v2;
	v2 =	vadd.s32 $0x193, v0  }
0x15: {  	[tilespmem:$0x1FD90] =	vst v2;
	v2 =	vadd.s32 $0x214, v0  }
0x16: {  	[tilespmem:$0x1FDA0] =	vst v2;
	v2 =	vadd.s32 $0x295, v0  }
0x17: {  	[tilespmem:$0x1FDB0] =	vst v2;
	v2 =	vadd.s32 $0x316, v0  }
0x18: {  	[tilespmem:$0x1FDC0] =	vst v2;
	v2 =	vadd.s32 $0x397, v0  }
0x19: {  	[tilespmem:$0x1FDD0] =	vst v2;
	v2 =	vadd.s32 $0x418, v0  }
0x1a: {  	[tilespmem:$0x1FDE0] =	vst v2;
	v2 =	vadd.s32 $0x499, v0  }
0x1b: {  	[tilespmem:$0x1FDF0] =	vst v2;
	v2 =	vadd.s32 $0x51A, v0  }
0x1c: {  	[tilespmem:$0x1FE00] =	vst v2;
	v2 =	vadd.s32 $0x59B, v0  }
0x1d: {  	[tilespmem:$0x1FE10] =	vst v2;
	v2 =	vadd.s32 $0x61C, v0  }
0x1e: {  	[tilespmem:$0x1FE20] =	vst v2;
	v2 =	vadd.s32 $0x69D, v0  }
0x1f: {  	[tilespmem:$0x1FE30] =	vst v2;
	v2 =	vadd.s32 $0x71E, v0  }
0x20: {  	[tilespmem:$0x1FE40] =	vst v2;
	v2 =	vadd.s32 $0x79F, v0  }
0x21: {  	[tilespmem:$0x1FE50] =	vst v2;
	v2 =	vor.u32 $0x20, v0  }
0x22: {  	[tilespmem:$0x1FE60] =	vst v2;
	v2 =	vadd.s32 $0xA1, v0  }
0x23: {  	[tilespmem:$0x1FE70] =	vst v2;
	v2 =	vadd.s32 $0x122, v0  }
0x24: {  	[tilespmem:$0x1FE80] =	vst v2;
	v2 =	vadd.s32 $0x1A3, v0  }
0x25: {  	[tilespmem:$0x1FE90] =	vst v2;
	v2 =	vadd.s32 $0x224, v0  }
0x26: {  	s2 =	srdreg.scid;
	s1 =	stileid.u32;
	[tilespmem:$0x1FEA0] =	vst v2;
	v2 =	vadd.s32 $0x2A5, v0  }
0x27: {  	s0 =	rddreg [dreg:$0x0];
	s5 =	sand.u32 $0x1, s2;
	s3 =	sshll.u32 s1, $0x1;
	[tilespmem:$0x1FEB0] =	vst v2;
	v2 =	vadd.s32 $0x326, v0  }
0x28: {  	s4 =	rddreg [dreg:$0x1];
	s7 =	sor.u32 s5, s3;
	s3 =	simm.s32 $0x0;
	[tilespmem:$0x1FEC0] =	vst v2;
	v2 =	vadd.s32 $0x3A7, v0  }
0x29: {  	[smem:$0x7FF] =	sst s3;
	[tilespmem:$0x1FED0] =	vst v2;
	v2 =	vadd.s32 $0x428, v0  }
0x2a: {  	s6 =	rddreg [dreg:$0x2];
	_ =	strace $0x80000047;
	[tilespmem:$0x1FEE0] =	vst v2;
	v2 =	vadd.s32 $0x4A9, v0  }
0x2b: {  	[tilespmem:$0x1FEF0] =	vst v2;
	v2 =	vadd.s32 $0x52A, v0  }
0x2c: {  	[tilespmem:$0x1FF00] =	vst v2;
	v2 =	vadd.s32 $0x5AB, v0  }
0x2d: {  	[tilespmem:$0x1FF10] =	vst v2;
	v2 =	vadd.s32 $0x62C, v0  }
0x2e: {  	[tilespmem:$0x1FF20] =	vst v2;
	v2 =	vadd.s32 $0x6AD, v0  }
0x2f: {  	[tilespmem:$0x1FF30] =	vst v2;
	v2 =	vadd.s32 $0x72E, v0  }
0x30: {  	[tilespmem:$0x1FF40] =	vst v2;
	v2 =	vadd.s32 $0x7AF, v0  }
0x31: {  	[tilespmem:$0x1FF50] =	vst v2;
	v2 =	vor.u32 $0x30, v0  }
0x32: {  	[tilespmem:$0x1FF60] =	vst v2;
	v2 =	vadd.s32 $0xB1, v0  }
0x33: {  	s9 =	simm.s32 $0x2780;
	s10 =	simm.s32 $0x70;
	s11 =	simm.s32 $0x7680;
	[tilespmem:$0x1FF70] =	vst v2;
	v2 =	vadd.s32 $0x132, v0  }
0x34: {  	s12 =	simm.s32 $0xAE80;
	s13 =	simm.s32 $0xE680;
	s14 =	simm.s32 $0x27F0;
	[tilespmem:$0x1FF80] =	vst v2;
	v2 =	vadd.s32 $0x1B3, v0  }
0x35: {  	s15 =	simm.s32 $0x11E80;
	s16 =	simm.s32 $0xE0;
	s17 =	simm.s32 $0x15680;
	[tilespmem:$0x1FF90] =	vst v2;
	v2 =	vadd.s32 $0x234, v0  }
0x36: {  	s18 =	simm.s32 $0x2860;
	s19 =	simm.s32 $0x18E80;
	s20 =	simm.s32 $0x1;
	[tilespmem:$0x1FFA0] =	vst v2;
	v2 =	vadd.s32 $0x2B5, v0  }
.Ltmp0:
0x37: {  	s21 =	simm.s32 $0x1C680;
	s22 =	simm.s32 $0x2;
	[tilespmem:$0x1FFB0] =	vst v2;
	v2 =	vadd.s32 $0x336, v0;
	(pc) =	sbr.rel .LBB2_1-.Ltmp0, $4  }
0x38: {  	s23 =	simm.s32 $0x3;
	s5 =	ssub.s32 $0x2, s5;
	s7 =	smul.u32 $0x4E2, s7;
	[tilespmem:$0x1FFC0] =	vst v2;
	v2 =	vadd.s32 $0x3B7, v0  }
0x39: {  	s24 =	simm.s32 $0x4F00;
	s25 =	simm.s32 $0x0;
	v1 =	vmul.u32 $0x81, v0;
	v59 =	vadd.s32 $0x53A, v0;
	s8 =	sshrl.u32 s5, $0x1;
	[tilespmem:$0x1FFD0] =	vst v2;
	v2 =	vadd.s32 $0x438, v0  }
0x3a: {  	v60 =	vadd.s32 $0x5BB, v0;
	v61 =	vadd.s32 $0x63C, v0;
	s8 =	ssub.s32 s5, s8;
	s4 =	sadd.s32 s4, s7;
	s6 =	sadd.s32 s6, s7;
	[tilespmem:$0x1FFE0] =	vst v2;
	v2 =	vadd.s32 $0x4B9, v0  }
0x3b: {  	v62 =	vadd.s32 $0x6BD, v0;
	v63 =	vadd.s32 $0x73E, v0;
	s7 =	smax.u32 s8, $0x1;
	s8 =	simm.s32 $0x4;
	s5 =	sadd.s32 $0x9E00, s4;
	[tilespmem:$0x1FFF0] =	vst v2;
	v2 =	vadd.s32 $0x7BF, v0  }
.LBB2_10:
0x3c: {  	s25 =	sadd.s32 $0x1, s25  }
0x3d: {  	p0 =	sne.s32 s25, s7  }
.Ltmp1:
0x3e: {  	_ = 	snop;
	(pc) =	sbr.rel @!p0 .LBB2_11-.Ltmp1, $4  }
0x3f: {  	[hbm4b:s6+s3] =	stream.linear.scatter [tilespmem:s24], [sflag:$0x4], $0x2710, $0x38;
	[tilespmem:$0x1CF00] =	vst v63  }
0x40: {  	_ =	swait.ge [sflag:s8], $0x2710  }
0x41: {  	[sflag:s8] =	ssyncset.done $0x0  }
0x42: {  	[sflag:s8] =	ssyncadd.s32 $0xFFFFD8F0  }
.LBB2_1:
0x43: {  	[tilespmem:s3], [sflag:$0x4] =	stream.linear.gather [hbm4b:s5+s3], $0x2710, $0x38;
	[tilespmem:$0x1CF00] =	vst v63  }
0x44: {  	_ =	swait.ge [sflag:s8], $0x2710  }
0x45: {  	[sflag:s8] =	ssyncset.done $0x0  }
0x46: {  	[sflag:s8] =	ssyncadd.s32 $0xFFFFD8F0  }
0x47: {  	[tilespmem:s9], [sflag:$0x4] =	stream.linear.gather [hbm4b:s4+s3], $0x2710, $0x38;
	[tilespmem:$0x1CF00] =	vst v63  }
0x48: {  	_ =	swait.ge [sflag:s8], $0x2710  }
0x49: {  	[sflag:s8] =	ssyncset.done $0x0  }
0x4a: {  	[sflag:s8] =	ssyncadd.s32 $0xFFFFD8F0  }
0x4b: {  	[tilespmem:s11], [sflag:$0x1] =	stream.indirect.gather [hbm4b:s0+s10], $0x80, s3, s10, $0xb8;
	[tilespmem:$0x1CF00] =	vst v63  }
0x4c: {  	_ = 	snop  }
0x4d: {  	[tilespmem:s12], [sflag:$0x1] =	stream.indirect.gather [hbm4b:s0+s10], $0x80, s9, s10, $0xb8;
	[tilespmem:$0x1CF00] =	vst v63  }
0x4e: {  	_ = 	snop  }
0x4f: {  	[tilespmem:s13], [sflag:$0x2] =	stream.indirect.gather [hbm4b:s0+s10], $0x80, s10, s10, $0xb8;
	[tilespmem:$0x1CF00] =	vst v63  }
0x50: {  	_ = 	snop  }
0x51: {  	[tilespmem:s15], [sflag:$0x2] =	stream.indirect.gather [hbm4b:s0+s10], $0x80, s14, s10, $0xb8;
	[tilespmem:$0x1CF00] =	vst v63  }
0x52: {  	_ = 	snop  }
0x53: {  	[tilespmem:s17], [sflag:$0x3] =	stream.indirect.gather [hbm4b:s0+s10], $0x80, s16, s10, $0xb8;
	[tilespmem:$0x1CF00] =	vst v63  }
0x54: {  	s26 =	simm.s32 $0x0  }
0x55: {  	[tilespmem:s19], [sflag:$0x3] =	stream.indirect.gather [hbm4b:s0+s10], $0x80, s18, s10, $0xb8;
	[tilespmem:$0x1CF00] =	vst v63  }
.LBB2_2:
0x56: {  	_ =	swait.ge [sflag:s20], $0x7000  }
0x57: {  	[sflag:s20] =	ssyncset.done $0x0  }
0x58: {  	s29 =	simm.s32 $0xAEF0;
	[sflag:s20] =	ssyncadd.s32 $0xFFFF9000  }
0x59: {  	v3 =	vld [tilespmem:s29+$0xFFFFFF90]  }
0x5a: {  	s28 =	simm.s32 $0x0;
	s30 =	simm.s32 $0x1;
	v4 =	vld [tilespmem:s29+$0xFFFFC790]  }
.LBB2_3:
0x5b: {  	p0 =	sne.s32 s30, $0x6F;
	v5 =	vld [tilespmem:s29+$0xFFFFC7A0]  }
0x5c: {  	v6 =	vld [tilespmem:s29+$0xFFFFFFA0]  }
0x5d: {  	v7 =	vld [tilespmem:s29+$0xFFFFC7B0]  }
0x5e: {  	v8 =	vld [tilespmem:s29+$0xFFFFFFB0]  }
0x5f: {  	v3 =	vmul.f32 v3, v4;
	v4 =	vld [tilespmem:s29+$0xFFFFC7C0]  }
0x60: {  	v9 =	vld [tilespmem:s29+$0xFFFFFFC0]  }
0x61: {  	v3 =	vadd.f32 $0.0e+00, v3;
	v5 =	vmul.f32 v6, v5;
	v6 =	vld [tilespmem:s29+$0xFFFFC7D0]  }
0x62: {  	v10 =	vld [tilespmem:s29+$0xFFFFFFD0]  }
0x63: {  	v3 =	vadd.f32 v5, v3;
	v5 =	vmul.f32 v8, v7;
	v7 =	vld [tilespmem:s29+$0xFFFFC7E0]  }
0x64: {  	v8 =	vld [tilespmem:s29+$0xFFFFFFE0]  }
0x65: {  	v3 =	vadd.f32 v5, v3;
	v4 =	vmul.f32 v9, v4;
	v5 =	vld [tilespmem:s29+$0xFFFFC7F0]  }
0x66: {  	v9 =	vld [tilespmem:s29+$0xFFFFFFF0]  }
0x67: {  	v3 =	vadd.f32 v4, v3;
	v4 =	vmul.f32 v10, v6;
	v6 =	vld [tilespmem:s29+$0xFFFFC800]  }
0x68: {  	v10 =	vld [tilespmem:s29+$0x0]  }
0x69: {  	v3 =	vadd.f32 v4, v3;
	v4 =	vmul.f32 v8, v7;
	_ =	sdelay $0x1  }
0x6a: {  	v3 =	vadd.f32 v4, v3;
	v4 =	vmul.f32 v9, v5  }
0x6b: {  	v5 =	vadd.s32 s28, v1;
	s28 =	smov.u32 s30  }
0x6c: {  	v3 =	vadd.f32 v4, v3;
	v4 =	vmul.f32 v10, v6;
	_ =	sdelay $0x1  }
.Ltmp2:
0x6d: {  	v3 =	vadd.f32 v4, v3;
	(pc) =	sbr.rel @p0 .LBB2_3-.Ltmp2, $4  }
0x6e: {  	_ = 	snop  }
0x6f: {  	s29 =	sadd.s32 $0x80, s29;
	[tilespmem:v5+s21+$0x0] =	vst.idx.msk $0xffff, v3  }
0x70: {  	v3 =	vld [tilespmem:s29+$0xFFFFFF90]  }
0x71: {  	s30 =	sadd.s32 $0x1, s30;
	v4 =	vld [tilespmem:s29+$0xFFFFC790]  }
0x72: {  	v5 =	vld [tilespmem:s29+$0xFFFFC7A0]  }
0x73: {  	v6 =	vld [tilespmem:s29+$0xFFFFFFA0]  }
0x74: {  	v7 =	vld [tilespmem:s29+$0xFFFFC7B0]  }
0x75: {  	v8 =	vld [tilespmem:s29+$0xFFFFFFB0]  }
0x76: {  	v9 =	vld [tilespmem:s29+$0xFFFFFFC0];
	v3 =	vmul.f32 v3, v4  }
0x77: {  	v4 =	vld [tilespmem:s29+$0xFFFFC7C0]  }
0x78: {  	v10 =	vld [tilespmem:s29+$0xFFFFFFD0];
	v5 =	vmul.f32 v6, v5;
	v3 =	vadd.f32 $0.0e+00, v3  }
0x79: {  	v6 =	vld [tilespmem:s29+$0xFFFFC7D0]  }
0x7a: {  	v3 =	vadd.f32 v5, v3;
	v5 =	vmul.f32 v8, v7;
	v7 =	vld [tilespmem:s29+$0xFFFFC7E0]  }
0x7b: {  	v8 =	vld [tilespmem:s29+$0xFFFFFFE0]  }
0x7c: {  	v4 =	vmul.f32 v9, v4;
	v9 =	vld [tilespmem:s29+$0xFFFFFFF0];
	v3 =	vadd.f32 v5, v3  }
0x7d: {  	v5 =	vld [tilespmem:s29+$0xFFFFC7F0]  }
0x7e: {  	v3 =	vadd.f32 v4, v3;
	v4 =	vmul.f32 v10, v6;
	v6 =	vld [tilespmem:s29+$0xFFFFC800]  }
0x7f: {  	v10 =	vld [tilespmem:s29+$0x0]  }
0x80: {  	v3 =	vadd.f32 v4, v3;
	v4 =	vmul.f32 v8, v7;
	_ =	sdelay $0x1  }
0x81: {  	v3 =	vadd.f32 v4, v3;
	v4 =	vmul.f32 v9, v5  }
0x82: {  	v5 =	vadd.s32 s28, v1  }
0x83: {  	v3 =	vadd.f32 v4, v3;
	v4 =	vmul.f32 v10, v6;
	_ =	sdelay $0x1  }
0x84: {  	v3 =	vadd.f32 v4, v3;
	v4 =	vld [tilespmem:$0x1FC70];
	_ =	sdelay $0x1  }
0x85: {  	[tilespmem:v5+s21+$0x0] =	vst.idx.msk $0xffff, v3;
	v5 =	vld [tilespmem:$0x1FC80];
	_ =	sdelay $0x1  }
0x86: {  	v6 =	vld [tilespmem:$0x1FC90];
	_ =	sdelay $0x1  }
0x87: {  	v3 =	vld.idx.msk [tilespmem:v0+s21+$0x0], $0xffff;
	_ =	sdelay $0x1  }
0x88: {  	v4 =	vld.idx.msk [tilespmem:v4+s21+$0x0], $0xffff;
	_ =	sdelay $0x1  }
0x89: {  	v5 =	vld.idx.msk [tilespmem:v5+s21+$0x0], $0xffff  }
0x8a: {  	v3 =	vadd.f32 $0.0e+00, v3  }
0x8b: {  	v6 =	vld.idx.msk [tilespmem:v6+s21+$0x0], $0xffff  }
0x8c: {  	v3 =	vadd.f32 v4, v3;
	v4 =	vld [tilespmem:$0x1FCA0];
	_ =	sdelay $0x1  }
0x8d: {  	v3 =	vadd.f32 v5, v3;
	v5 =	vld [tilespmem:$0x1FCB0];
	_ =	sdelay $0x1  }
0x8e: {  	v3 =	vadd.f32 v6, v3;
	v6 =	vld [tilespmem:$0x1FCC0];
	_ =	sdelay $0x3  }
0x8f: {  	v4 =	vld.idx.msk [tilespmem:v4+s21+$0x0], $0xffff;
	_ =	sdelay $0x1  }
0x90: {  	v5 =	vld.idx.msk [tilespmem:v5+s21+$0x0], $0xffff;
	_ =	sdelay $0x1  }
0x91: {  	v6 =	vld.idx.msk [tilespmem:v6+s21+$0x0], $0xffff  }
0x92: {  	v3 =	vadd.f32 v4, v3;
	v4 =	vld [tilespmem:$0x1FCD0];
	_ =	sdelay $0x1  }
0x93: {  	v3 =	vadd.f32 v5, v3;
	v5 =	vld [tilespmem:$0x1FCE0];
	_ =	sdelay $0x1  }
0x94: {  	v3 =	vadd.f32 v6, v3;
	v6 =	vld [tilespmem:$0x1FCF0];
	_ =	sdelay $0x3  }
0x95: {  	v4 =	vld.idx.msk [tilespmem:v4+s21+$0x0], $0xffff;
	_ =	sdelay $0x1  }
0x96: {  	v5 =	vld.idx.msk [tilespmem:v5+s21+$0x0], $0xffff;
	_ =	sdelay $0x1  }
0x97: {  	v6 =	vld.idx.msk [tilespmem:v6+s21+$0x0], $0xffff  }
0x98: {  	v3 =	vadd.f32 v4, v3;
	v4 =	vld [tilespmem:$0x1FD00];
	_ =	sdelay $0x1  }
0x99: {  	v3 =	vadd.f32 v5, v3;
	v5 =	vld [tilespmem:$0x1FD10];
	_ =	sdelay $0x1  }
0x9a: {  	v3 =	vadd.f32 v6, v3;
	v6 =	vld [tilespmem:$0x1FD20];
	_ =	sdelay $0x3  }
0x9b: {  	v4 =	vld.idx.msk [tilespmem:v4+s21+$0x0], $0xffff;
	_ =	sdelay $0x1  }
0x9c: {  	v5 =	vld.idx.msk [tilespmem:v5+s21+$0x0], $0xffff;
	_ =	sdelay $0x1  }
0x9d: {  	v6 =	vld.idx.msk [tilespmem:v6+s21+$0x0], $0xffff  }
0x9e: {  	v3 =	vadd.f32 v4, v3;
	v4 =	vld [tilespmem:$0x1FD30];
	_ =	sdelay $0x1  }
0x9f: {  	v3 =	vadd.f32 v5, v3;
	v5 =	vld [tilespmem:$0x1FD40];
	_ =	sdelay $0x1  }
0xa0: {  	v3 =	vadd.f32 v6, v3;
	v6 =	vld [tilespmem:$0x1FD50];
	_ =	sdelay $0x3  }
0xa1: {  	v4 =	vld.idx.msk [tilespmem:v4+s21+$0x0], $0xffff;
	_ =	sdelay $0x1  }
0xa2: {  	v5 =	vld.idx.msk [tilespmem:v5+s21+$0x0], $0xffff;
	_ =	sdelay $0x1  }
0xa3: {  	v6 =	vld.idx.msk [tilespmem:v6+s21+$0x0], $0xffff  }
0xa4: {  	v3 =	vadd.f32 v4, v3;
	_ =	sdelay $0x1  }
0xa5: {  	v3 =	vadd.f32 v5, v3;
	_ =	sdelay $0x1  }
0xa6: {  	s28 =	smul.u32 $0x150, s26;
	v3 =	vadd.f32 v6, v3;
	_ =	sdelay $0x1  }
0xa7: {  	[tilespmem:s28+$0x4F00] =	vst v3;
	v3 =	vld [tilespmem:$0x1FD60];
	_ =	sdelay $0x1  }
0xa8: {  	v4 =	vld [tilespmem:$0x1FD70];
	_ =	sdelay $0x1  }
0xa9: {  	v5 =	vld [tilespmem:$0x1FD80];
	_ =	sdelay $0x1  }
0xaa: {  	v6 =	vld [tilespmem:$0x1FD90];
	_ =	sdelay $0x1  }
0xab: {  	v3 =	vld.idx.msk [tilespmem:v3+s21+$0x0], $0xffff;
	_ =	sdelay $0x1  }
0xac: {  	v4 =	vld.idx.msk [tilespmem:v4+s21+$0x0], $0xffff;
	_ =	sdelay $0x1  }
0xad: {  	v5 =	vld.idx.msk [tilespmem:v5+s21+$0x0], $0xffff  }
0xae: {  	v3 =	vadd.f32 $0.0e+00, v3  }
0xaf: {  	v6 =	vld.idx.msk [tilespmem:v6+s21+$0x0], $0xffff  }
0xb0: {  	v3 =	vadd.f32 v4, v3;
	v4 =	vld [tilespmem:$0x1FDA0];
	_ =	sdelay $0x1  }
0xb1: {  	v3 =	vadd.f32 v5, v3;
	v5 =	vld [tilespmem:$0x1FDB0];
	_ =	sdelay $0x1  }
0xb2: {  	v3 =	vadd.f32 v6, v3;
	v6 =	vld [tilespmem:$0x1FDC0];
	_ =	sdelay $0x3  }
0xb3: {  	v4 =	vld.idx.msk [tilespmem:v4+s21+$0x0], $0xffff;
	_ =	sdelay $0x1  }
0xb4: {  	v5 =	vld.idx.msk [tilespmem:v5+s21+$0x0], $0xffff;
	_ =	sdelay $0x1  }
0xb5: {  	v6 =	vld.idx.msk [tilespmem:v6+s21+$0x0], $0xffff  }
0xb6: {  	v3 =	vadd.f32 v4, v3;
	v4 =	vld [tilespmem:$0x1FDD0];
	_ =	sdelay $0x1  }
0xb7: {  	v3 =	vadd.f32 v5, v3;
	v5 =	vld [tilespmem:$0x1FDE0];
	_ =	sdelay $0x1  }
0xb8: {  	v3 =	vadd.f32 v6, v3;
	v6 =	vld [tilespmem:$0x1FDF0];
	_ =	sdelay $0x3  }
0xb9: {  	v4 =	vld.idx.msk [tilespmem:v4+s21+$0x0], $0xffff;
	_ =	sdelay $0x1  }
0xba: {  	v5 =	vld.idx.msk [tilespmem:v5+s21+$0x0], $0xffff;
	_ =	sdelay $0x1  }
0xbb: {  	v6 =	vld.idx.msk [tilespmem:v6+s21+$0x0], $0xffff  }
0xbc: {  	v3 =	vadd.f32 v4, v3;
	v4 =	vld [tilespmem:$0x1FE00];
	_ =	sdelay $0x1  }
0xbd: {  	v3 =	vadd.f32 v5, v3;
	v5 =	vld [tilespmem:$0x1FE10];
	_ =	sdelay $0x1  }
0xbe: {  	v3 =	vadd.f32 v6, v3;
	v6 =	vld [tilespmem:$0x1FE20];
	_ =	sdelay $0x3  }
0xbf: {  	v4 =	vld.idx.msk [tilespmem:v4+s21+$0x0], $0xffff;
	_ =	sdelay $0x1  }
0xc0: {  	v5 =	vld.idx.msk [tilespmem:v5+s21+$0x0], $0xffff;
	_ =	sdelay $0x1  }
0xc1: {  	v6 =	vld.idx.msk [tilespmem:v6+s21+$0x0], $0xffff  }
0xc2: {  	v3 =	vadd.f32 v4, v3;
	v4 =	vld [tilespmem:$0x1FE30];
	_ =	sdelay $0x1  }
0xc3: {  	v3 =	vadd.f32 v5, v3;
	v5 =	vld [tilespmem:$0x1FE40];
	_ =	sdelay $0x1  }
0xc4: {  	v3 =	vadd.f32 v6, v3;
	v6 =	vld [tilespmem:$0x1FE50];
	_ =	sdelay $0x3  }
0xc5: {  	v4 =	vld.idx.msk [tilespmem:v4+s21+$0x0], $0xffff;
	_ =	sdelay $0x1  }
0xc6: {  	v5 =	vld.idx.msk [tilespmem:v5+s21+$0x0], $0xffff;
	_ =	sdelay $0x1  }
0xc7: {  	v6 =	vld.idx.msk [tilespmem:v6+s21+$0x0], $0xffff  }
0xc8: {  	v3 =	vadd.f32 v4, v3;
	_ =	sdelay $0x1  }
0xc9: {  	v3 =	vadd.f32 v5, v3;
	_ =	sdelay $0x1  }
0xca: {  	v3 =	vadd.f32 v6, v3;
	_ =	sdelay $0x1  }
0xcb: {  	[tilespmem:s28+$0x4F10] =	vst v3;
	v3 =	vld [tilespmem:$0x1FE60];
	_ =	sdelay $0x1  }
0xcc: {  	v4 =	vld [tilespmem:$0x1FE70];
	_ =	sdelay $0x1  }
0xcd: {  	v5 =	vld [tilespmem:$0x1FE80];
	_ =	sdelay $0x1  }
0xce: {  	v6 =	vld [tilespmem:$0x1FE90];
	_ =	sdelay $0x1  }
0xcf: {  	v3 =	vld.idx.msk [tilespmem:v3+s21+$0x0], $0xffff;
	_ =	sdelay $0x1  }
0xd0: {  	v4 =	vld.idx.msk [tilespmem:v4+s21+$0x0], $0xffff;
	_ =	sdelay $0x1  }
0xd1: {  	v5 =	vld.idx.msk [tilespmem:v5+s21+$0x0], $0xffff  }
0xd2: {  	v3 =	vadd.f32 $0.0e+00, v3  }
0xd3: {  	v6 =	vld.idx.msk [tilespmem:v6+s21+$0x0], $0xffff  }
0xd4: {  	v3 =	vadd.f32 v4, v3;
	v4 =	vld [tilespmem:$0x1FEA0];
	_ =	sdelay $0x1  }
0xd5: {  	v3 =	vadd.f32 v5, v3;
	v5 =	vld [tilespmem:$0x1FEB0];
	_ =	sdelay $0x1  }
0xd6: {  	v3 =	vadd.f32 v6, v3;
	v6 =	vld [tilespmem:$0x1FEC0];
	_ =	sdelay $0x3  }
0xd7: {  	v4 =	vld.idx.msk [tilespmem:v4+s21+$0x0], $0xffff;
	_ =	sdelay $0x1  }
0xd8: {  	v5 =	vld.idx.msk [tilespmem:v5+s21+$0x0], $0xffff;
	_ =	sdelay $0x1  }
0xd9: {  	v6 =	vld.idx.msk [tilespmem:v6+s21+$0x0], $0xffff  }
0xda: {  	v3 =	vadd.f32 v4, v3;
	v4 =	vld [tilespmem:$0x1FED0];
	_ =	sdelay $0x1  }
0xdb: {  	v3 =	vadd.f32 v5, v3;
	v5 =	vld [tilespmem:$0x1FEE0];
	_ =	sdelay $0x1  }
0xdc: {  	v3 =	vadd.f32 v6, v3;
	v6 =	vld [tilespmem:$0x1FEF0];
	_ =	sdelay $0x3  }
0xdd: {  	v4 =	vld.idx.msk [tilespmem:v4+s21+$0x0], $0xffff;
	_ =	sdelay $0x1  }
0xde: {  	v5 =	vld.idx.msk [tilespmem:v5+s21+$0x0], $0xffff;
	_ =	sdelay $0x1  }
0xdf: {  	v6 =	vld.idx.msk [tilespmem:v6+s21+$0x0], $0xffff  }
0xe0: {  	v3 =	vadd.f32 v4, v3;
	v4 =	vld [tilespmem:$0x1FF00];
	_ =	sdelay $0x1  }
0xe1: {  	v3 =	vadd.f32 v5, v3;
	v5 =	vld [tilespmem:$0x1FF10];
	_ =	sdelay $0x1  }
0xe2: {  	v3 =	vadd.f32 v6, v3;
	v6 =	vld [tilespmem:$0x1FF20];
	_ =	sdelay $0x3  }
0xe3: {  	v4 =	vld.idx.msk [tilespmem:v4+s21+$0x0], $0xffff;
	_ =	sdelay $0x1  }
0xe4: {  	v5 =	vld.idx.msk [tilespmem:v5+s21+$0x0], $0xffff;
	_ =	sdelay $0x1  }
0xe5: {  	v6 =	vld.idx.msk [tilespmem:v6+s21+$0x0], $0xffff  }
0xe6: {  	v3 =	vadd.f32 v4, v3;
	v4 =	vld [tilespmem:$0x1FF30];
	_ =	sdelay $0x1  }
0xe7: {  	v3 =	vadd.f32 v5, v3;
	v5 =	vld [tilespmem:$0x1FF40];
	_ =	sdelay $0x1  }
0xe8: {  	v3 =	vadd.f32 v6, v3;
	v6 =	vld [tilespmem:$0x1FF50];
	_ =	sdelay $0x3  }
0xe9: {  	v4 =	vld.idx.msk [tilespmem:v4+s21+$0x0], $0xffff;
	_ =	sdelay $0x1  }
0xea: {  	v5 =	vld.idx.msk [tilespmem:v5+s21+$0x0], $0xffff;
	_ =	sdelay $0x1  }
0xeb: {  	v6 =	vld.idx.msk [tilespmem:v6+s21+$0x0], $0xffff  }
0xec: {  	v3 =	vadd.f32 v4, v3;
	_ =	sdelay $0x1  }
0xed: {  	v3 =	vadd.f32 v5, v3;
	_ =	sdelay $0x1  }
0xee: {  	v3 =	vadd.f32 v6, v3;
	_ =	sdelay $0x1  }
0xef: {  	[tilespmem:s28+$0x4F20] =	vst v3;
	v3 =	vld [tilespmem:$0x1FF60];
	_ =	sdelay $0x1  }
0xf0: {  	v4 =	vld [tilespmem:$0x1FF70];
	_ =	sdelay $0x1  }
0xf1: {  	v5 =	vld [tilespmem:$0x1FF80];
	_ =	sdelay $0x1  }
0xf2: {  	v6 =	vld [tilespmem:$0x1FF90];
	_ =	sdelay $0x1  }
0xf3: {  	v3 =	vld.idx.msk [tilespmem:v3+s21+$0x0], $0xffff;
	_ =	sdelay $0x1  }
0xf4: {  	v4 =	vld.idx.msk [tilespmem:v4+s21+$0x0], $0xffff;
	_ =	sdelay $0x1  }
0xf5: {  	v5 =	vld.idx.msk [tilespmem:v5+s21+$0x0], $0xffff  }
0xf6: {  	v3 =	vadd.f32 $0.0e+00, v3  }
0xf7: {  	v6 =	vld.idx.msk [tilespmem:v6+s21+$0x0], $0xffff  }
0xf8: {  	v3 =	vadd.f32 v4, v3;
	v4 =	vld [tilespmem:$0x1FFA0];
	_ =	sdelay $0x1  }
0xf9: {  	v3 =	vadd.f32 v5, v3;
	v5 =	vld [tilespmem:$0x1FFB0];
	_ =	sdelay $0x1  }
0xfa: {  	v3 =	vadd.f32 v6, v3;
	v6 =	vld [tilespmem:$0x1FFC0];
	_ =	sdelay $0x3  }
0xfb: {  	v4 =	vld.idx.msk [tilespmem:v4+s21+$0x0], $0xffff;
	_ =	sdelay $0x1  }
0xfc: {  	v5 =	vld.idx.msk [tilespmem:v5+s21+$0x0], $0xffff;
	_ =	sdelay $0x1  }
0xfd: {  	v6 =	vld.idx.msk [tilespmem:v6+s21+$0x0], $0xffff  }
0xfe: {  	v3 =	vadd.f32 v4, v3;
	v4 =	vld [tilespmem:$0x1FFD0];
	_ =	sdelay $0x1  }
0xff: {  	v3 =	vadd.f32 v5, v3;
	v5 =	vld [tilespmem:$0x1FFE0];
	_ =	sdelay $0x1  }
0x100: {  	v3 =	vadd.f32 v6, v3;
	v6 =	vld [tilespmem:$0x1FFF0];
	_ =	sdelay $0x3  }
0x101: {  	v4 =	vld.idx.msk [tilespmem:v4+s21+$0x0], $0xffff;
	_ =	sdelay $0x1  }
0x102: {  	v5 =	vld.idx.msk [tilespmem:v5+s21+$0x0], $0xffff;
	_ =	sdelay $0x1  }
0x103: {  	v6 =	vld.idx.msk [tilespmem:v6+s21+$0x0], $0xffff  }
0x104: {  	v3 =	vadd.f32 v4, v3  }
0x105: {  	v4 =	vld.idx.msk [tilespmem:v59+s21+$0x0], $0xffff  }
0x106: {  	v3 =	vadd.f32 v5, v3  }
0x107: {  	v5 =	vld.idx.msk [tilespmem:v60+s21+$0x0], $0xffff  }
0x108: {  	v3 =	vadd.f32 v6, v3  }
0x109: {  	v6 =	vld.idx.msk [tilespmem:v61+s21+$0x0], $0xffff  }
0x10a: {  	v3 =	vadd.f32 v4, v3  }
0x10b: {  	v4 =	vld.idx.msk [tilespmem:v62+s21+$0x0], $0xffff  }
0x10c: {  	v3 =	vadd.f32 v5, v3  }
0x10d: {  	v5 =	vld.idx.msk [tilespmem:v63+s21+$0x0], $0xffff  }
0x10e: {  	v3 =	vadd.f32 v6, v3  }
0x10f: {  	v6 =	vld.idx.msk [tilespmem:v2+s21+$0x0], $0xffff  }
0x110: {  	v3 =	vadd.f32 v4, v3;
	_ =	sdelay $0x1  }
0x111: {  	v4 =	vadd.f32 v5, v3;
	v3 =	vor.u32 $0x40, v0;
	_ =	sdelay $0x1  }
0x112: {  	v5 =	vadd.f32 v6, v4;
	v4 =	vadd.s32 $0xC1, v0;
	_ =	sdelay $0x1  }
0x113: {  	[tilespmem:s28+$0x4F30] =	vst v5;
	v5 =	vadd.s32 $0x142, v0  }
0x114: {  	v8 =	vld.idx.msk [tilespmem:v3+s21+$0x0], $0xffff  }
0x115: {  	v6 =	vadd.s32 $0x1C3, v0  }
0x116: {  	v9 =	vld.idx.msk [tilespmem:v4+s21+$0x0], $0xffff  }
0x117: {  	v7 =	vadd.s32 $0x244, v0  }
0x118: {  	v10 =	vld.idx.msk [tilespmem:v5+s21+$0x0], $0xffff  }
0x119: {  	v11 =	vadd.f32 $0.0e+00, v8;
	v8 =	vadd.s32 $0x2C5, v0  }
0x11a: {  	v12 =	vld.idx.msk [tilespmem:v6+s21+$0x0], $0xffff  }
0x11b: {  	v11 =	vadd.f32 v9, v11;
	v9 =	vadd.s32 $0x346, v0  }
0x11c: {  	v13 =	vld.idx.msk [tilespmem:v7+s21+$0x0], $0xffff  }
0x11d: {  	v11 =	vadd.f32 v10, v11;
	v10 =	vadd.s32 $0x3C7, v0  }
0x11e: {  	v14 =	vld.idx.msk [tilespmem:v8+s21+$0x0], $0xffff  }
0x11f: {  	v12 =	vadd.f32 v12, v11;
	v11 =	vadd.s32 $0x448, v0  }
0x120: {  	v15 =	vld.idx.msk [tilespmem:v9+s21+$0x0], $0xffff  }
0x121: {  	v13 =	vadd.f32 v13, v12;
	v12 =	vadd.s32 $0x4C9, v0  }
0x122: {  	v16 =	vld.idx.msk [tilespmem:v10+s21+$0x0], $0xffff  }
0x123: {  	v14 =	vadd.f32 v14, v13;
	v13 =	vadd.s32 $0x54A, v0  }
0x124: {  	v17 =	vld.idx.msk [tilespmem:v11+s21+$0x0], $0xffff  }
0x125: {  	v15 =	vadd.f32 v15, v14;
	v14 =	vadd.s32 $0x5CB, v0  }
0x126: {  	v18 =	vld.idx.msk [tilespmem:v12+s21+$0x0], $0xffff  }
0x127: {  	v16 =	vadd.f32 v16, v15;
	v15 =	vadd.s32 $0x64C, v0  }
0x128: {  	v19 =	vld.idx.msk [tilespmem:v13+s21+$0x0], $0xffff  }
0x129: {  	v17 =	vadd.f32 v17, v16;
	v16 =	vadd.s32 $0x6CD, v0  }
0x12a: {  	v20 =	vld.idx.msk [tilespmem:v14+s21+$0x0], $0xffff  }
0x12b: {  	v18 =	vadd.f32 v18, v17;
	v17 =	vadd.s32 $0x74E, v0  }
0x12c: {  	v21 =	vld.idx.msk [tilespmem:v15+s21+$0x0], $0xffff  }
0x12d: {  	v19 =	vadd.f32 v19, v18;
	v18 =	vadd.s32 $0x7CF, v0  }
0x12e: {  	v22 =	vld.idx.msk [tilespmem:v16+s21+$0x0], $0xffff  }
0x12f: {  	v19 =	vadd.f32 v20, v19  }
0x130: {  	v20 =	vld.idx.msk [tilespmem:v17+s21+$0x0], $0xffff  }
0x131: {  	v19 =	vadd.f32 v21, v19  }
0x132: {  	v21 =	vld.idx.msk [tilespmem:v18+s21+$0x0], $0xffff  }
0x133: {  	v19 =	vadd.f32 v22, v19;
	_ =	sdelay $0x1  }
0x134: {  	v20 =	vadd.f32 v20, v19;
	v19 =	vor.u32 $0x50, v0;
	_ =	sdelay $0x1  }
0x135: {  	v21 =	vadd.f32 v21, v20;
	v20 =	vadd.s32 $0xD1, v0;
	_ =	sdelay $0x1  }
0x136: {  	[tilespmem:s28+$0x4F40] =	vst v21;
	v21 =	vadd.s32 $0x152, v0  }
0x137: {  	v24 =	vld.idx.msk [tilespmem:v19+s21+$0x0], $0xffff  }
0x138: {  	v22 =	vadd.s32 $0x1D3, v0  }
0x139: {  	v25 =	vld.idx.msk [tilespmem:v20+s21+$0x0], $0xffff  }
0x13a: {  	v23 =	vadd.s32 $0x254, v0  }
0x13b: {  	v26 =	vld.idx.msk [tilespmem:v21+s21+$0x0], $0xffff  }
0x13c: {  	v27 =	vadd.f32 $0.0e+00, v24;
	v24 =	vadd.s32 $0x2D5, v0  }
0x13d: {  	v28 =	vld.idx.msk [tilespmem:v22+s21+$0x0], $0xffff  }
0x13e: {  	v27 =	vadd.f32 v25, v27;
	v25 =	vadd.s32 $0x356, v0  }
0x13f: {  	v29 =	vld.idx.msk [tilespmem:v23+s21+$0x0], $0xffff  }
0x140: {  	v27 =	vadd.f32 v26, v27;
	v26 =	vadd.s32 $0x3D7, v0  }
0x141: {  	v30 =	vld.idx.msk [tilespmem:v24+s21+$0x0], $0xffff  }
0x142: {  	v28 =	vadd.f32 v28, v27;
	v27 =	vadd.s32 $0x458, v0  }
0x143: {  	v31 =	vld.idx.msk [tilespmem:v25+s21+$0x0], $0xffff  }
0x144: {  	v29 =	vadd.f32 v29, v28;
	v28 =	vadd.s32 $0x4D9, v0  }
0x145: {  	v32 =	vld.idx.msk [tilespmem:v26+s21+$0x0], $0xffff  }
0x146: {  	v30 =	vadd.f32 v30, v29;
	v29 =	vadd.s32 $0x55A, v0  }
0x147: {  	v33 =	vld.idx.msk [tilespmem:v27+s21+$0x0], $0xffff  }
0x148: {  	v31 =	vadd.f32 v31, v30;
	v30 =	vadd.s32 $0x5DB, v0  }
0x149: {  	v34 =	vld.idx.msk [tilespmem:v28+s21+$0x0], $0xffff  }
0x14a: {  	v32 =	vadd.f32 v32, v31;
	v31 =	vadd.s32 $0x65C, v0  }
0x14b: {  	v35 =	vld.idx.msk [tilespmem:v29+s21+$0x0], $0xffff  }
0x14c: {  	v33 =	vadd.f32 v33, v32;
	v32 =	vadd.s32 $0x6DD, v0  }
0x14d: {  	v36 =	vld.idx.msk [tilespmem:v30+s21+$0x0], $0xffff  }
0x14e: {  	v34 =	vadd.f32 v34, v33;
	v33 =	vadd.s32 $0x75E, v0  }
0x14f: {  	v37 =	vld.idx.msk [tilespmem:v31+s21+$0x0], $0xffff  }
0x150: {  	v35 =	vadd.f32 v35, v34;
	v34 =	vadd.s32 $0x7DF, v0  }
0x151: {  	v38 =	vld.idx.msk [tilespmem:v32+s21+$0x0], $0xffff  }
0x152: {  	v35 =	vadd.f32 v36, v35  }
0x153: {  	v55 =	vld.idx.msk [tilespmem:v33+s21+$0x0], $0xffff  }
0x154: {  	v35 =	vadd.f32 v37, v35  }
0x155: {  	v56 =	vld.idx.msk [tilespmem:v34+s21+$0x0], $0xffff  }
0x156: {  	v35 =	vadd.f32 v38, v35;
	_ =	sdelay $0x1  }
0x157: {  	v36 =	vadd.f32 v55, v35;
	v35 =	vor.u32 $0x60, v0;
	_ =	sdelay $0x1  }
0x158: {  	v37 =	vadd.f32 v56, v36;
	v36 =	vadd.s32 $0xE1, v0;
	_ =	sdelay $0x1  }
0x159: {  	[tilespmem:s28+$0x4F50] =	vst v37;
	v37 =	vadd.s32 $0x162, v0  }
0x15a: {  	v40 =	vld.idx.msk [tilespmem:v35+s21+$0x0], $0xffff  }
0x15b: {  	v38 =	vadd.s32 $0x1E3, v0  }
0x15c: {  	v41 =	vld.idx.msk [tilespmem:v36+s21+$0x0], $0xffff  }
0x15d: {  	v39 =	vadd.s32 $0x264, v0  }
0x15e: {  	v42 =	vld.idx.msk [tilespmem:v37+s21+$0x0], $0xffff  }
0x15f: {  	v43 =	vadd.f32 $0.0e+00, v40;
	v40 =	vadd.s32 $0x2E5, v0  }
0x160: {  	v44 =	vld.idx.msk [tilespmem:v38+s21+$0x0], $0xffff  }
0x161: {  	v43 =	vadd.f32 v41, v43;
	v41 =	vadd.s32 $0x366, v0  }
0x162: {  	v45 =	vld.idx.msk [tilespmem:v39+s21+$0x0], $0xffff  }
0x163: {  	v43 =	vadd.f32 v42, v43;
	v42 =	vadd.s32 $0x3E7, v0  }
0x164: {  	v46 =	vld.idx.msk [tilespmem:v40+s21+$0x0], $0xffff  }
0x165: {  	v44 =	vadd.f32 v44, v43;
	v43 =	vadd.s32 $0x468, v0  }
0x166: {  	v47 =	vld.idx.msk [tilespmem:v41+s21+$0x0], $0xffff  }
0x167: {  	v45 =	vadd.f32 v45, v44;
	v44 =	vadd.s32 $0x4E9, v0  }
0x168: {  	v48 =	vld.idx.msk [tilespmem:v42+s21+$0x0], $0xffff  }
0x169: {  	v46 =	vadd.f32 v46, v45;
	v45 =	vadd.s32 $0x56A, v0  }
0x16a: {  	v49 =	vld.idx.msk [tilespmem:v43+s21+$0x0], $0xffff  }
0x16b: {  	v47 =	vadd.f32 v47, v46;
	v46 =	vadd.s32 $0x5EB, v0  }
0x16c: {  	v50 =	vld.idx.msk [tilespmem:v44+s21+$0x0], $0xffff  }
0x16d: {  	v48 =	vadd.f32 v48, v47;
	v47 =	vadd.s32 $0x66C, v0  }
0x16e: {  	v51 =	vld.idx.msk [tilespmem:v45+s21+$0x0], $0xffff  }
0x16f: {  	v49 =	vadd.f32 v49, v48;
	v48 =	vadd.s32 $0x6ED, v0  }
0x170: {  	v52 =	vld.idx.msk [tilespmem:v46+s21+$0x0], $0xffff  }
0x171: {  	v50 =	vadd.f32 v50, v49;
	v49 =	vadd.s32 $0x76E, v0  }
0x172: {  	v53 =	vld.idx.msk [tilespmem:v47+s21+$0x0], $0xffff  }
0x173: {  	v51 =	vadd.f32 v51, v50;
	v50 =	vadd.s32 $0x7EF, v0  }
0x174: {  	v54 =	vld.idx.msk [tilespmem:v48+s21+$0x0], $0xffff  }
0x175: {  	v51 =	vadd.f32 v52, v51  }
0x176: {  	v57 =	vld.idx.msk [tilespmem:v49+s21+$0x0], $0xffff  }
0x177: {  	v51 =	vadd.f32 v53, v51  }
0x178: {  	v58 =	vld.idx.msk [tilespmem:v50+s21+$0x0], $0xffff  }
0x179: {  	v51 =	vadd.f32 v54, v51;
	_ =	sdelay $0x1  }
0x17a: {  	v51 =	vadd.f32 v57, v51;
	_ =	sdelay $0x1  }
0x17b: {  	p0 =	seq.s32 s26, $0x1D;
	v51 =	vadd.f32 v58, v51  }
0x17c: {  	s29 =	smin.u32 @!p0 s28, $0x2550  }
0x17d: {  	s31 =	simm.s32 @!p0 $0x70;
	s2 =	simm.s32 @!p0 $0x7680;
	s30 =	sadd.s32 @!p0 $0x150, s29;
	[tilespmem:s28+$0x4F60] =	vst v51  }
0x17e: {  	[tilespmem:s2], [sflag:$0x1] =	stream.indirect.gather @!p0 [hbm4b:s0+s31], $0x80, s30, s31, $0xb8;
	[tilespmem:$0x1CF00] =	vst v63  }
0x17f: {  	s2 =	sadd.s32 @!p0 $0x28D0, s29;
	s29 =	simm.s32 @!p0 $0xAE80  }
0x180: {  	[tilespmem:s29], [sflag:$0x1] =	stream.indirect.gather @!p0 [hbm4b:s0+s31], $0x80, s2, s31, $0xb8;
	[tilespmem:$0x1CF00] =	vst v63  }
0x181: {  	_ =	swait.ge [sflag:s22], $0x7000  }
0x182: {  	[sflag:s22] =	ssyncset.done $0x0  }
0x183: {  	s30 =	simm.s32 $0x11EF0;
	[sflag:s22] =	ssyncadd.s32 $0xFFFF9000  }
0x184: {  	v51 =	vld [tilespmem:s30+$0xFFFFFF90]  }
0x185: {  	s29 =	simm.s32 $0x0;
	s31 =	simm.s32 $0x1;
	v52 =	vld [tilespmem:s30+$0xFFFFC790]  }
.LBB2_5:
0x186: {  	p1 =	sne.s32 s31, $0x6F;
	v53 =	vld [tilespmem:s30+$0xFFFFC7A0]  }
0x187: {  	v54 =	vld [tilespmem:s30+$0xFFFFFFA0]  }
0x188: {  	v55 =	vld [tilespmem:s30+$0xFFFFC7B0]  }
0x189: {  	v56 =	vld [tilespmem:s30+$0xFFFFFFB0]  }
0x18a: {  	v51 =	vmul.f32 v51, v52;
	v52 =	vld [tilespmem:s30+$0xFFFFC7C0]  }
0x18b: {  	v57 =	vld [tilespmem:s30+$0xFFFFFFC0]  }
0x18c: {  	v51 =	vadd.f32 $0.0e+00, v51;
	v53 =	vmul.f32 v54, v53;
	v54 =	vld [tilespmem:s30+$0xFFFFC7D0]  }
0x18d: {  	v58 =	vld [tilespmem:s30+$0xFFFFFFD0]  }
0x18e: {  	v51 =	vadd.f32 v53, v51;
	v53 =	vmul.f32 v56, v55;
	v55 =	vld [tilespmem:s30+$0xFFFFC7E0]  }
0x18f: {  	v56 =	vld [tilespmem:s30+$0xFFFFFFE0]  }
0x190: {  	v51 =	vadd.f32 v53, v51;
	v52 =	vmul.f32 v57, v52;
	v53 =	vld [tilespmem:s30+$0xFFFFC7F0]  }
0x191: {  	v57 =	vld [tilespmem:s30+$0xFFFFFFF0]  }
0x192: {  	v51 =	vadd.f32 v52, v51;
	v52 =	vmul.f32 v58, v54;
	v54 =	vld [tilespmem:s30+$0xFFFFC800]  }
0x193: {  	v58 =	vld [tilespmem:s30+$0x0]  }
0x194: {  	v51 =	vadd.f32 v52, v51;
	v52 =	vmul.f32 v56, v55;
	_ =	sdelay $0x1  }
0x195: {  	v51 =	vadd.f32 v52, v51;
	v52 =	vmul.f32 v57, v53  }
0x196: {  	v53 =	vadd.s32 s29, v1;
	s29 =	smov.u32 s31  }
0x197: {  	v51 =	vadd.f32 v52, v51;
	v52 =	vmul.f32 v58, v54;
	_ =	sdelay $0x1  }
.Ltmp3:
0x198: {  	v51 =	vadd.f32 v52, v51;
	(pc) =	sbr.rel @p1 .LBB2_5-.Ltmp3, $4  }
0x199: {  	_ = 	snop  }
0x19a: {  	s30 =	sadd.s32 $0x80, s30;
	[tilespmem:v53+s21+$0x0] =	vst.idx.msk $0xffff, v51  }
0x19b: {  	v51 =	vld [tilespmem:s30+$0xFFFFFF90]  }
0x19c: {  	s31 =	sadd.s32 $0x1, s31;
	v52 =	vld [tilespmem:s30+$0xFFFFC790]  }
0x19d: {  	v53 =	vld [tilespmem:s30+$0xFFFFC7A0]  }
0x19e: {  	v54 =	vld [tilespmem:s30+$0xFFFFFFA0]  }
0x19f: {  	v55 =	vld [tilespmem:s30+$0xFFFFC7B0]  }
0x1a0: {  	v56 =	vld [tilespmem:s30+$0xFFFFFFB0]  }
0x1a1: {  	v57 =	vld [tilespmem:s30+$0xFFFFFFC0];
	v51 =	vmul.f32 v51, v52  }
0x1a2: {  	v52 =	vld [tilespmem:s30+$0xFFFFC7C0]  }
0x1a3: {  	v58 =	vld [tilespmem:s30+$0xFFFFFFD0];
	v53 =	vmul.f32 v54, v53;
	v51 =	vadd.f32 $0.0e+00, v51  }
0x1a4: {  	v54 =	vld [tilespmem:s30+$0xFFFFC7D0]  }
0x1a5: {  	v51 =	vadd.f32 v53, v51;
	v53 =	vmul.f32 v56, v55;
	v55 =	vld [tilespmem:s30+$0xFFFFC7E0]  }
0x1a6: {  	v56 =	vld [tilespmem:s30+$0xFFFFFFE0]  }
0x1a7: {  	v52 =	vmul.f32 v57, v52;
	v57 =	vld [tilespmem:s30+$0xFFFFFFF0];
	v51 =	vadd.f32 v53, v51  }
0x1a8: {  	v53 =	vld [tilespmem:s30+$0xFFFFC7F0]  }
0x1a9: {  	v51 =	vadd.f32 v52, v51;
	v52 =	vmul.f32 v58, v54;
	v54 =	vld [tilespmem:s30+$0xFFFFC800]  }
0x1aa: {  	v58 =	vld [tilespmem:s30+$0x0]  }
0x1ab: {  	v56 =	vmul.f32 v56, v55;
	v51 =	vadd.f32 v52, v51;
	_ =	sdelay $0x1  }
0x1ac: {  	v51 =	vadd.f32 v56, v51;
	v56 =	vmul.f32 v57, v53  }
0x1ad: {  	v57 =	vadd.s32 s29, v1  }
0x1ae: {  	v58 =	vmul.f32 v58, v54;
	v51 =	vadd.f32 v56, v51;
	_ =	sdelay $0x1  }
0x1af: {  	v56 =	vld [tilespmem:$0x1FC70];
	v51 =	vadd.f32 v58, v51;
	_ =	sdelay $0x1  }
0x1b0: {  	[tilespmem:v57+s21+$0x0] =	vst.idx.msk $0xffff, v51;
	v57 =	vld [tilespmem:$0x1FC80];
	_ =	sdelay $0x1  }
0x1b1: {  	v58 =	vld [tilespmem:$0x1FC90];
	_ =	sdelay $0x2  }
0x1b2: {  	v51 =	vld.idx.msk [tilespmem:v0+s21+$0x0], $0xffff  }
0x1b3: {  	v52 =	vld.idx.msk [tilespmem:v56+s21+$0x0], $0xffff  }
0x1b4: {  	v56 =	vld [tilespmem:$0x1FCA0]  }
0x1b5: {  	v53 =	vld.idx.msk [tilespmem:v57+s21+$0x0], $0xffff  }
0x1b6: {  	v57 =	vld [tilespmem:$0x1FCB0]  }
0x1b7: {  	v54 =	vld.idx.msk [tilespmem:v58+s21+$0x0], $0xffff  }
0x1b8: {  	v58 =	vld [tilespmem:$0x1FCC0];
	_ =	sdelay $0x1  }
0x1b9: {  	v51 =	vadd.f32 $0.0e+00, v51;
	_ =	sdelay $0x1  }
0x1ba: {  	v51 =	vadd.f32 v52, v51;
	v52 =	vld.idx.msk [tilespmem:v56+s21+$0x0], $0xffff  }
0x1bb: {  	v56 =	vld [tilespmem:$0x1FCD0]  }
0x1bc: {  	v51 =	vadd.f32 v53, v51;
	v53 =	vld.idx.msk [tilespmem:v57+s21+$0x0], $0xffff  }
0x1bd: {  	v57 =	vld [tilespmem:$0x1FCE0]  }
0x1be: {  	v51 =	vadd.f32 v54, v51;
	v54 =	vld.idx.msk [tilespmem:v58+s21+$0x0], $0xffff  }
0x1bf: {  	v58 =	vld [tilespmem:$0x1FCF0];
	_ =	sdelay $0x3  }
0x1c0: {  	v51 =	vadd.f32 v52, v51;
	v52 =	vld.idx.msk [tilespmem:v56+s21+$0x0], $0xffff  }
0x1c1: {  	v56 =	vld [tilespmem:$0x1FD00]  }
0x1c2: {  	v51 =	vadd.f32 v53, v51;
	v53 =	vld.idx.msk [tilespmem:v57+s21+$0x0], $0xffff  }
0x1c3: {  	v57 =	vld [tilespmem:$0x1FD10]  }
0x1c4: {  	v51 =	vadd.f32 v54, v51;
	v54 =	vld.idx.msk [tilespmem:v58+s21+$0x0], $0xffff  }
0x1c5: {  	v58 =	vld [tilespmem:$0x1FD20];
	_ =	sdelay $0x3  }
0x1c6: {  	v51 =	vadd.f32 v52, v51;
	v52 =	vld.idx.msk [tilespmem:v56+s21+$0x0], $0xffff  }
0x1c7: {  	v56 =	vld [tilespmem:$0x1FD30]  }
0x1c8: {  	v51 =	vadd.f32 v53, v51;
	v53 =	vld.idx.msk [tilespmem:v57+s21+$0x0], $0xffff  }
0x1c9: {  	v57 =	vld [tilespmem:$0x1FD40]  }
0x1ca: {  	v51 =	vadd.f32 v54, v51;
	v54 =	vld.idx.msk [tilespmem:v58+s21+$0x0], $0xffff  }
0x1cb: {  	v58 =	vld [tilespmem:$0x1FD50];
	_ =	sdelay $0x2  }
0x1cc: {  	v51 =	vadd.f32 v52, v51  }
0x1cd: {  	v52 =	vld.idx.msk [tilespmem:v56+s21+$0x0], $0xffff  }
0x1ce: {  	v51 =	vadd.f32 v53, v51  }
0x1cf: {  	v53 =	vld.idx.msk [tilespmem:v57+s21+$0x0], $0xffff  }
0x1d0: {  	v55 =	vld [tilespmem:$0x1FD60];
	v51 =	vadd.f32 v54, v51  }
0x1d1: {  	v54 =	vld.idx.msk [tilespmem:v58+s21+$0x0], $0xffff  }
0x1d2: {  	v56 =	vld [tilespmem:$0x1FD70];
	v51 =	vadd.f32 v52, v51;
	_ =	sdelay $0x1  }
0x1d3: {  	v57 =	vld [tilespmem:$0x1FD80];
	v51 =	vadd.f32 v53, v51;
	_ =	sdelay $0x1  }
0x1d4: {  	v58 =	vld [tilespmem:$0x1FD90];
	v51 =	vadd.f32 v54, v51;
	_ =	sdelay $0x1  }
0x1d5: {  	[tilespmem:s28+$0x4F70] =	vst v51  }
0x1d6: {  	v51 =	vld.idx.msk [tilespmem:v55+s21+$0x0], $0xffff  }
0x1d7: {  	v52 =	vld.idx.msk [tilespmem:v56+s21+$0x0], $0xffff  }
0x1d8: {  	v56 =	vld [tilespmem:$0x1FDA0]  }
0x1d9: {  	v53 =	vld.idx.msk [tilespmem:v57+s21+$0x0], $0xffff  }
0x1da: {  	v57 =	vld [tilespmem:$0x1FDB0]  }
0x1db: {  	v54 =	vld.idx.msk [tilespmem:v58+s21+$0x0], $0xffff  }
0x1dc: {  	v58 =	vld [tilespmem:$0x1FDC0];
	_ =	sdelay $0x1  }
0x1dd: {  	v51 =	vadd.f32 $0.0e+00, v51;
	_ =	sdelay $0x1  }
0x1de: {  	v51 =	vadd.f32 v52, v51;
	v52 =	vld.idx.msk [tilespmem:v56+s21+$0x0], $0xffff  }
0x1df: {  	v56 =	vld [tilespmem:$0x1FDD0]  }
0x1e0: {  	v51 =	vadd.f32 v53, v51;
	v53 =	vld.idx.msk [tilespmem:v57+s21+$0x0], $0xffff  }
0x1e1: {  	v57 =	vld [tilespmem:$0x1FDE0]  }
0x1e2: {  	v51 =	vadd.f32 v54, v51;
	v54 =	vld.idx.msk [tilespmem:v58+s21+$0x0], $0xffff  }
0x1e3: {  	v58 =	vld [tilespmem:$0x1FDF0];
	_ =	sdelay $0x3  }
0x1e4: {  	v51 =	vadd.f32 v52, v51;
	v52 =	vld.idx.msk [tilespmem:v56+s21+$0x0], $0xffff  }
0x1e5: {  	v56 =	vld [tilespmem:$0x1FE00]  }
0x1e6: {  	v51 =	vadd.f32 v53, v51;
	v53 =	vld.idx.msk [tilespmem:v57+s21+$0x0], $0xffff  }
0x1e7: {  	v57 =	vld [tilespmem:$0x1FE10]  }
0x1e8: {  	v51 =	vadd.f32 v54, v51;
	v54 =	vld.idx.msk [tilespmem:v58+s21+$0x0], $0xffff  }
0x1e9: {  	v58 =	vld [tilespmem:$0x1FE20];
	_ =	sdelay $0x3  }
0x1ea: {  	v51 =	vadd.f32 v52, v51;
	v52 =	vld.idx.msk [tilespmem:v56+s21+$0x0], $0xffff  }
0x1eb: {  	v56 =	vld [tilespmem:$0x1FE30]  }
0x1ec: {  	v51 =	vadd.f32 v53, v51;
	v53 =	vld.idx.msk [tilespmem:v57+s21+$0x0], $0xffff  }
0x1ed: {  	v57 =	vld [tilespmem:$0x1FE40]  }
0x1ee: {  	v51 =	vadd.f32 v54, v51;
	v54 =	vld.idx.msk [tilespmem:v58+s21+$0x0], $0xffff  }
0x1ef: {  	v58 =	vld [tilespmem:$0x1FE50];
	_ =	sdelay $0x2  }
0x1f0: {  	v51 =	vadd.f32 v52, v51  }
0x1f1: {  	v52 =	vld.idx.msk [tilespmem:v56+s21+$0x0], $0xffff  }
0x1f2: {  	v51 =	vadd.f32 v53, v51  }
0x1f3: {  	v53 =	vld.idx.msk [tilespmem:v57+s21+$0x0], $0xffff  }
0x1f4: {  	v55 =	vld [tilespmem:$0x1FE60];
	v51 =	vadd.f32 v54, v51  }
0x1f5: {  	v54 =	vld.idx.msk [tilespmem:v58+s21+$0x0], $0xffff  }
0x1f6: {  	v56 =	vld [tilespmem:$0x1FE70];
	v51 =	vadd.f32 v52, v51;
	_ =	sdelay $0x1  }
0x1f7: {  	v57 =	vld [tilespmem:$0x1FE80];
	v51 =	vadd.f32 v53, v51;
	_ =	sdelay $0x1  }
0x1f8: {  	v58 =	vld [tilespmem:$0x1FE90];
	v51 =	vadd.f32 v54, v51;
	_ =	sdelay $0x1  }
0x1f9: {  	[tilespmem:s28+$0x4F80] =	vst v51  }
0x1fa: {  	v51 =	vld.idx.msk [tilespmem:v55+s21+$0x0], $0xffff  }
0x1fb: {  	v52 =	vld.idx.msk [tilespmem:v56+s21+$0x0], $0xffff  }
0x1fc: {  	v56 =	vld [tilespmem:$0x1FEA0]  }
0x1fd: {  	v53 =	vld.idx.msk [tilespmem:v57+s21+$0x0], $0xffff  }
0x1fe: {  	v57 =	vld [tilespmem:$0x1FEB0]  }
0x1ff: {  	v54 =	vld.idx.msk [tilespmem:v58+s21+$0x0], $0xffff  }
0x200: {  	v58 =	vld [tilespmem:$0x1FEC0];
	_ =	sdelay $0x1  }
0x201: {  	v51 =	vadd.f32 $0.0e+00, v51;
	_ =	sdelay $0x1  }
0x202: {  	v51 =	vadd.f32 v52, v51;
	v52 =	vld.idx.msk [tilespmem:v56+s21+$0x0], $0xffff  }
0x203: {  	v56 =	vld [tilespmem:$0x1FED0]  }
0x204: {  	v51 =	vadd.f32 v53, v51;
	v53 =	vld.idx.msk [tilespmem:v57+s21+$0x0], $0xffff  }
0x205: {  	v57 =	vld [tilespmem:$0x1FEE0]  }
0x206: {  	v51 =	vadd.f32 v54, v51;
	v54 =	vld.idx.msk [tilespmem:v58+s21+$0x0], $0xffff  }
0x207: {  	v58 =	vld [tilespmem:$0x1FEF0];
	_ =	sdelay $0x3  }
0x208: {  	v51 =	vadd.f32 v52, v51;
	v52 =	vld.idx.msk [tilespmem:v56+s21+$0x0], $0xffff  }
0x209: {  	v56 =	vld [tilespmem:$0x1FF00]  }
0x20a: {  	v51 =	vadd.f32 v53, v51;
	v53 =	vld.idx.msk [tilespmem:v57+s21+$0x0], $0xffff  }
0x20b: {  	v57 =	vld [tilespmem:$0x1FF10]  }
0x20c: {  	v51 =	vadd.f32 v54, v51;
	v54 =	vld.idx.msk [tilespmem:v58+s21+$0x0], $0xffff  }
0x20d: {  	v58 =	vld [tilespmem:$0x1FF20];
	_ =	sdelay $0x3  }
0x20e: {  	v51 =	vadd.f32 v52, v51;
	v52 =	vld.idx.msk [tilespmem:v56+s21+$0x0], $0xffff  }
0x20f: {  	v56 =	vld [tilespmem:$0x1FF30]  }
0x210: {  	v51 =	vadd.f32 v53, v51;
	v53 =	vld.idx.msk [tilespmem:v57+s21+$0x0], $0xffff  }
0x211: {  	v57 =	vld [tilespmem:$0x1FF40]  }
0x212: {  	v51 =	vadd.f32 v54, v51;
	v54 =	vld.idx.msk [tilespmem:v58+s21+$0x0], $0xffff  }
0x213: {  	v58 =	vld [tilespmem:$0x1FF50];
	_ =	sdelay $0x2  }
0x214: {  	v51 =	vadd.f32 v52, v51  }
0x215: {  	v52 =	vld.idx.msk [tilespmem:v56+s21+$0x0], $0xffff  }
0x216: {  	v51 =	vadd.f32 v53, v51  }
0x217: {  	v53 =	vld.idx.msk [tilespmem:v57+s21+$0x0], $0xffff  }
0x218: {  	v55 =	vld [tilespmem:$0x1FF60];
	v51 =	vadd.f32 v54, v51  }
0x219: {  	v54 =	vld.idx.msk [tilespmem:v58+s21+$0x0], $0xffff  }
0x21a: {  	v56 =	vld [tilespmem:$0x1FF70];
	v51 =	vadd.f32 v52, v51;
	_ =	sdelay $0x1  }
0x21b: {  	v57 =	vld [tilespmem:$0x1FF80];
	v51 =	vadd.f32 v53, v51;
	_ =	sdelay $0x1  }
0x21c: {  	v58 =	vld [tilespmem:$0x1FF90];
	v51 =	vadd.f32 v54, v51;
	_ =	sdelay $0x1  }
0x21d: {  	[tilespmem:s28+$0x4F90] =	vst v51  }
0x21e: {  	v51 =	vld.idx.msk [tilespmem:v55+s21+$0x0], $0xffff  }
0x21f: {  	v52 =	vld.idx.msk [tilespmem:v56+s21+$0x0], $0xffff  }
0x220: {  	v56 =	vld [tilespmem:$0x1FFA0]  }
0x221: {  	v53 =	vld.idx.msk [tilespmem:v57+s21+$0x0], $0xffff  }
0x222: {  	v57 =	vld [tilespmem:$0x1FFB0]  }
0x223: {  	v54 =	vld.idx.msk [tilespmem:v58+s21+$0x0], $0xffff  }
0x224: {  	v58 =	vld [tilespmem:$0x1FFC0];
	_ =	sdelay $0x1  }
0x225: {  	v51 =	vadd.f32 $0.0e+00, v51;
	_ =	sdelay $0x1  }
0x226: {  	v51 =	vadd.f32 v52, v51;
	v52 =	vld.idx.msk [tilespmem:v56+s21+$0x0], $0xffff  }
0x227: {  	v56 =	vld [tilespmem:$0x1FFD0]  }
0x228: {  	v51 =	vadd.f32 v53, v51;
	v53 =	vld.idx.msk [tilespmem:v57+s21+$0x0], $0xffff  }
0x229: {  	v57 =	vld [tilespmem:$0x1FFE0]  }
0x22a: {  	v51 =	vadd.f32 v54, v51;
	v54 =	vld.idx.msk [tilespmem:v58+s21+$0x0], $0xffff  }
0x22b: {  	v58 =	vld [tilespmem:$0x1FFF0];
	_ =	sdelay $0x2  }
0x22c: {  	v51 =	vadd.f32 v52, v51  }
0x22d: {  	v52 =	vld.idx.msk [tilespmem:v56+s21+$0x0], $0xffff  }
0x22e: {  	v51 =	vadd.f32 v53, v51  }
0x22f: {  	v53 =	vld.idx.msk [tilespmem:v57+s21+$0x0], $0xffff  }
0x230: {  	v51 =	vadd.f32 v54, v51  }
0x231: {  	v54 =	vld.idx.msk [tilespmem:v58+s21+$0x0], $0xffff  }
0x232: {  	v51 =	vadd.f32 v52, v51  }
0x233: {  	v52 =	vld.idx.msk [tilespmem:v59+s21+$0x0], $0xffff  }
0x234: {  	v51 =	vadd.f32 v53, v51  }
0x235: {  	v57 =	vld.idx.msk [tilespmem:v60+s21+$0x0], $0xffff  }
0x236: {  	v51 =	vadd.f32 v54, v51  }
0x237: {  	v58 =	vld.idx.msk [tilespmem:v61+s21+$0x0], $0xffff  }
0x238: {  	v51 =	vadd.f32 v52, v51  }
0x239: {  	v52 =	vld.idx.msk [tilespmem:v62+s21+$0x0], $0xffff  }
0x23a: {  	v51 =	vadd.f32 v57, v51  }
0x23b: {  	v57 =	vld.idx.msk [tilespmem:v63+s21+$0x0], $0xffff  }
0x23c: {  	v51 =	vadd.f32 v58, v51  }
0x23d: {  	v58 =	vld.idx.msk [tilespmem:v2+s21+$0x0], $0xffff  }
0x23e: {  	v51 =	vadd.f32 v52, v51;
	_ =	sdelay $0x1  }
0x23f: {  	v51 =	vadd.f32 v57, v51;
	_ =	sdelay $0x1  }
0x240: {  	v51 =	vadd.f32 v58, v51;
	_ =	sdelay $0x1  }
0x241: {  	[tilespmem:s28+$0x4FA0] =	vst v51  }
0x242: {  	v51 =	vld.idx.msk [tilespmem:v3+s21+$0x0], $0xffff;
	_ =	sdelay $0x1  }
0x243: {  	v52 =	vld.idx.msk [tilespmem:v4+s21+$0x0], $0xffff;
	_ =	sdelay $0x1  }
0x244: {  	v57 =	vld.idx.msk [tilespmem:v5+s21+$0x0], $0xffff  }
0x245: {  	v51 =	vadd.f32 $0.0e+00, v51  }
0x246: {  	v58 =	vld.idx.msk [tilespmem:v6+s21+$0x0], $0xffff  }
0x247: {  	v51 =	vadd.f32 v52, v51  }
0x248: {  	v52 =	vld.idx.msk [tilespmem:v7+s21+$0x0], $0xffff  }
0x249: {  	v51 =	vadd.f32 v57, v51  }
0x24a: {  	v57 =	vld.idx.msk [tilespmem:v8+s21+$0x0], $0xffff  }
0x24b: {  	v51 =	vadd.f32 v58, v51  }
0x24c: {  	v58 =	vld.idx.msk [tilespmem:v9+s21+$0x0], $0xffff  }
0x24d: {  	v51 =	vadd.f32 v52, v51  }
0x24e: {  	v52 =	vld.idx.msk [tilespmem:v10+s21+$0x0], $0xffff  }
0x24f: {  	v51 =	vadd.f32 v57, v51  }
0x250: {  	v57 =	vld.idx.msk [tilespmem:v11+s21+$0x0], $0xffff  }
0x251: {  	v51 =	vadd.f32 v58, v51  }
0x252: {  	v58 =	vld.idx.msk [tilespmem:v12+s21+$0x0], $0xffff  }
0x253: {  	v51 =	vadd.f32 v52, v51  }
0x254: {  	v52 =	vld.idx.msk [tilespmem:v13+s21+$0x0], $0xffff  }
0x255: {  	v51 =	vadd.f32 v57, v51  }
0x256: {  	v57 =	vld.idx.msk [tilespmem:v14+s21+$0x0], $0xffff  }
0x257: {  	v51 =	vadd.f32 v58, v51  }
0x258: {  	v58 =	vld.idx.msk [tilespmem:v15+s21+$0x0], $0xffff  }
0x259: {  	v51 =	vadd.f32 v52, v51  }
0x25a: {  	v52 =	vld.idx.msk [tilespmem:v16+s21+$0x0], $0xffff  }
0x25b: {  	v51 =	vadd.f32 v57, v51  }
0x25c: {  	v57 =	vld.idx.msk [tilespmem:v17+s21+$0x0], $0xffff  }
0x25d: {  	v51 =	vadd.f32 v58, v51  }
0x25e: {  	v58 =	vld.idx.msk [tilespmem:v18+s21+$0x0], $0xffff  }
0x25f: {  	v51 =	vadd.f32 v52, v51;
	_ =	sdelay $0x1  }
0x260: {  	v51 =	vadd.f32 v57, v51;
	_ =	sdelay $0x1  }
0x261: {  	v51 =	vadd.f32 v58, v51;
	_ =	sdelay $0x1  }
0x262: {  	[tilespmem:s28+$0x4FB0] =	vst v51  }
0x263: {  	v51 =	vld.idx.msk [tilespmem:v19+s21+$0x0], $0xffff;
	_ =	sdelay $0x1  }
0x264: {  	v52 =	vld.idx.msk [tilespmem:v20+s21+$0x0], $0xffff;
	_ =	sdelay $0x1  }
0x265: {  	v57 =	vld.idx.msk [tilespmem:v21+s21+$0x0], $0xffff  }
0x266: {  	v51 =	vadd.f32 $0.0e+00, v51  }
0x267: {  	v58 =	vld.idx.msk [tilespmem:v22+s21+$0x0], $0xffff  }
0x268: {  	v51 =	vadd.f32 v52, v51  }
0x269: {  	v52 =	vld.idx.msk [tilespmem:v23+s21+$0x0], $0xffff  }
0x26a: {  	v51 =	vadd.f32 v57, v51  }
0x26b: {  	v57 =	vld.idx.msk [tilespmem:v24+s21+$0x0], $0xffff  }
0x26c: {  	v51 =	vadd.f32 v58, v51  }
0x26d: {  	v58 =	vld.idx.msk [tilespmem:v25+s21+$0x0], $0xffff  }
0x26e: {  	v51 =	vadd.f32 v52, v51  }
0x26f: {  	v52 =	vld.idx.msk [tilespmem:v26+s21+$0x0], $0xffff  }
0x270: {  	v51 =	vadd.f32 v57, v51  }
0x271: {  	v57 =	vld.idx.msk [tilespmem:v27+s21+$0x0], $0xffff  }
0x272: {  	v51 =	vadd.f32 v58, v51  }
0x273: {  	v58 =	vld.idx.msk [tilespmem:v28+s21+$0x0], $0xffff  }
0x274: {  	v51 =	vadd.f32 v52, v51  }
0x275: {  	v52 =	vld.idx.msk [tilespmem:v29+s21+$0x0], $0xffff  }
0x276: {  	v51 =	vadd.f32 v57, v51  }
0x277: {  	v57 =	vld.idx.msk [tilespmem:v30+s21+$0x0], $0xffff  }
0x278: {  	v51 =	vadd.f32 v58, v51  }
0x279: {  	v58 =	vld.idx.msk [tilespmem:v31+s21+$0x0], $0xffff  }
0x27a: {  	v51 =	vadd.f32 v52, v51  }
0x27b: {  	v52 =	vld.idx.msk [tilespmem:v32+s21+$0x0], $0xffff  }
0x27c: {  	v51 =	vadd.f32 v57, v51  }
0x27d: {  	v57 =	vld.idx.msk [tilespmem:v33+s21+$0x0], $0xffff  }
0x27e: {  	v51 =	vadd.f32 v58, v51  }
0x27f: {  	v58 =	vld.idx.msk [tilespmem:v34+s21+$0x0], $0xffff  }
0x280: {  	v51 =	vadd.f32 v52, v51;
	_ =	sdelay $0x1  }
0x281: {  	v51 =	vadd.f32 v57, v51;
	_ =	sdelay $0x1  }
0x282: {  	v51 =	vadd.f32 v58, v51;
	_ =	sdelay $0x1  }
0x283: {  	[tilespmem:s28+$0x4FC0] =	vst v51  }
0x284: {  	v51 =	vld.idx.msk [tilespmem:v35+s21+$0x0], $0xffff;
	_ =	sdelay $0x1  }
0x285: {  	v52 =	vld.idx.msk [tilespmem:v36+s21+$0x0], $0xffff;
	_ =	sdelay $0x1  }
0x286: {  	v57 =	vld.idx.msk [tilespmem:v37+s21+$0x0], $0xffff  }
0x287: {  	v51 =	vadd.f32 $0.0e+00, v51  }
0x288: {  	v58 =	vld.idx.msk [tilespmem:v38+s21+$0x0], $0xffff  }
0x289: {  	v51 =	vadd.f32 v52, v51  }
0x28a: {  	v52 =	vld.idx.msk [tilespmem:v39+s21+$0x0], $0xffff  }
0x28b: {  	v51 =	vadd.f32 v57, v51  }
0x28c: {  	v57 =	vld.idx.msk [tilespmem:v40+s21+$0x0], $0xffff  }
0x28d: {  	v51 =	vadd.f32 v58, v51  }
0x28e: {  	v58 =	vld.idx.msk [tilespmem:v41+s21+$0x0], $0xffff  }
0x28f: {  	v51 =	vadd.f32 v52, v51  }
0x290: {  	v52 =	vld.idx.msk [tilespmem:v42+s21+$0x0], $0xffff  }
0x291: {  	v51 =	vadd.f32 v57, v51  }
0x292: {  	v57 =	vld.idx.msk [tilespmem:v43+s21+$0x0], $0xffff  }
0x293: {  	v51 =	vadd.f32 v58, v51  }
0x294: {  	v58 =	vld.idx.msk [tilespmem:v44+s21+$0x0], $0xffff  }
0x295: {  	v51 =	vadd.f32 v52, v51  }
0x296: {  	v52 =	vld.idx.msk [tilespmem:v45+s21+$0x0], $0xffff  }
0x297: {  	v51 =	vadd.f32 v57, v51  }
0x298: {  	v57 =	vld.idx.msk [tilespmem:v46+s21+$0x0], $0xffff  }
0x299: {  	v51 =	vadd.f32 v58, v51  }
0x29a: {  	v58 =	vld.idx.msk [tilespmem:v47+s21+$0x0], $0xffff  }
0x29b: {  	v51 =	vadd.f32 v52, v51  }
0x29c: {  	v52 =	vld.idx.msk [tilespmem:v48+s21+$0x0], $0xffff  }
0x29d: {  	v51 =	vadd.f32 v57, v51  }
0x29e: {  	v57 =	vld.idx.msk [tilespmem:v49+s21+$0x0], $0xffff  }
0x29f: {  	v51 =	vadd.f32 v58, v51  }
0x2a0: {  	v58 =	vld.idx.msk [tilespmem:v50+s21+$0x0], $0xffff  }
0x2a1: {  	v51 =	vadd.f32 v52, v51;
	_ =	sdelay $0x1  }
0x2a2: {  	v51 =	vadd.f32 v57, v51;
	_ =	sdelay $0x1  }
0x2a3: {  	v51 =	vadd.f32 v58, v51  }
0x2a4: {  	s2 =	smin.u32 @!p0 s28, $0x24E0  }
0x2a5: {  	s31 =	simm.s32 @!p0 $0xE680;
	s30 =	simm.s32 @!p0 $0x70;
	s29 =	sadd.s32 @!p0 $0x1C0, s2;
	[tilespmem:s28+$0x4FD0] =	vst v51  }
0x2a6: {  	[tilespmem:s31], [sflag:$0x2] =	stream.indirect.gather @!p0 [hbm4b:s0+s30], $0x80, s29, s30, $0xb8;
	[tilespmem:$0x1CF00] =	vst v63  }
0x2a7: {  	s2 =	sadd.s32 @!p0 $0x2940, s2;
	s29 =	simm.s32 @!p0 $0x11E80  }
0x2a8: {  	[tilespmem:s29], [sflag:$0x2] =	stream.indirect.gather @!p0 [hbm4b:s0+s30], $0x80, s2, s30, $0xb8;
	[tilespmem:$0x1CF00] =	vst v63  }
0x2a9: {  	_ =	swait.ge [sflag:s23], $0x7000  }
0x2aa: {  	[sflag:s23] =	ssyncset.done $0x0  }
0x2ab: {  	s30 =	simm.s32 $0x18EF0;
	[sflag:s23] =	ssyncadd.s32 $0xFFFF9000  }
0x2ac: {  	v51 =	vld [tilespmem:s30+$0xFFFFFF90]  }
0x2ad: {  	s31 =	simm.s32 $0x1;
	s29 =	simm.s32 $0x0;
	v52 =	vld [tilespmem:s30+$0xFFFFC790]  }
.LBB2_7:
0x2ae: {  	p1 =	sne.s32 s31, $0x6F;
	v53 =	vld [tilespmem:s30+$0xFFFFC7A0]  }
0x2af: {  	v54 =	vld [tilespmem:s30+$0xFFFFFFA0]  }
0x2b0: {  	v55 =	vld [tilespmem:s30+$0xFFFFC7B0]  }
0x2b1: {  	v56 =	vld [tilespmem:s30+$0xFFFFFFB0]  }
0x2b2: {  	v51 =	vmul.f32 v51, v52;
	v52 =	vld [tilespmem:s30+$0xFFFFC7C0]  }
0x2b3: {  	v57 =	vld [tilespmem:s30+$0xFFFFFFC0]  }
0x2b4: {  	v51 =	vadd.f32 $0.0e+00, v51;
	v53 =	vmul.f32 v54, v53;
	v54 =	vld [tilespmem:s30+$0xFFFFC7D0]  }
0x2b5: {  	v58 =	vld [tilespmem:s30+$0xFFFFFFD0]  }
0x2b6: {  	v51 =	vadd.f32 v53, v51;
	v53 =	vmul.f32 v56, v55;
	v55 =	vld [tilespmem:s30+$0xFFFFC7E0]  }
0x2b7: {  	v56 =	vld [tilespmem:s30+$0xFFFFFFE0]  }
0x2b8: {  	v51 =	vadd.f32 v53, v51;
	v52 =	vmul.f32 v57, v52;
	v53 =	vld [tilespmem:s30+$0xFFFFC7F0]  }
0x2b9: {  	v57 =	vld [tilespmem:s30+$0xFFFFFFF0]  }
0x2ba: {  	v51 =	vadd.f32 v52, v51;
	v52 =	vmul.f32 v58, v54;
	v54 =	vld [tilespmem:s30+$0xFFFFC800]  }
0x2bb: {  	v58 =	vld [tilespmem:s30+$0x0]  }
0x2bc: {  	v51 =	vadd.f32 v52, v51;
	v52 =	vmul.f32 v56, v55;
	_ =	sdelay $0x1  }
0x2bd: {  	v51 =	vadd.f32 v52, v51;
	v52 =	vmul.f32 v57, v53  }
0x2be: {  	v53 =	vadd.s32 s29, v1;
	s29 =	smov.u32 s31  }
0x2bf: {  	v51 =	vadd.f32 v52, v51;
	v52 =	vmul.f32 v58, v54;
	_ =	sdelay $0x1  }
.Ltmp4:
0x2c0: {  	v51 =	vadd.f32 v52, v51;
	(pc) =	sbr.rel @p1 .LBB2_7-.Ltmp4, $4  }
0x2c1: {  	_ = 	snop  }
0x2c2: {  	s30 =	sadd.s32 $0x80, s30;
	[tilespmem:v53+s21+$0x0] =	vst.idx.msk $0xffff, v51  }
0x2c3: {  	v51 =	vld [tilespmem:s30+$0xFFFFFF90]  }
0x2c4: {  	s31 =	sadd.s32 $0x1, s31;
	v52 =	vld [tilespmem:s30+$0xFFFFC790]  }
0x2c5: {  	v53 =	vld [tilespmem:s30+$0xFFFFC7A0]  }
0x2c6: {  	v54 =	vld [tilespmem:s30+$0xFFFFFFA0]  }
0x2c7: {  	v55 =	vld [tilespmem:s30+$0xFFFFC7B0]  }
0x2c8: {  	v56 =	vld [tilespmem:s30+$0xFFFFFFB0]  }
0x2c9: {  	v57 =	vld [tilespmem:s30+$0xFFFFFFC0];
	v51 =	vmul.f32 v51, v52  }
0x2ca: {  	v52 =	vld [tilespmem:s30+$0xFFFFC7C0]  }
0x2cb: {  	v58 =	vld [tilespmem:s30+$0xFFFFFFD0];
	v53 =	vmul.f32 v54, v53;
	v51 =	vadd.f32 $0.0e+00, v51  }
0x2cc: {  	v54 =	vld [tilespmem:s30+$0xFFFFC7D0]  }
0x2cd: {  	v51 =	vadd.f32 v53, v51;
	v53 =	vmul.f32 v56, v55;
	v55 =	vld [tilespmem:s30+$0xFFFFC7E0]  }
0x2ce: {  	v56 =	vld [tilespmem:s30+$0xFFFFFFE0]  }
0x2cf: {  	v52 =	vmul.f32 v57, v52;
	v57 =	vld [tilespmem:s30+$0xFFFFFFF0];
	v51 =	vadd.f32 v53, v51  }
0x2d0: {  	v53 =	vld [tilespmem:s30+$0xFFFFC7F0]  }
0x2d1: {  	v51 =	vadd.f32 v52, v51;
	v52 =	vmul.f32 v58, v54;
	v54 =	vld [tilespmem:s30+$0xFFFFC800]  }
0x2d2: {  	v58 =	vld [tilespmem:s30+$0x0]  }
0x2d3: {  	v56 =	vmul.f32 v56, v55;
	v51 =	vadd.f32 v52, v51;
	_ =	sdelay $0x1  }
0x2d4: {  	v51 =	vadd.f32 v56, v51;
	v56 =	vmul.f32 v57, v53  }
0x2d5: {  	v57 =	vadd.s32 s29, v1  }
0x2d6: {  	v58 =	vmul.f32 v58, v54;
	v51 =	vadd.f32 v56, v51;
	_ =	sdelay $0x1  }
0x2d7: {  	v56 =	vld [tilespmem:$0x1FC70];
	v51 =	vadd.f32 v58, v51;
	_ =	sdelay $0x1  }
0x2d8: {  	[tilespmem:v57+s21+$0x0] =	vst.idx.msk $0xffff, v51;
	v57 =	vld [tilespmem:$0x1FC80];
	_ =	sdelay $0x1  }
0x2d9: {  	v58 =	vld [tilespmem:$0x1FC90];
	_ =	sdelay $0x2  }
0x2da: {  	v51 =	vld.idx.msk [tilespmem:v0+s21+$0x0], $0xffff  }
0x2db: {  	v52 =	vld.idx.msk [tilespmem:v56+s21+$0x0], $0xffff  }
0x2dc: {  	v56 =	vld [tilespmem:$0x1FCA0]  }
0x2dd: {  	v53 =	vld.idx.msk [tilespmem:v57+s21+$0x0], $0xffff  }
0x2de: {  	v57 =	vld [tilespmem:$0x1FCB0]  }
0x2df: {  	v54 =	vld.idx.msk [tilespmem:v58+s21+$0x0], $0xffff  }
0x2e0: {  	v58 =	vld [tilespmem:$0x1FCC0];
	_ =	sdelay $0x1  }
0x2e1: {  	v51 =	vadd.f32 $0.0e+00, v51;
	_ =	sdelay $0x1  }
0x2e2: {  	v51 =	vadd.f32 v52, v51;
	v52 =	vld.idx.msk [tilespmem:v56+s21+$0x0], $0xffff  }
0x2e3: {  	v56 =	vld [tilespmem:$0x1FCD0]  }
0x2e4: {  	v51 =	vadd.f32 v53, v51;
	v53 =	vld.idx.msk [tilespmem:v57+s21+$0x0], $0xffff  }
0x2e5: {  	v57 =	vld [tilespmem:$0x1FCE0]  }
0x2e6: {  	v51 =	vadd.f32 v54, v51;
	v54 =	vld.idx.msk [tilespmem:v58+s21+$0x0], $0xffff  }
0x2e7: {  	v58 =	vld [tilespmem:$0x1FCF0];
	_ =	sdelay $0x3  }
0x2e8: {  	v51 =	vadd.f32 v52, v51;
	v52 =	vld.idx.msk [tilespmem:v56+s21+$0x0], $0xffff  }
0x2e9: {  	v56 =	vld [tilespmem:$0x1FD00]  }
0x2ea: {  	v51 =	vadd.f32 v53, v51;
	v53 =	vld.idx.msk [tilespmem:v57+s21+$0x0], $0xffff  }
0x2eb: {  	v57 =	vld [tilespmem:$0x1FD10]  }
0x2ec: {  	v51 =	vadd.f32 v54, v51;
	v54 =	vld.idx.msk [tilespmem:v58+s21+$0x0], $0xffff  }
0x2ed: {  	v58 =	vld [tilespmem:$0x1FD20];
	_ =	sdelay $0x3  }
0x2ee: {  	v51 =	vadd.f32 v52, v51;
	v52 =	vld.idx.msk [tilespmem:v56+s21+$0x0], $0xffff  }
0x2ef: {  	v56 =	vld [tilespmem:$0x1FD30]  }
0x2f0: {  	v51 =	vadd.f32 v53, v51;
	v53 =	vld.idx.msk [tilespmem:v57+s21+$0x0], $0xffff  }
0x2f1: {  	v57 =	vld [tilespmem:$0x1FD40]  }
0x2f2: {  	v51 =	vadd.f32 v54, v51;
	v54 =	vld.idx.msk [tilespmem:v58+s21+$0x0], $0xffff  }
0x2f3: {  	v58 =	vld [tilespmem:$0x1FD50];
	_ =	sdelay $0x2  }
0x2f4: {  	v51 =	vadd.f32 v52, v51  }
0x2f5: {  	v52 =	vld.idx.msk [tilespmem:v56+s21+$0x0], $0xffff  }
0x2f6: {  	v51 =	vadd.f32 v53, v51  }
0x2f7: {  	v53 =	vld.idx.msk [tilespmem:v57+s21+$0x0], $0xffff  }
0x2f8: {  	v55 =	vld [tilespmem:$0x1FD60];
	v51 =	vadd.f32 v54, v51  }
0x2f9: {  	v54 =	vld.idx.msk [tilespmem:v58+s21+$0x0], $0xffff  }
0x2fa: {  	v56 =	vld [tilespmem:$0x1FD70];
	v51 =	vadd.f32 v52, v51;
	_ =	sdelay $0x1  }
0x2fb: {  	v57 =	vld [tilespmem:$0x1FD80];
	v51 =	vadd.f32 v53, v51;
	_ =	sdelay $0x1  }
0x2fc: {  	v58 =	vld [tilespmem:$0x1FD90];
	v51 =	vadd.f32 v54, v51  }
0x2fd: {  	s31 =	smin.u32 s28, $0x25C0  }
0x2fe: {  	[tilespmem:s31+$0x4FE0] =	vst v51  }
0x2ff: {  	v51 =	vld.idx.msk [tilespmem:v55+s21+$0x0], $0xffff  }
0x300: {  	v52 =	vld.idx.msk [tilespmem:v56+s21+$0x0], $0xffff  }
0x301: {  	v56 =	vld [tilespmem:$0x1FDA0]  }
0x302: {  	v53 =	vld.idx.msk [tilespmem:v57+s21+$0x0], $0xffff  }
0x303: {  	v57 =	vld [tilespmem:$0x1FDB0]  }
0x304: {  	v54 =	vld.idx.msk [tilespmem:v58+s21+$0x0], $0xffff  }
0x305: {  	v58 =	vld [tilespmem:$0x1FDC0];
	_ =	sdelay $0x1  }
0x306: {  	v51 =	vadd.f32 $0.0e+00, v51;
	_ =	sdelay $0x1  }
0x307: {  	v51 =	vadd.f32 v52, v51;
	v52 =	vld.idx.msk [tilespmem:v56+s21+$0x0], $0xffff  }
0x308: {  	v56 =	vld [tilespmem:$0x1FDD0]  }
0x309: {  	v51 =	vadd.f32 v53, v51;
	v53 =	vld.idx.msk [tilespmem:v57+s21+$0x0], $0xffff  }
0x30a: {  	v57 =	vld [tilespmem:$0x1FDE0]  }
0x30b: {  	v51 =	vadd.f32 v54, v51;
	v54 =	vld.idx.msk [tilespmem:v58+s21+$0x0], $0xffff  }
0x30c: {  	v58 =	vld [tilespmem:$0x1FDF0];
	_ =	sdelay $0x3  }
0x30d: {  	v51 =	vadd.f32 v52, v51;
	v52 =	vld.idx.msk [tilespmem:v56+s21+$0x0], $0xffff  }
0x30e: {  	v56 =	vld [tilespmem:$0x1FE00]  }
0x30f: {  	v51 =	vadd.f32 v53, v51;
	v53 =	vld.idx.msk [tilespmem:v57+s21+$0x0], $0xffff  }
0x310: {  	v57 =	vld [tilespmem:$0x1FE10]  }
0x311: {  	v51 =	vadd.f32 v54, v51;
	v54 =	vld.idx.msk [tilespmem:v58+s21+$0x0], $0xffff  }
0x312: {  	v58 =	vld [tilespmem:$0x1FE20];
	_ =	sdelay $0x3  }
0x313: {  	v51 =	vadd.f32 v52, v51;
	v52 =	vld.idx.msk [tilespmem:v56+s21+$0x0], $0xffff  }
0x314: {  	v56 =	vld [tilespmem:$0x1FE30]  }
0x315: {  	v51 =	vadd.f32 v53, v51;
	v53 =	vld.idx.msk [tilespmem:v57+s21+$0x0], $0xffff  }
0x316: {  	v57 =	vld [tilespmem:$0x1FE40]  }
0x317: {  	v51 =	vadd.f32 v54, v51;
	v54 =	vld.idx.msk [tilespmem:v58+s21+$0x0], $0xffff  }
0x318: {  	v58 =	vld [tilespmem:$0x1FE50];
	_ =	sdelay $0x2  }
0x319: {  	v51 =	vadd.f32 v52, v51  }
0x31a: {  	v52 =	vld.idx.msk [tilespmem:v56+s21+$0x0], $0xffff  }
0x31b: {  	v51 =	vadd.f32 v53, v51  }
0x31c: {  	v53 =	vld.idx.msk [tilespmem:v57+s21+$0x0], $0xffff  }
0x31d: {  	v55 =	vld [tilespmem:$0x1FE60];
	v51 =	vadd.f32 v54, v51  }
0x31e: {  	v54 =	vld.idx.msk [tilespmem:v58+s21+$0x0], $0xffff  }
0x31f: {  	v56 =	vld [tilespmem:$0x1FE70];
	v51 =	vadd.f32 v52, v51;
	_ =	sdelay $0x1  }
0x320: {  	v57 =	vld [tilespmem:$0x1FE80];
	v51 =	vadd.f32 v53, v51;
	_ =	sdelay $0x1  }
0x321: {  	v58 =	vld [tilespmem:$0x1FE90];
	v51 =	vadd.f32 v54, v51;
	_ =	sdelay $0x1  }
0x322: {  	[tilespmem:s31+$0x4FF0] =	vst v51  }
0x323: {  	v51 =	vld.idx.msk [tilespmem:v55+s21+$0x0], $0xffff  }
0x324: {  	v52 =	vld.idx.msk [tilespmem:v56+s21+$0x0], $0xffff  }
0x325: {  	v56 =	vld [tilespmem:$0x1FEA0]  }
0x326: {  	v53 =	vld.idx.msk [tilespmem:v57+s21+$0x0], $0xffff  }
0x327: {  	v57 =	vld [tilespmem:$0x1FEB0]  }
0x328: {  	v54 =	vld.idx.msk [tilespmem:v58+s21+$0x0], $0xffff  }
0x329: {  	v58 =	vld [tilespmem:$0x1FEC0];
	_ =	sdelay $0x1  }
0x32a: {  	v51 =	vadd.f32 $0.0e+00, v51;
	_ =	sdelay $0x1  }
0x32b: {  	v51 =	vadd.f32 v52, v51;
	v52 =	vld.idx.msk [tilespmem:v56+s21+$0x0], $0xffff  }
0x32c: {  	v56 =	vld [tilespmem:$0x1FED0]  }
0x32d: {  	v51 =	vadd.f32 v53, v51;
	v53 =	vld.idx.msk [tilespmem:v57+s21+$0x0], $0xffff  }
0x32e: {  	v57 =	vld [tilespmem:$0x1FEE0]  }
0x32f: {  	v51 =	vadd.f32 v54, v51;
	v54 =	vld.idx.msk [tilespmem:v58+s21+$0x0], $0xffff  }
0x330: {  	v58 =	vld [tilespmem:$0x1FEF0];
	_ =	sdelay $0x3  }
0x331: {  	v51 =	vadd.f32 v52, v51;
	v52 =	vld.idx.msk [tilespmem:v56+s21+$0x0], $0xffff  }
0x332: {  	v56 =	vld [tilespmem:$0x1FF00]  }
0x333: {  	v51 =	vadd.f32 v53, v51;
	v53 =	vld.idx.msk [tilespmem:v57+s21+$0x0], $0xffff  }
0x334: {  	v57 =	vld [tilespmem:$0x1FF10]  }
0x335: {  	v51 =	vadd.f32 v54, v51;
	v54 =	vld.idx.msk [tilespmem:v58+s21+$0x0], $0xffff  }
0x336: {  	v58 =	vld [tilespmem:$0x1FF20];
	_ =	sdelay $0x3  }
0x337: {  	v51 =	vadd.f32 v52, v51;
	v52 =	vld.idx.msk [tilespmem:v56+s21+$0x0], $0xffff  }
0x338: {  	v56 =	vld [tilespmem:$0x1FF30]  }
0x339: {  	v51 =	vadd.f32 v53, v51;
	v53 =	vld.idx.msk [tilespmem:v57+s21+$0x0], $0xffff  }
0x33a: {  	v57 =	vld [tilespmem:$0x1FF40]  }
0x33b: {  	v51 =	vadd.f32 v54, v51;
	v54 =	vld.idx.msk [tilespmem:v58+s21+$0x0], $0xffff  }
0x33c: {  	v58 =	vld [tilespmem:$0x1FF50];
	_ =	sdelay $0x2  }
0x33d: {  	v51 =	vadd.f32 v52, v51  }
0x33e: {  	v52 =	vld.idx.msk [tilespmem:v56+s21+$0x0], $0xffff  }
0x33f: {  	v51 =	vadd.f32 v53, v51  }
0x340: {  	v53 =	vld.idx.msk [tilespmem:v57+s21+$0x0], $0xffff  }
0x341: {  	v55 =	vld [tilespmem:$0x1FF60];
	v51 =	vadd.f32 v54, v51  }
0x342: {  	v54 =	vld.idx.msk [tilespmem:v58+s21+$0x0], $0xffff  }
0x343: {  	v56 =	vld [tilespmem:$0x1FF70];
	v51 =	vadd.f32 v52, v51;
	_ =	sdelay $0x1  }
0x344: {  	v57 =	vld [tilespmem:$0x1FF80];
	v51 =	vadd.f32 v53, v51;
	_ =	sdelay $0x1  }
0x345: {  	v58 =	vld [tilespmem:$0x1FF90];
	v51 =	vadd.f32 v54, v51;
	_ =	sdelay $0x1  }
0x346: {  	[tilespmem:s31+$0x5000] =	vst v51  }
0x347: {  	v51 =	vld.idx.msk [tilespmem:v55+s21+$0x0], $0xffff  }
0x348: {  	v52 =	vld.idx.msk [tilespmem:v56+s21+$0x0], $0xffff  }
0x349: {  	v56 =	vld [tilespmem:$0x1FFA0]  }
0x34a: {  	v53 =	vld.idx.msk [tilespmem:v57+s21+$0x0], $0xffff  }
0x34b: {  	v57 =	vld [tilespmem:$0x1FFB0]  }
0x34c: {  	v54 =	vld.idx.msk [tilespmem:v58+s21+$0x0], $0xffff  }
0x34d: {  	v58 =	vld [tilespmem:$0x1FFC0];
	_ =	sdelay $0x1  }
0x34e: {  	v51 =	vadd.f32 $0.0e+00, v51;
	_ =	sdelay $0x1  }
0x34f: {  	v51 =	vadd.f32 v52, v51;
	v52 =	vld.idx.msk [tilespmem:v56+s21+$0x0], $0xffff  }
0x350: {  	v56 =	vld [tilespmem:$0x1FFD0]  }
0x351: {  	v51 =	vadd.f32 v53, v51;
	v53 =	vld.idx.msk [tilespmem:v57+s21+$0x0], $0xffff  }
0x352: {  	v57 =	vld [tilespmem:$0x1FFE0]  }
0x353: {  	v51 =	vadd.f32 v54, v51;
	v54 =	vld.idx.msk [tilespmem:v58+s21+$0x0], $0xffff  }
0x354: {  	v58 =	vld [tilespmem:$0x1FFF0];
	_ =	sdelay $0x2  }
0x355: {  	v51 =	vadd.f32 v52, v51  }
0x356: {  	v52 =	vld.idx.msk [tilespmem:v56+s21+$0x0], $0xffff  }
0x357: {  	v51 =	vadd.f32 v53, v51  }
0x358: {  	v53 =	vld.idx.msk [tilespmem:v57+s21+$0x0], $0xffff  }
0x359: {  	v51 =	vadd.f32 v54, v51  }
0x35a: {  	v54 =	vld.idx.msk [tilespmem:v58+s21+$0x0], $0xffff  }
0x35b: {  	v51 =	vadd.f32 v52, v51  }
0x35c: {  	v52 =	vld.idx.msk [tilespmem:v59+s21+$0x0], $0xffff  }
0x35d: {  	v51 =	vadd.f32 v53, v51  }
0x35e: {  	v57 =	vld.idx.msk [tilespmem:v60+s21+$0x0], $0xffff  }
0x35f: {  	v51 =	vadd.f32 v54, v51  }
0x360: {  	v58 =	vld.idx.msk [tilespmem:v61+s21+$0x0], $0xffff  }
0x361: {  	v51 =	vadd.f32 v52, v51  }
0x362: {  	v52 =	vld.idx.msk [tilespmem:v62+s21+$0x0], $0xffff  }
0x363: {  	v51 =	vadd.f32 v57, v51  }
0x364: {  	v57 =	vld.idx.msk [tilespmem:v63+s21+$0x0], $0xffff  }
0x365: {  	v51 =	vadd.f32 v58, v51  }
0x366: {  	v58 =	vld.idx.msk [tilespmem:v2+s21+$0x0], $0xffff  }
0x367: {  	v51 =	vadd.f32 v52, v51;
	_ =	sdelay $0x1  }
0x368: {  	v51 =	vadd.f32 v57, v51;
	_ =	sdelay $0x1  }
0x369: {  	v51 =	vadd.f32 v58, v51;
	_ =	sdelay $0x1  }
0x36a: {  	[tilespmem:s31+$0x5010] =	vst v51  }
0x36b: {  	v3 =	vld.idx.msk [tilespmem:v3+s21+$0x0], $0xffff;
	_ =	sdelay $0x1  }
0x36c: {  	v4 =	vld.idx.msk [tilespmem:v4+s21+$0x0], $0xffff;
	_ =	sdelay $0x1  }
0x36d: {  	v5 =	vld.idx.msk [tilespmem:v5+s21+$0x0], $0xffff  }
0x36e: {  	v3 =	vadd.f32 $0.0e+00, v3  }
0x36f: {  	v6 =	vld.idx.msk [tilespmem:v6+s21+$0x0], $0xffff  }
0x370: {  	v3 =	vadd.f32 v4, v3  }
0x371: {  	v57 =	vld.idx.msk [tilespmem:v7+s21+$0x0], $0xffff  }
0x372: {  	v3 =	vadd.f32 v5, v3  }
0x373: {  	v58 =	vld.idx.msk [tilespmem:v8+s21+$0x0], $0xffff  }
0x374: {  	v3 =	vadd.f32 v6, v3  }
0x375: {  	v9 =	vld.idx.msk [tilespmem:v9+s21+$0x0], $0xffff  }
0x376: {  	v3 =	vadd.f32 v57, v3  }
0x377: {  	v10 =	vld.idx.msk [tilespmem:v10+s21+$0x0], $0xffff  }
0x378: {  	v3 =	vadd.f32 v58, v3  }
0x379: {  	v11 =	vld.idx.msk [tilespmem:v11+s21+$0x0], $0xffff  }
0x37a: {  	v3 =	vadd.f32 v9, v3  }
0x37b: {  	v12 =	vld.idx.msk [tilespmem:v12+s21+$0x0], $0xffff  }
0x37c: {  	v3 =	vadd.f32 v10, v3  }
0x37d: {  	v13 =	vld.idx.msk [tilespmem:v13+s21+$0x0], $0xffff  }
0x37e: {  	v3 =	vadd.f32 v11, v3  }
0x37f: {  	v14 =	vld.idx.msk [tilespmem:v14+s21+$0x0], $0xffff  }
0x380: {  	v3 =	vadd.f32 v12, v3  }
0x381: {  	v15 =	vld.idx.msk [tilespmem:v15+s21+$0x0], $0xffff  }
0x382: {  	v3 =	vadd.f32 v13, v3  }
0x383: {  	v16 =	vld.idx.msk [tilespmem:v16+s21+$0x0], $0xffff  }
0x384: {  	v3 =	vadd.f32 v14, v3  }
0x385: {  	v17 =	vld.idx.msk [tilespmem:v17+s21+$0x0], $0xffff  }
0x386: {  	v3 =	vadd.f32 v15, v3  }
0x387: {  	v18 =	vld.idx.msk [tilespmem:v18+s21+$0x0], $0xffff  }
0x388: {  	v3 =	vadd.f32 v16, v3;
	_ =	sdelay $0x1  }
0x389: {  	v3 =	vadd.f32 v17, v3;
	_ =	sdelay $0x1  }
0x38a: {  	v3 =	vadd.f32 v18, v3;
	_ =	sdelay $0x1  }
0x38b: {  	[tilespmem:s31+$0x5020] =	vst v3  }
0x38c: {  	v3 =	vld.idx.msk [tilespmem:v19+s21+$0x0], $0xffff;
	_ =	sdelay $0x1  }
0x38d: {  	v20 =	vld.idx.msk [tilespmem:v20+s21+$0x0], $0xffff;
	_ =	sdelay $0x1  }
0x38e: {  	v21 =	vld.idx.msk [tilespmem:v21+s21+$0x0], $0xffff  }
0x38f: {  	v3 =	vadd.f32 $0.0e+00, v3  }
0x390: {  	v22 =	vld.idx.msk [tilespmem:v22+s21+$0x0], $0xffff  }
0x391: {  	v3 =	vadd.f32 v20, v3  }
0x392: {  	v23 =	vld.idx.msk [tilespmem:v23+s21+$0x0], $0xffff  }
0x393: {  	v3 =	vadd.f32 v21, v3  }
0x394: {  	v24 =	vld.idx.msk [tilespmem:v24+s21+$0x0], $0xffff  }
0x395: {  	v3 =	vadd.f32 v22, v3  }
0x396: {  	v25 =	vld.idx.msk [tilespmem:v25+s21+$0x0], $0xffff  }
0x397: {  	v3 =	vadd.f32 v23, v3  }
0x398: {  	v26 =	vld.idx.msk [tilespmem:v26+s21+$0x0], $0xffff  }
0x399: {  	v3 =	vadd.f32 v24, v3  }
0x39a: {  	v27 =	vld.idx.msk [tilespmem:v27+s21+$0x0], $0xffff  }
0x39b: {  	v3 =	vadd.f32 v25, v3  }
0x39c: {  	v28 =	vld.idx.msk [tilespmem:v28+s21+$0x0], $0xffff  }
0x39d: {  	v3 =	vadd.f32 v26, v3  }
0x39e: {  	v29 =	vld.idx.msk [tilespmem:v29+s21+$0x0], $0xffff  }
0x39f: {  	v3 =	vadd.f32 v27, v3  }
0x3a0: {  	v30 =	vld.idx.msk [tilespmem:v30+s21+$0x0], $0xffff  }
0x3a1: {  	v3 =	vadd.f32 v28, v3  }
0x3a2: {  	v31 =	vld.idx.msk [tilespmem:v31+s21+$0x0], $0xffff  }
0x3a3: {  	v3 =	vadd.f32 v29, v3  }
0x3a4: {  	v32 =	vld.idx.msk [tilespmem:v32+s21+$0x0], $0xffff  }
0x3a5: {  	v3 =	vadd.f32 v30, v3  }
0x3a6: {  	v33 =	vld.idx.msk [tilespmem:v33+s21+$0x0], $0xffff  }
0x3a7: {  	v3 =	vadd.f32 v31, v3  }
0x3a8: {  	v34 =	vld.idx.msk [tilespmem:v34+s21+$0x0], $0xffff  }
0x3a9: {  	v3 =	vadd.f32 v32, v3;
	_ =	sdelay $0x1  }
0x3aa: {  	v3 =	vadd.f32 v33, v3;
	_ =	sdelay $0x1  }
0x3ab: {  	v3 =	vadd.f32 v34, v3;
	_ =	sdelay $0x1  }
0x3ac: {  	[tilespmem:s31+$0x5030] =	vst v3  }
0x3ad: {  	v3 =	vld.idx.msk [tilespmem:v35+s21+$0x0], $0xffff;
	_ =	sdelay $0x1  }
0x3ae: {  	v36 =	vld.idx.msk [tilespmem:v36+s21+$0x0], $0xffff;
	_ =	sdelay $0x1  }
0x3af: {  	v37 =	vld.idx.msk [tilespmem:v37+s21+$0x0], $0xffff  }
0x3b0: {  	v3 =	vadd.f32 $0.0e+00, v3  }
0x3b1: {  	v38 =	vld.idx.msk [tilespmem:v38+s21+$0x0], $0xffff  }
0x3b2: {  	v3 =	vadd.f32 v36, v3  }
0x3b3: {  	v39 =	vld.idx.msk [tilespmem:v39+s21+$0x0], $0xffff  }
0x3b4: {  	v3 =	vadd.f32 v37, v3  }
0x3b5: {  	v40 =	vld.idx.msk [tilespmem:v40+s21+$0x0], $0xffff  }
0x3b6: {  	v3 =	vadd.f32 v38, v3  }
0x3b7: {  	v41 =	vld.idx.msk [tilespmem:v41+s21+$0x0], $0xffff  }
0x3b8: {  	v3 =	vadd.f32 v39, v3  }
0x3b9: {  	v42 =	vld.idx.msk [tilespmem:v42+s21+$0x0], $0xffff  }
0x3ba: {  	v3 =	vadd.f32 v40, v3  }
0x3bb: {  	v51 =	vld.idx.msk [tilespmem:v43+s21+$0x0], $0xffff  }
0x3bc: {  	v3 =	vadd.f32 v41, v3  }
0x3bd: {  	v52 =	vld.idx.msk [tilespmem:v44+s21+$0x0], $0xffff  }
0x3be: {  	v3 =	vadd.f32 v42, v3  }
0x3bf: {  	v53 =	vld.idx.msk [tilespmem:v45+s21+$0x0], $0xffff  }
0x3c0: {  	v3 =	vadd.f32 v51, v3  }
0x3c1: {  	v54 =	vld.idx.msk [tilespmem:v46+s21+$0x0], $0xffff  }
0x3c2: {  	v3 =	vadd.f32 v52, v3  }
0x3c3: {  	v55 =	vld.idx.msk [tilespmem:v47+s21+$0x0], $0xffff  }
0x3c4: {  	v3 =	vadd.f32 v53, v3  }
0x3c5: {  	v56 =	vld.idx.msk [tilespmem:v48+s21+$0x0], $0xffff  }
0x3c6: {  	v3 =	vadd.f32 v54, v3  }
0x3c7: {  	v57 =	vld.idx.msk [tilespmem:v49+s21+$0x0], $0xffff  }
0x3c8: {  	v3 =	vadd.f32 v55, v3  }
0x3c9: {  	v58 =	vld.idx.msk [tilespmem:v50+s21+$0x0], $0xffff  }
0x3ca: {  	v3 =	vadd.f32 v56, v3;
	_ =	sdelay $0x1  }
.Ltmp5:
0x3cb: {  	v3 =	vadd.f32 v57, v3;
	(pc) =	sbr.rel @p0 .LBB2_10-.Ltmp5, $3  }
0x3cc: {  	_ = 	snop  }
0x3cd: {  	v3 =	vadd.f32 v58, v3;
	_ =	sdelay $0x1  }
0x3ce: {  	[tilespmem:s31+$0x5040] =	vst v3  }
.Ltmp6:
0x3cf: {  	s2 =	smin.u32 s28, $0x2470;
	(pc) =	sbr.rel .LBB2_2-.Ltmp6, $4  }
0x3d0: {  	s28 =	sadd.s32 $0x230, s2  }
0x3d1: {  	[tilespmem:s17], [sflag:$0x3] =	stream.indirect.gather [hbm4b:s0+s10], $0x80, s28, s10, $0xb8;
	[tilespmem:$0x1CF00] =	vst v63  }
0x3d2: {  	s26 =	sadd.s32 $0x1, s26;
	s2 =	sadd.s32 $0x29B0, s2  }
0x3d3: {  	[tilespmem:s19], [sflag:$0x3] =	stream.indirect.gather [hbm4b:s0+s10], $0x80, s2, s10, $0xb8;
	[tilespmem:$0x1CF00] =	vst v63  }
.LBB2_11:
0x3d4: {  	_ =	sfence.sel $0x180000  }
0x3d5: {  	[bflag:$0x0] =	sbarrier.arrive $0xFFFF  }
0x3d6: {  	_ =	strace $0x90000047  }
0x3d7: {  	[bflag:$0x2] =	sbarrier.arrive $0xFFFF  }
0x3d8: {  	p0 =	sne.s32 s1, $0x0;
	s0 =	rddreg [dreg:$0x3]  }
0x3d9: {  	s0 =	sadd.s32 @!p0 $0x100000, s0  }
0x3da: {  	[sflag:s0] =	ssyncadd.tile.s32 @!p0 $0x1;
	_ =	shalt  }
.Lfunc_end2:
_tile_overlayer_lowered:
.L_overlay_start_2:
0x3db: {  	(tag) =	ssettag $0x2  }
0x3dc: {  	s0 =	rddreg [dreg:$0x0];
	s2 =	stileid.u32  }
0x3dd: {  	s1 =	rddreg [dreg:$0x1];
	p0 =	sne.s32 s2, $0x0  }
0x3de: {  	s3 =	rddreg [dreg:$0x2];
	[bflag:$0x3] =	sbarrier.arrive $0xFFFF;
	s2 =	simm.s32 @!p0 $0x1C04  }
0x3df: {  	[timem:s3], [sflag:s2] =	dma.local @!p0 [hbm:s0], s1  }
0x3e0: {  	s0 =	simm.s32 @!p0 $0x4  }
0x3e1: {  	_ =	swait.ge @!p0 [sflag:s0], s1  }
0x3e2: {  	s1 =	ssub.s32 @!p0 $0x0, s1;
	[sflag:s0] =	ssyncset.done @!p0 $0x0  }
0x3e3: {  	[sflag:s0] =	ssyncadd.s32 @!p0 s1  }
0x3e4: {  	[bflag:$0x3] =	sbarrier.arrive $0xFFFF  }
0x3e5: {  	_ =	shalt  }

</sc_bundles>
